<compile_context>
chip_gen: v7x
topology: tpu7x:2x2x1
jax: 0.10.2.dev20260603
libtpu: 0.0.44.dev20260713+nightly
codegen_flags: <defaults>
</compile_context>

<pallas_src>
import functools

import jax
import jax.numpy as jnp
from jax import lax
from jax.experimental import pallas as pl
from jax.experimental.pallas import tpu as pltpu
from jax.experimental.pallas import tpu_sc as plsc

N = 10000
E = 320000
D_IN = 128
H = 64

NC = 2
NS = 16
NW = NC * NS
CHUNK = 128
NCHT = E // CHUNK
NCH_LO = NCHT // NW
NW_HI = NCHT - NCH_LO * NW
RPS = N // NS
DEG_W = 8


def _edge_agg(width, with_gather):
    mesh = plsc.VectorSubcoreMesh(core_axis_name="c", subcore_axis_name="s")

    @functools.partial(
        pl.kernel,
        mesh=mesh,
        compiler_params=pltpu.CompilerParams(use_tc_tiling_on_sc=False),
        out_type=jax.ShapeDtypeStruct((NC, N, width), jnp.float32),
        scratch_types=[
            pltpu.VMEM((NCH_LO + 1, CHUNK), jnp.int32),
            pltpu.VMEM((NCH_LO + 1, CHUNK), jnp.int32),
            pltpu.VMEM((2, CHUNK, width), jnp.float32),
            pltpu.VMEM_SHARED((N, width), jnp.float32),
            pltpu.VMEM_SHARED((N, width), jnp.float32)
            if with_gather else pltpu.VMEM((8,), jnp.float32),
            pltpu.SemaphoreType.DMA,
            pltpu.SemaphoreType.DMA,
            pltpu.SemaphoreType.DMA,
            pltpu.SemaphoreType.DMA,
        ],
    )
    def k(table_hbm, edges_hbm, zeros_hbm, out_hbm,
          src_i, dst_i, rows_v, acc, table_s, gs0, gs1, ss0, ss1):
        c = lax.axis_index("c")
        s = lax.axis_index("s")
        wid = c * NS + s
        has_extra = wid < NW_HI
        cb = wid * NCH_LO + jnp.minimum(wid, NW_HI)
        r0 = s * RPS
        pltpu.sync_copy(zeros_hbm.at[pl.ds(r0, RPS)], acc.at[pl.ds(r0, RPS)])
        pltpu.sync_copy(edges_hbm.at[1, pl.ds(cb, NCH_LO)],
                        dst_i.at[pl.ds(0, NCH_LO)])
        if with_gather:
            pltpu.sync_copy(edges_hbm.at[0, pl.ds(cb, NCH_LO)],
                            src_i.at[pl.ds(0, NCH_LO)])
            pltpu.sync_copy(table_hbm.at[pl.ds(r0, RPS)],
                            table_s.at[pl.ds(r0, RPS)])
        else:
            pltpu.sync_copy(table_hbm, rows_v.at[0])

        @pl.when(has_extra)
        def _():
            pltpu.sync_copy(edges_hbm.at[1, pl.ds(cb + NCH_LO, 1)],
                            dst_i.at[pl.ds(NCH_LO, 1)])
            if with_gather:
                pltpu.sync_copy(edges_hbm.at[0, pl.ds(cb + NCH_LO, 1)],
                                src_i.at[pl.ds(NCH_LO, 1)])

        plsc.subcore_barrier()

        gsem = (gs0, gs1)
        ssem = (ss0, ss1)

        def gather(j, b):
            return pltpu.make_async_copy(
                table_s.at[src_i.at[j]], rows_v.at[b], gsem[b])

        def scatter(j, b):
            return pltpu.make_async_copy(
                rows_v.at[b], acc.at[dst_i.at[j]], ssem[b])

        if with_gather:
            gather(0, 0).start()

            def body(j, carry):
                gather(j + 1, 1).start()
                gather(j, 0).wait()
                scatter(j, 0).start(add=True)
                scatter(j, 0).wait()

                @pl.when(j + 2 < NCH_LO)
                def _():
                    gather(j + 2, 0).start()

                gather(j + 1, 1).wait()
                scatter(j + 1, 1).start(add=True)
                scatter(j + 1, 1).wait()
                return carry

            lax.fori_loop(0, NCH_LO // 2, lambda i, c_: body(2 * i, c_), 0)

            @pl.when(has_extra)
            def _():
                gather(NCH_LO, 0).start()
                gather(NCH_LO, 0).wait()
                scatter(NCH_LO, 0).start(add=True)
                scatter(NCH_LO, 0).wait()
        else:
            def sc_deg(j, sm):
                return pltpu.make_async_copy(
                    rows_v.at[0], acc.at[dst_i.at[j]], sm)

            def body(j, carry):
                sc_deg(j, ss0).start(add=True)
                sc_deg(j + 1, ss1).start(add=True)
                sc_deg(j, ss0).wait()
                sc_deg(j + 1, ss1).wait()
                return carry

            lax.fori_loop(0, NCH_LO // 2, lambda i, c_: body(2 * i, c_), 0)

            @pl.when(has_extra)
            def _():
                sc_deg(NCH_LO, ss0).start(add=True)
                sc_deg(NCH_LO, ss0).wait()

        plsc.subcore_barrier()
        pltpu.sync_copy(acc.at[pl.ds(r0, RPS)],
                        out_hbm.at[c, pl.ds(r0, RPS)])

    return k


_agg64 = _edge_agg(H, True)
_agg32 = _edge_agg(H // 2, True)
_agg_deg = _edge_agg(DEG_W, False)



def _tc_in(x_ref, wint_ref, bin_ref, w1t_ref, hw1_ref):
    h = jnp.dot(x_ref[...], wint_ref[...], preferred_element_type=jnp.float32)
    h = jnp.maximum(h + bin_ref[...], 0.0)
    hw1_ref[...] = jnp.dot(h, w1t_ref[...], preferred_element_type=jnp.float32)


def _tc_dinv(deg_ref, hw1_ref, dinv_ref, p1_ref):
    deg = deg_ref[0, :, 0:1] + deg_ref[1, :, 0:1] + 1.0
    dinv = lax.rsqrt(deg)
    dinv_ref[...] = dinv
    p1_ref[...] = hw1_ref[...] * dinv


def _tc_mid(q_ref, p_ref, dinv_ref, b_ref, g_ref, be_ref, rm_ref, rv_ref,
            res_ref, wt_ref, h_ref, pn_ref, *, residual):
    dinv = dinv_ref[...]
    agg = dinv * (q_ref[0] + q_ref[1] + p_ref[...]) + b_ref[...]
    bn = (agg - rm_ref[...]) * (g_ref[...] * lax.rsqrt(rv_ref[...] + 1e-5)) \
        + be_ref[...]
    h = jnp.maximum(bn, 0.0)
    if residual:
        h = h + res_ref[...]
    h_ref[...] = h
    pn_ref[...] = dinv * jnp.dot(h, wt_ref[...],
                                 preferred_element_type=jnp.float32)


def _tc_head(q_ref, p_ref, dinv_ref, b_ref, wht_ref, bh_ref, scale_ref,
             out_ref):
    dinv = dinv_ref[...]
    h3 = jnp.maximum(dinv * (q_ref[0] + q_ref[1] + p_ref[...]) + b_ref[...],
                     0.0)
    y = jnp.dot(h3, wht_ref[...], preferred_element_type=jnp.float32)
    out_ref[...] = jnp.tanh(y + bh_ref[...]) * scale_ref[...]


def _dense(body, out_shapes, *args):
    return pl.pallas_call(body, out_shape=out_shapes)(*args)


def kernel(x, edge_index, W_in, b_in, W1, b1, W2, b2, W3, b3, Wh, bh,
           g1, be1, rm1, rv1, g2, be2, rm2, rv2, scale):
    f32 = jnp.float32
    edges = jnp.reshape(edge_index, (2, NCHT, CHUNK))

    zeros64 = jnp.zeros((N, H), f32)
    zeros32 = jnp.zeros((N, H // 2), f32)
    zerosdg = jnp.zeros((N, DEG_W), f32)
    ones_blk = jnp.ones((CHUNK, DEG_W), f32)

    row = lambda v: jnp.reshape(v, (1, -1))

    deg_parts = _agg_deg(ones_blk, edges, zerosdg)

    hw1 = _dense(_tc_in, jax.ShapeDtypeStruct((N, H), f32),
                 x, W_in.T, row(b_in), W1.T)

    dinv, p1 = _dense(_tc_dinv,
                      (jax.ShapeDtypeStruct((N, 1), f32),
                       jax.ShapeDtypeStruct((N, H), f32)),
                      deg_parts, hw1)

    q1 = _agg64(p1, edges, zeros64)
    h1, p2 = _dense(functools.partial(_tc_mid, residual=False),
                    (jax.ShapeDtypeStruct((N, H), f32),
                     jax.ShapeDtypeStruct((N, H), f32)),
                    q1, p1, dinv, row(b1), row(g1), row(be1), row(rm1),
                    row(rv1), zeros64, W2.T)

    q2 = _agg64(p2, edges, zeros64)
    _, p3 = _dense(functools.partial(_tc_mid, residual=True),
                   (jax.ShapeDtypeStruct((N, H), f32),
                    jax.ShapeDtypeStruct((N, H // 2), f32)),
                   q2, p2, dinv, row(b2), row(g2), row(be2), row(rm2),
                   row(rv2), h1, W3.T)

    q3 = _agg32(p3, edges, zeros32)
    out = _dense(_tc_head, jax.ShapeDtypeStruct((N, 1), f32),
                 q3, p3, dinv, row(b3), Wh.T, row(bh),
                 jnp.reshape(scale, (1, 1)))
    return out

# --- scband reference (transcript-rebuilt; emitter-appended) ---
"""Pipeline reference for scband-accessibility-gnncorrector-66065186947677 (READ-ONLY COPY).

The authoritative reference and input builder live on the scoring server;
editing this copy changes nothing except your own understanding.
"""

import jax, jax.numpy as jnp
import numpy as np

N = 10000
E = 320000
D_IN = 128
H = 64


def _dense_params(key, out_dim, in_dim):
    k1, k2 = jax.random.split(key)
    bound = 1.0 / np.sqrt(in_dim)
    W = jax.random.uniform(k1, (out_dim, in_dim), minval=-bound, maxval=bound, dtype=jnp.float32)
    b = jax.random.uniform(k2, (out_dim,), minval=-bound, maxval=bound, dtype=jnp.float32)
    return W, b


def setup_inputs(seed: int = 0) -> dict:
    key = jax.random.key(seed)
    ks = jax.random.split(key, 12)
    x = jax.random.normal(ks[0], (N, D_IN), dtype=jnp.float32)
    edge_index = jax.random.randint(ks[1], (2, E), 0, N, dtype=jnp.int32)
    W_in, b_in = _dense_params(ks[2], H, D_IN)
    W1, b1 = _dense_params(ks[3], H, H)
    W2, b2 = _dense_params(ks[4], H, H)
    W3, b3 = _dense_params(ks[5], H // 2, H)
    Wh, bh = _dense_params(ks[6], 1, H // 2)
    g1 = jnp.ones((H,), jnp.float32); be1 = jnp.zeros((H,), jnp.float32)
    rm1 = jnp.zeros((H,), jnp.float32); rv1 = jnp.ones((H,), jnp.float32)
    g2 = jnp.ones((H,), jnp.float32); be2 = jnp.zeros((H,), jnp.float32)
    rm2 = jnp.zeros((H,), jnp.float32); rv2 = jnp.ones((H,), jnp.float32)
    scale = jnp.float32(0.1)
    return {"x": x, "edge_index": edge_index, "W_in": W_in, "b_in": b_in,
            "W1": W1, "b1": b1, "W2": W2, "b2": b2, "W3": W3, "b3": b3,
            "Wh": Wh, "bh": bh, "g1": g1, "be1": be1, "rm1": rm1, "rv1": rv1,
            "g2": g2, "be2": be2, "rm2": rm2, "rv2": rv2, "scale": scale}


def _gcn_norm(src, dst, num_nodes):
    # PyG gcn_norm with add_self_loops=True, edge_weight=1
    loop = jnp.arange(num_nodes, dtype=src.dtype)
    row = jnp.concatenate([src, loop])
    col = jnp.concatenate([dst, loop])
    deg = jnp.zeros((num_nodes,), jnp.float32).at[col].add(1.0)
    dinv = jnp.where(deg > 0, jax.lax.rsqrt(jnp.maximum(deg, 1e-12)), 0.0)
    norm = dinv[row] * dinv[col]
    return row, col, norm


def _gcn_conv(h, W, b, row, col, norm, num_nodes):
    h = h @ W.T
    msg = h[row] * norm[:, None]
    out = jax.ops.segment_sum(msg, col, num_segments=num_nodes)
    return out + b


def _bn_eval(x, gamma, beta, rm, rv, eps=1e-5):
    return (x - rm) * gamma / jnp.sqrt(rv + eps) + beta


def reference(x, edge_index, W_in, b_in, W1, b1, W2, b2, W3, b3, Wh, bh,
              g1, be1, rm1, rv1, g2, be2, rm2, rv2, scale):
    n = x.shape[0]
    src, dst = edge_index[0], edge_index[1]
    row, col, norm = _gcn_norm(src, dst, n)
    h = jax.nn.relu(x @ W_in.T + b_in)
    h1 = _gcn_conv(h, W1, b1, row, col, norm, n)
    h1 = jax.nn.relu(_bn_eval(h1, g1, be1, rm1, rv1))
    # dropout: eval mode -> identity
    h2 = _gcn_conv(h1, W2, b2, row, col, norm, n)
    h2 = jax.nn.relu(_bn_eval(h2, g2, be2, rm2, rv2))
    h2 = h2 + h1
    h3 = jax.nn.relu(_gcn_conv(h2, W3, b3, row, col, norm, n))
    corrections = jnp.tanh(h3 @ Wh.T + bh) * scale
    return corrections

if __name__ == "__main__":
    import jax
    _d = setup_inputs()
    print(jax.jit(kernel)(*tuple(_d.values())))

</pallas_src>

<mosaic_0001>
#map = affine_map<(d0, d1) -> (0, 0)>
#map1 = affine_map<(d0, d1) -> (0, 0, 0)>
module attributes {stable_mosaic.version = 14 : i64} {
  func.func @k(%arg0: i32, %arg1: i32, %arg2: memref<10000x32xf32, #tpu.memory_space<hbm>>, %arg3: memref<2x2500x128xi32, #tpu.memory_space<hbm>>, %arg4: memref<10000x32xf32, #tpu.memory_space<hbm>>, %arg5: memref<2x10000x32xf32, #tpu.memory_space<hbm>>, %arg6: memref<79x128xi32, #tpu.memory_space<vmem>>, %arg7: memref<79x128xi32, #tpu.memory_space<vmem>>, %arg8: memref<2x128x32xf32, #tpu.memory_space<vmem>>, %arg9: memref<10000x32xf32, #tpu.memory_space<vmem_shared>>, %arg10: memref<10000x32xf32, #tpu.memory_space<vmem_shared>>, %arg11: memref<!tpu.dma_semaphore, #tpu.memory_space<semaphore_mem>>, %arg12: memref<!tpu.dma_semaphore, #tpu.memory_space<semaphore_mem>>, %arg13: memref<!tpu.dma_semaphore, #tpu.memory_space<semaphore_mem>>, %arg14: memref<!tpu.dma_semaphore, #tpu.memory_space<semaphore_mem>>) attributes {dimension_semantics = [#tpu.dimension_semantics<core_parallel>, #tpu.dimension_semantics<subcore_parallel>], iteration_bounds = array<i64: 2, 16>, scalar_prefetch = 0 : i64, scratch_operands = 9 : i64, tpu.core_type = #tpu.core_type<sc_vector_subcore>, window_params = [{transform_indices = #map}, {transform_indices = #map1}, {transform_indices = #map}, {transform_indices = #map1}]} {
    %mul3A = arith.constant 16 : i32
    %mul3A_0 = arith.muli %arg0, %mul3A : i32
    %add3A = arith.addi %mul3A_0, %arg1 : i32
    %lt3A = arith.constant 4 : i32
    %lt3A_1 = arith.cmpi slt, %add3A, %lt3A : i32
    %mul3A_2 = arith.constant 78 : i32
    %mul3A_3 = arith.muli %add3A, %mul3A_2 : i32
    %min3A = arith.constant 4 : i32
    %min3A_4 = arith.minsi %add3A, %min3A : i32
    %add3A_5 = arith.addi %mul3A_3, %min3A_4 : i32
    %mul3A_6 = arith.constant 625 : i32
    %mul3A_7 = arith.muli %arg1, %mul3A_6 : i32
    "tpu.region"() ({
      %run_scoped3A_30 = tpu.sem_alloc : memref<!tpu.dma_semaphore, #tpu.memory_space<semaphore_mem>>
      %dma_start3A_31 = arith.constant 0 : i32
      %dma_start3A_32 = tpu.memref_slice %arg9[%mul3A_7, %dma_start3A_31] : memref<10000x32xf32, #tpu.memory_space<vmem_shared>> -> memref<625x32xf32, #tpu.memory_space<vmem_shared>>
      %dma_start3A_33 = arith.constant 0 : i32
      %dma_start3A_34 = tpu.memref_slice %arg4[%mul3A_7, %dma_start3A_33] : memref<10000x32xf32, #tpu.memory_space<hbm>> -> memref<625x32xf32, #tpu.memory_space<hbm>>
      tpu.enqueue_dma source(%dma_start3A_34 : memref<625x32xf32, #tpu.memory_space<hbm>>) target(%dma_start3A_32 : memref<625x32xf32, #tpu.memory_space<vmem_shared>>) target_semaphore(%run_scoped3A_30 : memref<!tpu.dma_semaphore, #tpu.memory_space<semaphore_mem>>)
      %dma_wait3A = arith.constant 0 : i32
      %dma_wait3A_35 = tpu.memref_slice %arg9[%mul3A_7, %dma_wait3A] : memref<10000x32xf32, #tpu.memory_space<vmem_shared>> -> memref<625x32xf32, #tpu.memory_space<vmem_shared>>
      %dma_wait3A_36 = arith.constant 0 : i32
      %dma_wait3A_37 = tpu.memref_slice %arg4[%mul3A_7, %dma_wait3A_36] : memref<10000x32xf32, #tpu.memory_space<hbm>> -> memref<625x32xf32, #tpu.memory_space<hbm>>
      tpu.wait_dma2 semaphore(%run_scoped3A_30 : memref<!tpu.dma_semaphore, #tpu.memory_space<semaphore_mem>>) src(%dma_wait3A_37 : memref<625x32xf32, #tpu.memory_space<hbm>>) dst(%dma_wait3A_35 : memref<625x32xf32, #tpu.memory_space<vmem_shared>>)
      tpu.yield
    }) : () -> ()
    %run_scoped3A = arith.constant 1 : i32
    "tpu.region"() ({
      %run_scoped3A_30 = tpu.sem_alloc : memref<!tpu.dma_semaphore, #tpu.memory_space<semaphore_mem>>
      %dma_start3A_31 = arith.constant 0 : i32
      %dma_start3A_32 = arith.constant 0 : i32
      %dma_start3A_33 = tpu.memref_slice %arg7[%dma_start3A_31, %dma_start3A_32] : memref<79x128xi32, #tpu.memory_space<vmem>> -> memref<78x128xi32, #tpu.memory_space<vmem>>
      %dma_start3A_34 = arith.constant 0 : i32
      %dma_start3A_35 = tpu.memref_slice %arg3[%run_scoped3A, %add3A_5, %dma_start3A_34] : memref<2x2500x128xi32, #tpu.memory_space<hbm>> -> memref<1x78x128xi32, #tpu.memory_space<hbm>>
      %dma_start3A_36 = tpu.memref_squeeze %dma_start3A_35 : memref<1x78x128xi32, #tpu.memory_space<hbm>> -> memref<78x128xi32, #tpu.memory_space<hbm>>
      %dma_start3A_37 = arith.constant 0 : i32
      %dma_start3A_38 = arith.constant 0 : i32
      %dma_start3A_39 = tpu.memref_slice %arg7[%dma_start3A_37, %dma_start3A_38] : memref<79x128xi32, #tpu.memory_space<vmem>> -> memref<78x128xi32, #tpu.memory_space<vmem>>
      %dma_start3A_40 = arith.constant 0 : i32
      %dma_start3A_41 = tpu.memref_slice %arg3[%run_scoped3A, %add3A_5, %dma_start3A_40] : memref<2x2500x128xi32, #tpu.memory_space<hbm>> -> memref<1x78x128xi32, #tpu.memory_space<hbm>>
      %dma_start3A_42 = tpu.memref_squeeze %dma_start3A_41 : memref<1x78x128xi32, #tpu.memory_space<hbm>> -> memref<78x128xi32, #tpu.memory_space<hbm>>
      tpu.enqueue_dma source(%dma_start3A_42 : memref<78x128xi32, #tpu.memory_space<hbm>>) target(%dma_start3A_39 : memref<78x128xi32, #tpu.memory_space<vmem>>) target_semaphore(%run_scoped3A_30 : memref<!tpu.dma_semaphore, #tpu.memory_space<semaphore_mem>>)
      %dma_wait3A = arith.constant 0 : i32
      %dma_wait3A_43 = arith.constant 0 : i32
      %dma_wait3A_44 = tpu.memref_slice %arg7[%dma_wait3A, %dma_wait3A_43] : memref<79x128xi32, #tpu.memory_space<vmem>> -> memref<78x128xi32, #tpu.memory_space<vmem>>
      %dma_wait3A_45 = arith.constant 0 : i32
      %dma_wait3A_46 = tpu.memref_slice %arg3[%run_scoped3A, %add3A_5, %dma_wait3A_45] : memref<2x2500x128xi32, #tpu.memory_space<hbm>> -> memref<1x78x128xi32, #tpu.memory_space<hbm>>
      %dma_wait3A_47 = tpu.memref_squeeze %dma_wait3A_46 : memref<1x78x128xi32, #tpu.memory_space<hbm>> -> memref<78x128xi32, #tpu.memory_space<hbm>>
      %dma_wait3A_48 = arith.constant 0 : i32
      %dma_wait3A_49 = arith.constant 0 : i32
      %dma_wait3A_50 = tpu.memref_slice %arg7[%dma_wait3A_48, %dma_wait3A_49] : memref<79x128xi32, #tpu.memory_space<vmem>> -> memref<78x128xi32, #tpu.memory_space<vmem>>
      %dma_wait3A_51 = arith.constant 0 : i32
      %dma_wait3A_52 = tpu.memref_slice %arg3[%run_scoped3A, %add3A_5, %dma_wait3A_51] : memref<2x2500x128xi32, #tpu.memory_space<hbm>> -> memref<1x78x128xi32, #tpu.memory_space<hbm>>
      %dma_wait3A_53 = tpu.memref_squeeze %dma_wait3A_52 : memref<1x78x128xi32, #tpu.memory_space<hbm>> -> memref<78x128xi32, #tpu.memory_space<hbm>>
      tpu.wait_dma2 semaphore(%run_scoped3A_30 : memref<!tpu.dma_semaphore, #tpu.memory_space<semaphore_mem>>) src(%dma_wait3A_53 : memref<78x128xi32, #tpu.memory_space<hbm>>) dst(%dma_wait3A_50 : memref<78x128xi32, #tpu.memory_space<vmem>>)
      tpu.yield
    }) : () -> ()
    %run_scoped3A_8 = arith.constant 0 : i32
    "tpu.region"() ({
      %run_scoped3A_30 = tpu.sem_alloc : memref<!tpu.dma_semaphore, #tpu.memory_space<semaphore_mem>>
      %dma_start3A_31 = arith.constant 0 : i32
      %dma_start3A_32 = arith.constant 0 : i32
      %dma_start3A_33 = tpu.memref_slice %arg6[%dma_start3A_31, %dma_start3A_32] : memref<79x128xi32, #tpu.memory_space<vmem>> -> memref<78x128xi32, #tpu.memory_space<vmem>>
      %dma_start3A_34 = arith.constant 0 : i32
      %dma_start3A_35 = tpu.memref_slice %arg3[%run_scoped3A_8, %add3A_5, %dma_start3A_34] : memref<2x2500x128xi32, #tpu.memory_space<hbm>> -> memref<1x78x128xi32, #tpu.memory_space<hbm>>
      %dma_start3A_36 = tpu.memref_squeeze %dma_start3A_35 : memref<1x78x128xi32, #tpu.memory_space<hbm>> -> memref<78x128xi32, #tpu.memory_space<hbm>>
      %dma_start3A_37 = arith.constant 0 : i32
      %dma_start3A_38 = arith.constant 0 : i32
      %dma_start3A_39 = tpu.memref_slice %arg6[%dma_start3A_37, %dma_start3A_38] : memref<79x128xi32, #tpu.memory_space<vmem>> -> memref<78x128xi32, #tpu.memory_space<vmem>>
      %dma_start3A_40 = arith.constant 0 : i32
      %dma_start3A_41 = tpu.memref_slice %arg3[%run_scoped3A_8, %add3A_5, %dma_start3A_40] : memref<2x2500x128xi32, #tpu.memory_space<hbm>> -> memref<1x78x128xi32, #tpu.memory_space<hbm>>
      %dma_start3A_42 = tpu.memref_squeeze %dma_start3A_41 : memref<1x78x128xi32, #tpu.memory_space<hbm>> -> memref<78x128xi32, #tpu.memory_space<hbm>>
      tpu.enqueue_dma source(%dma_start3A_42 : memref<78x128xi32, #tpu.memory_space<hbm>>) target(%dma_start3A_39 : memref<78x128xi32, #tpu.memory_space<vmem>>) target_semaphore(%run_scoped3A_30 : memref<!tpu.dma_semaphore, #tpu.memory_space<semaphore_mem>>)
      %dma_wait3A = arith.constant 0 : i32
      %dma_wait3A_43 = arith.constant 0 : i32
      %dma_wait3A_44 = tpu.memref_slice %arg6[%dma_wait3A, %dma_wait3A_43] : memref<79x128xi32, #tpu.memory_space<vmem>> -> memref<78x128xi32, #tpu.memory_space<vmem>>
      %dma_wait3A_45 = arith.constant 0 : i32
      %dma_wait3A_46 = tpu.memref_slice %arg3[%run_scoped3A_8, %add3A_5, %dma_wait3A_45] : memref<2x2500x128xi32, #tpu.memory_space<hbm>> -> memref<1x78x128xi32, #tpu.memory_space<hbm>>
      %dma_wait3A_47 = tpu.memref_squeeze %dma_wait3A_46 : memref<1x78x128xi32, #tpu.memory_space<hbm>> -> memref<78x128xi32, #tpu.memory_space<hbm>>
      %dma_wait3A_48 = arith.constant 0 : i32
      %dma_wait3A_49 = arith.constant 0 : i32
      %dma_wait3A_50 = tpu.memref_slice %arg6[%dma_wait3A_48, %dma_wait3A_49] : memref<79x128xi32, #tpu.memory_space<vmem>> -> memref<78x128xi32, #tpu.memory_space<vmem>>
      %dma_wait3A_51 = arith.constant 0 : i32
      %dma_wait3A_52 = tpu.memref_slice %arg3[%run_scoped3A_8, %add3A_5, %dma_wait3A_51] : memref<2x2500x128xi32, #tpu.memory_space<hbm>> -> memref<1x78x128xi32, #tpu.memory_space<hbm>>
      %dma_wait3A_53 = tpu.memref_squeeze %dma_wait3A_52 : memref<1x78x128xi32, #tpu.memory_space<hbm>> -> memref<78x128xi32, #tpu.memory_space<hbm>>
      tpu.wait_dma2 semaphore(%run_scoped3A_30 : memref<!tpu.dma_semaphore, #tpu.memory_space<semaphore_mem>>) src(%dma_wait3A_53 : memref<78x128xi32, #tpu.memory_space<hbm>>) dst(%dma_wait3A_50 : memref<78x128xi32, #tpu.memory_space<vmem>>)
      tpu.yield
    }) : () -> ()
    "tpu.region"() ({
      %run_scoped3A_30 = tpu.sem_alloc : memref<!tpu.dma_semaphore, #tpu.memory_space<semaphore_mem>>
      %dma_start3A_31 = arith.constant 0 : i32
      %dma_start3A_32 = tpu.memref_slice %arg10[%mul3A_7, %dma_start3A_31] : memref<10000x32xf32, #tpu.memory_space<vmem_shared>> -> memref<625x32xf32, #tpu.memory_space<vmem_shared>>
      %dma_start3A_33 = arith.constant 0 : i32
      %dma_start3A_34 = tpu.memref_slice %arg2[%mul3A_7, %dma_start3A_33] : memref<10000x32xf32, #tpu.memory_space<hbm>> -> memref<625x32xf32, #tpu.memory_space<hbm>>
      tpu.enqueue_dma source(%dma_start3A_34 : memref<625x32xf32, #tpu.memory_space<hbm>>) target(%dma_start3A_32 : memref<625x32xf32, #tpu.memory_space<vmem_shared>>) target_semaphore(%run_scoped3A_30 : memref<!tpu.dma_semaphore, #tpu.memory_space<semaphore_mem>>)
      %dma_wait3A = arith.constant 0 : i32
      %dma_wait3A_35 = tpu.memref_slice %arg10[%mul3A_7, %dma_wait3A] : memref<10000x32xf32, #tpu.memory_space<vmem_shared>> -> memref<625x32xf32, #tpu.memory_space<vmem_shared>>
      %dma_wait3A_36 = arith.constant 0 : i32
      %dma_wait3A_37 = tpu.memref_slice %arg2[%mul3A_7, %dma_wait3A_36] : memref<10000x32xf32, #tpu.memory_space<hbm>> -> memref<625x32xf32, #tpu.memory_space<hbm>>
      tpu.wait_dma2 semaphore(%run_scoped3A_30 : memref<!tpu.dma_semaphore, #tpu.memory_space<semaphore_mem>>) src(%dma_wait3A_37 : memref<625x32xf32, #tpu.memory_space<hbm>>) dst(%dma_wait3A_35 : memref<625x32xf32, #tpu.memory_space<vmem_shared>>)
      tpu.yield
    }) : () -> ()
    %convert_element_type3A = arith.extui %lt3A_1 : i1 to i32
    %cond3A = arith.constant 0 : i32
    %cond3A_9 = arith.cmpi ne, %convert_element_type3A, %cond3A : i32
    scf.if %cond3A_9 {
      %add3A_30 = arith.constant 78 : i32
      %add3A_31 = arith.addi %add3A_5, %add3A_30 : i32
      %run_scoped3A_32 = arith.constant 1 : i32
      "tpu.region"() ({
        %run_scoped3A_36 = tpu.sem_alloc : memref<!tpu.dma_semaphore, #tpu.memory_space<semaphore_mem>>
        %dma_start3A_37 = arith.constant 78 : i32
        %dma_start3A_38 = arith.constant 0 : i32
        %dma_start3A_39 = tpu.memref_slice %arg7[%dma_start3A_37, %dma_start3A_38] : memref<79x128xi32, #tpu.memory_space<vmem>> -> memref<1x128xi32, #tpu.memory_space<vmem>>
        %dma_start3A_40 = arith.constant 0 : i32
        %dma_start3A_41 = tpu.memref_slice %arg3[%run_scoped3A_32, %add3A_31, %dma_start3A_40] : memref<2x2500x128xi32, #tpu.memory_space<hbm>> -> memref<1x1x128xi32, #tpu.memory_space<hbm>>
        %dma_start3A_42 = tpu.memref_squeeze %dma_start3A_41 : memref<1x1x128xi32, #tpu.memory_space<hbm>> -> memref<1x128xi32, #tpu.memory_space<hbm>>
        %dma_start3A_43 = arith.constant 78 : i32
        %dma_start3A_44 = arith.constant 0 : i32
        %dma_start3A_45 = tpu.memref_slice %arg7[%dma_start3A_43, %dma_start3A_44] : memref<79x128xi32, #tpu.memory_space<vmem>> -> memref<1x128xi32, #tpu.memory_space<vmem>>
        %dma_start3A_46 = arith.constant 0 : i32
        %dma_start3A_47 = tpu.memref_slice %arg3[%run_scoped3A_32, %add3A_31, %dma_start3A_46] : memref<2x2500x128xi32, #tpu.memory_space<hbm>> -> memref<1x1x128xi32, #tpu.memory_space<hbm>>
        %dma_start3A_48 = tpu.memref_squeeze %dma_start3A_47 : memref<1x1x128xi32, #tpu.memory_space<hbm>> -> memref<1x128xi32, #tpu.memory_space<hbm>>
        tpu.enqueue_dma source(%dma_start3A_48 : memref<1x128xi32, #tpu.memory_space<hbm>>) target(%dma_start3A_45 : memref<1x128xi32, #tpu.memory_space<vmem>>) target_semaphore(%run_scoped3A_36 : memref<!tpu.dma_semaphore, #tpu.memory_space<semaphore_mem>>)
        %dma_wait3A = arith.constant 78 : i32
        %dma_wait3A_49 = arith.constant 0 : i32
        %dma_wait3A_50 = tpu.memref_slice %arg7[%dma_wait3A, %dma_wait3A_49] : memref<79x128xi32, #tpu.memory_space<vmem>> -> memref<1x128xi32, #tpu.memory_space<vmem>>
        %dma_wait3A_51 = arith.constant 0 : i32
        %dma_wait3A_52 = tpu.memref_slice %arg3[%run_scoped3A_32, %add3A_31, %dma_wait3A_51] : memref<2x2500x128xi32, #tpu.memory_space<hbm>> -> memref<1x1x128xi32, #tpu.memory_space<hbm>>
        %dma_wait3A_53 = tpu.memref_squeeze %dma_wait3A_52 : memref<1x1x128xi32, #tpu.memory_space<hbm>> -> memref<1x128xi32, #tpu.memory_space<hbm>>
        %dma_wait3A_54 = arith.constant 78 : i32
        %dma_wait3A_55 = arith.constant 0 : i32
        %dma_wait3A_56 = tpu.memref_slice %arg7[%dma_wait3A_54, %dma_wait3A_55] : memref<79x128xi32, #tpu.memory_space<vmem>> -> memref<1x128xi32, #tpu.memory_space<vmem>>
        %dma_wait3A_57 = arith.constant 0 : i32
        %dma_wait3A_58 = tpu.memref_slice %arg3[%run_scoped3A_32, %add3A_31, %dma_wait3A_57] : memref<2x2500x128xi32, #tpu.memory_space<hbm>> -> memref<1x1x128xi32, #tpu.memory_space<hbm>>
        %dma_wait3A_59 = tpu.memref_squeeze %dma_wait3A_58 : memref<1x1x128xi32, #tpu.memory_space<hbm>> -> memref<1x128xi32, #tpu.memory_space<hbm>>
        tpu.wait_dma2 semaphore(%run_scoped3A_36 : memref<!tpu.dma_semaphore, #tpu.memory_space<semaphore_mem>>) src(%dma_wait3A_59 : memref<1x128xi32, #tpu.memory_space<hbm>>) dst(%dma_wait3A_56 : memref<1x128xi32, #tpu.memory_space<vmem>>)
        tpu.yield
      }) : () -> ()
      %add3A_33 = arith.constant 78 : i32
      %add3A_34 = arith.addi %add3A_5, %add3A_33 : i32
      %run_scoped3A_35 = arith.constant 0 : i32
      "tpu.region"() ({
        %run_scoped3A_36 = tpu.sem_alloc : memref<!tpu.dma_semaphore, #tpu.memory_space<semaphore_mem>>
        %dma_start3A_37 = arith.constant 78 : i32
        %dma_start3A_38 = arith.constant 0 : i32
        %dma_start3A_39 = tpu.memref_slice %arg6[%dma_start3A_37, %dma_start3A_38] : memref<79x128xi32, #tpu.memory_space<vmem>> -> memref<1x128xi32, #tpu.memory_space<vmem>>
        %dma_start3A_40 = arith.constant 0 : i32
        %dma_start3A_41 = tpu.memref_slice %arg3[%run_scoped3A_35, %add3A_34, %dma_start3A_40] : memref<2x2500x128xi32, #tpu.memory_space<hbm>> -> memref<1x1x128xi32, #tpu.memory_space<hbm>>
        %dma_start3A_42 = tpu.memref_squeeze %dma_start3A_41 : memref<1x1x128xi32, #tpu.memory_space<hbm>> -> memref<1x128xi32, #tpu.memory_space<hbm>>
        %dma_start3A_43 = arith.constant 78 : i32
        %dma_start3A_44 = arith.constant 0 : i32
        %dma_start3A_45 = tpu.memref_slice %arg6[%dma_start3A_43, %dma_start3A_44] : memref<79x128xi32, #tpu.memory_space<vmem>> -> memref<1x128xi32, #tpu.memory_space<vmem>>
        %dma_start3A_46 = arith.constant 0 : i32
        %dma_start3A_47 = tpu.memref_slice %arg3[%run_scoped3A_35, %add3A_34, %dma_start3A_46] : memref<2x2500x128xi32, #tpu.memory_space<hbm>> -> memref<1x1x128xi32, #tpu.memory_space<hbm>>
        %dma_start3A_48 = tpu.memref_squeeze %dma_start3A_47 : memref<1x1x128xi32, #tpu.memory_space<hbm>> -> memref<1x128xi32, #tpu.memory_space<hbm>>
        tpu.enqueue_dma source(%dma_start3A_48 : memref<1x128xi32, #tpu.memory_space<hbm>>) target(%dma_start3A_45 : memref<1x128xi32, #tpu.memory_space<vmem>>) target_semaphore(%run_scoped3A_36 : memref<!tpu.dma_semaphore, #tpu.memory_space<semaphore_mem>>)
        %dma_wait3A = arith.constant 78 : i32
        %dma_wait3A_49 = arith.constant 0 : i32
        %dma_wait3A_50 = tpu.memref_slice %arg6[%dma_wait3A, %dma_wait3A_49] : memref<79x128xi32, #tpu.memory_space<vmem>> -> memref<1x128xi32, #tpu.memory_space<vmem>>
        %dma_wait3A_51 = arith.constant 0 : i32
        %dma_wait3A_52 = tpu.memref_slice %arg3[%run_scoped3A_35, %add3A_34, %dma_wait3A_51] : memref<2x2500x128xi32, #tpu.memory_space<hbm>> -> memref<1x1x128xi32, #tpu.memory_space<hbm>>
        %dma_wait3A_53 = tpu.memref_squeeze %dma_wait3A_52 : memref<1x1x128xi32, #tpu.memory_space<hbm>> -> memref<1x128xi32, #tpu.memory_space<hbm>>
        %dma_wait3A_54 = arith.constant 78 : i32
        %dma_wait3A_55 = arith.constant 0 : i32
        %dma_wait3A_56 = tpu.memref_slice %arg6[%dma_wait3A_54, %dma_wait3A_55] : memref<79x128xi32, #tpu.memory_space<vmem>> -> memref<1x128xi32, #tpu.memory_space<vmem>>
        %dma_wait3A_57 = arith.constant 0 : i32
        %dma_wait3A_58 = tpu.memref_slice %arg3[%run_scoped3A_35, %add3A_34, %dma_wait3A_57] : memref<2x2500x128xi32, #tpu.memory_space<hbm>> -> memref<1x1x128xi32, #tpu.memory_space<hbm>>
        %dma_wait3A_59 = tpu.memref_squeeze %dma_wait3A_58 : memref<1x1x128xi32, #tpu.memory_space<hbm>> -> memref<1x128xi32, #tpu.memory_space<hbm>>
        tpu.wait_dma2 semaphore(%run_scoped3A_36 : memref<!tpu.dma_semaphore, #tpu.memory_space<semaphore_mem>>) src(%dma_wait3A_59 : memref<1x128xi32, #tpu.memory_space<hbm>>) dst(%dma_wait3A_56 : memref<1x128xi32, #tpu.memory_space<vmem>>)
        tpu.yield
      }) : () -> ()
    } else {
    }
    %barrier3A = arith.constant 0 : index
    tpu.barrier barrier_id(%barrier3A)
    %dma_start3A = arith.constant 0 : i32
    %dma_start3A_10 = arith.constant 0 : i32
    %dma_start3A_11 = arith.constant 0 : i32
    %dma_start3A_12 = arith.constant 0 : i32
    %dma_start3A_13 = tpu.memref_slice %arg8[%dma_start3A_10, %dma_start3A_11, %dma_start3A_12] : memref<2x128x32xf32, #tpu.memory_space<vmem>> -> memref<1x128x32xf32, #tpu.memory_space<vmem>>
    %dma_start3A_14 = tpu.memref_squeeze %dma_start3A_13 : memref<1x128x32xf32, #tpu.memory_space<vmem>> -> memref<128x32xf32, #tpu.memory_space<vmem>>
    %dma_start3A_15 = arith.constant 0 : i32
    %dma_start3A_16 = tpu.memref_slice %arg6[%dma_start3A, %dma_start3A_15] : memref<79x128xi32, #tpu.memory_space<vmem>> -> memref<1x128xi32, #tpu.memory_space<vmem>>
    %dma_start3A_17 = tpu.memref_squeeze %dma_start3A_16 : memref<1x128xi32, #tpu.memory_space<vmem>> -> memref<128xi32, #tpu.memory_space<vmem>>
    %dma_start3A_18 = arith.constant 0 : i32
    %dma_start3A_19 = arith.constant 0 : i32
    %dma_start3A_20 = tpu.memref_slice %arg10[%dma_start3A_18, %dma_start3A_19] : memref<10000x32xf32, #tpu.memory_space<vmem_shared>> -> memref<10000x32xf32, #tpu.memory_space<vmem_shared>>
    tpu.enqueue_indirect_dma source(%dma_start3A_20 : memref<10000x32xf32, #tpu.memory_space<vmem_shared>>) target(%dma_start3A_14 : memref<128x32xf32, #tpu.memory_space<vmem>>) offsets(%dma_start3A_17 : memref<128xi32, #tpu.memory_space<vmem>>) semaphore(%arg11 : memref<!tpu.dma_semaphore, #tpu.memory_space<semaphore_mem>>)
    %scan3A = arith.constant 0 : i32
    %scan3A_21 = arith.constant 0 : i32
    %scan3A_22 = arith.constant 39 : i32
    %scan3A_23 = arith.addi %scan3A_21, %scan3A_22 : i32
    %scan3A_24 = arith.constant 1 : i32
    scf.for %scan3A_30 = %scan3A_21 to %scan3A_23 step %scan3A_24  : i32 {
      %mul3A_31 = arith.constant 2 : i32
      %mul3A_32 = arith.muli %mul3A_31, %scan3A_30 : i32
      %add3A_33 = arith.constant 1 : i32
      %add3A_34 = arith.addi %mul3A_32, %add3A_33 : i32
      %dma_start3A_35 = arith.constant 1 : i32
      %dma_start3A_36 = arith.constant 0 : i32
      %dma_start3A_37 = arith.constant 0 : i32
      %dma_start3A_38 = tpu.memref_slice %arg8[%dma_start3A_35, %dma_start3A_36, %dma_start3A_37] : memref<2x128x32xf32, #tpu.memory_space<vmem>> -> memref<1x128x32xf32, #tpu.memory_space<vmem>>
      %dma_start3A_39 = tpu.memref_squeeze %dma_start3A_38 : memref<1x128x32xf32, #tpu.memory_space<vmem>> -> memref<128x32xf32, #tpu.memory_space<vmem>>
      %dma_start3A_40 = arith.constant 0 : i32
      %dma_start3A_41 = tpu.memref_slice %arg6[%add3A_34, %dma_start3A_40] : memref<79x128xi32, #tpu.memory_space<vmem>> -> memref<1x128xi32, #tpu.memory_space<vmem>>
      %dma_start3A_42 = tpu.memref_squeeze %dma_start3A_41 : memref<1x128xi32, #tpu.memory_space<vmem>> -> memref<128xi32, #tpu.memory_space<vmem>>
      %dma_start3A_43 = arith.constant 0 : i32
      %dma_start3A_44 = arith.constant 0 : i32
      %dma_start3A_45 = tpu.memref_slice %arg10[%dma_start3A_43, %dma_start3A_44] : memref<10000x32xf32, #tpu.memory_space<vmem_shared>> -> memref<10000x32xf32, #tpu.memory_space<vmem_shared>>
      tpu.enqueue_indirect_dma source(%dma_start3A_45 : memref<10000x32xf32, #tpu.memory_space<vmem_shared>>) target(%dma_start3A_39 : memref<128x32xf32, #tpu.memory_space<vmem>>) offsets(%dma_start3A_42 : memref<128xi32, #tpu.memory_space<vmem>>) semaphore(%arg12 : memref<!tpu.dma_semaphore, #tpu.memory_space<semaphore_mem>>)
      %dma_wait3A = arith.constant 0 : i32
      %dma_wait3A_46 = arith.constant 0 : i32
      %dma_wait3A_47 = arith.constant 0 : i32
      %dma_wait3A_48 = tpu.memref_slice %arg8[%dma_wait3A, %dma_wait3A_46, %dma_wait3A_47] : memref<2x128x32xf32, #tpu.memory_space<vmem>> -> memref<1x128x32xf32, #tpu.memory_space<vmem>>
      %dma_wait3A_49 = tpu.memref_squeeze %dma_wait3A_48 : memref<1x128x32xf32, #tpu.memory_space<vmem>> -> memref<128x32xf32, #tpu.memory_space<vmem>>
      %dma_wait3A_50 = arith.constant 0 : i32
      %dma_wait3A_51 = tpu.memref_slice %arg6[%mul3A_32, %dma_wait3A_50] : memref<79x128xi32, #tpu.memory_space<vmem>> -> memref<1x128xi32, #tpu.memory_space<vmem>>
      %dma_wait3A_52 = tpu.memref_squeeze %dma_wait3A_51 : memref<1x128xi32, #tpu.memory_space<vmem>> -> memref<128xi32, #tpu.memory_space<vmem>>
      %dma_wait3A_53 = arith.constant 0 : i32
      %dma_wait3A_54 = arith.constant 0 : i32
      %dma_wait3A_55 = tpu.memref_slice %arg10[%dma_wait3A_53, %dma_wait3A_54] : memref<10000x32xf32, #tpu.memory_space<vmem_shared>> -> memref<10000x32xf32, #tpu.memory_space<vmem_shared>>
      tpu.wait_indirect_dma semaphore(%arg11 : memref<!tpu.dma_semaphore, #tpu.memory_space<semaphore_mem>>) src(%dma_wait3A_55 : memref<10000x32xf32, #tpu.memory_space<vmem_shared>>) dst(%dma_wait3A_49 : memref<128x32xf32, #tpu.memory_space<vmem>>)
      %dma_start3A_56 = arith.constant 0 : i32
      %dma_start3A_57 = arith.constant 0 : i32
      %dma_start3A_58 = arith.constant 0 : i32
      %dma_start3A_59 = tpu.memref_slice %arg8[%dma_start3A_56, %dma_start3A_57, %dma_start3A_58] : memref<2x128x32xf32, #tpu.memory_space<vmem>> -> memref<1x128x32xf32, #tpu.memory_space<vmem>>
      %dma_start3A_60 = tpu.memref_squeeze %dma_start3A_59 : memref<1x128x32xf32, #tpu.memory_space<vmem>> -> memref<128x32xf32, #tpu.memory_space<vmem>>
      %dma_start3A_61 = arith.constant 0 : i32
      %dma_start3A_62 = tpu.memref_slice %arg7[%mul3A_32, %dma_start3A_61] : memref<79x128xi32, #tpu.memory_space<vmem>> -> memref<1x128xi32, #tpu.memory_space<vmem>>
      %dma_start3A_63 = tpu.memref_squeeze %dma_start3A_62 : memref<1x128xi32, #tpu.memory_space<vmem>> -> memref<128xi32, #tpu.memory_space<vmem>>
      %dma_start3A_64 = arith.constant 0 : i32
      %dma_start3A_65 = arith.constant 0 : i32
      %dma_start3A_66 = tpu.memref_slice %arg9[%dma_start3A_64, %dma_start3A_65] : memref<10000x32xf32, #tpu.memory_space<vmem_shared>> -> memref<10000x32xf32, #tpu.memory_space<vmem_shared>>
      tpu.enqueue_indirect_dma source(%dma_start3A_60 : memref<128x32xf32, #tpu.memory_space<vmem>>) target(%dma_start3A_66 : memref<10000x32xf32, #tpu.memory_space<vmem_shared>>) offsets(%dma_start3A_63 : memref<128xi32, #tpu.memory_space<vmem>>) semaphore(%arg13 : memref<!tpu.dma_semaphore, #tpu.memory_space<semaphore_mem>>) {add = true}
      %dma_wait3A_67 = arith.constant 0 : i32
      %dma_wait3A_68 = arith.constant 0 : i32
      %dma_wait3A_69 = arith.constant 0 : i32
      %dma_wait3A_70 = tpu.memref_slice %arg8[%dma_wait3A_67, %dma_wait3A_68, %dma_wait3A_69] : memref<2x128x32xf32, #tpu.memory_space<vmem>> -> memref<1x128x32xf32, #tpu.memory_space<vmem>>
      %dma_wait3A_71 = tpu.memref_squeeze %dma_wait3A_70 : memref<1x128x32xf32, #tpu.memory_space<vmem>> -> memref<128x32xf32, #tpu.memory_space<vmem>>
      %dma_wait3A_72 = arith.constant 0 : i32
      %dma_wait3A_73 = tpu.memref_slice %arg7[%mul3A_32, %dma_wait3A_72] : memref<79x128xi32, #tpu.memory_space<vmem>> -> memref<1x128xi32, #tpu.memory_space<vmem>>
      %dma_wait3A_74 = tpu.memref_squeeze %dma_wait3A_73 : memref<1x128xi32, #tpu.memory_space<vmem>> -> memref<128xi32, #tpu.memory_space<vmem>>
      %dma_wait3A_75 = arith.constant 0 : i32
      %dma_wait3A_76 = arith.constant 0 : i32
      %dma_wait3A_77 = tpu.memref_slice %arg9[%dma_wait3A_75, %dma_wait3A_76] : memref<10000x32xf32, #tpu.memory_space<vmem_shared>> -> memref<10000x32xf32, #tpu.memory_space<vmem_shared>>
      tpu.wait_indirect_dma semaphore(%arg13 : memref<!tpu.dma_semaphore, #tpu.memory_space<semaphore_mem>>) src(%dma_wait3A_71 : memref<128x32xf32, #tpu.memory_space<vmem>>) dst(%dma_wait3A_77 : memref<10000x32xf32, #tpu.memory_space<vmem_shared>>)
      %add3A_78 = arith.constant 2 : i32
      %add3A_79 = arith.addi %mul3A_32, %add3A_78 : i32
      %lt3A_80 = arith.constant 78 : i32
      %lt3A_81 = arith.cmpi slt, %add3A_79, %lt3A_80 : i32
      %convert_element_type3A_82 = arith.extui %lt3A_81 : i1 to i32
      %cond3A_83 = arith.constant 0 : i32
      %cond3A_84 = arith.cmpi ne, %convert_element_type3A_82, %cond3A_83 : i32
      scf.if %cond3A_84 {
        %add3A_124 = arith.constant 2 : i32
        %add3A_125 = arith.addi %mul3A_32, %add3A_124 : i32
        %dma_start3A_126 = arith.constant 0 : i32
        %dma_start3A_127 = arith.constant 0 : i32
        %dma_start3A_128 = arith.constant 0 : i32
        %dma_start3A_129 = tpu.memref_slice %arg8[%dma_start3A_126, %dma_start3A_127, %dma_start3A_128] : memref<2x128x32xf32, #tpu.memory_space<vmem>> -> memref<1x128x32xf32, #tpu.memory_space<vmem>>
        %dma_start3A_130 = tpu.memref_squeeze %dma_start3A_129 : memref<1x128x32xf32, #tpu.memory_space<vmem>> -> memref<128x32xf32, #tpu.memory_space<vmem>>
        %dma_start3A_131 = arith.constant 0 : i32
        %dma_start3A_132 = tpu.memref_slice %arg6[%add3A_125, %dma_start3A_131] : memref<79x128xi32, #tpu.memory_space<vmem>> -> memref<1x128xi32, #tpu.memory_space<vmem>>
        %dma_start3A_133 = tpu.memref_squeeze %dma_start3A_132 : memref<1x128xi32, #tpu.memory_space<vmem>> -> memref<128xi32, #tpu.memory_space<vmem>>
        %dma_start3A_134 = arith.constant 0 : i32
        %dma_start3A_135 = arith.constant 0 : i32
        %dma_start3A_136 = tpu.memref_slice %arg10[%dma_start3A_134, %dma_start3A_135] : memref<10000x32xf32, #tpu.memory_space<vmem_shared>> -> memref<10000x32xf32, #tpu.memory_space<vmem_shared>>
        tpu.enqueue_indirect_dma source(%dma_start3A_136 : memref<10000x32xf32, #tpu.memory_space<vmem_shared>>) target(%dma_start3A_130 : memref<128x32xf32, #tpu.memory_space<vmem>>) offsets(%dma_start3A_133 : memref<128xi32, #tpu.memory_space<vmem>>) semaphore(%arg11 : memref<!tpu.dma_semaphore, #tpu.memory_space<semaphore_mem>>)
      } else {
      }
      %add3A_85 = arith.constant 1 : i32
      %add3A_86 = arith.addi %mul3A_32, %add3A_85 : i32
      %dma_wait3A_87 = arith.constant 1 : i32
      %dma_wait3A_88 = arith.constant 0 : i32
      %dma_wait3A_89 = arith.constant 0 : i32
      %dma_wait3A_90 = tpu.memref_slice %arg8[%dma_wait3A_87, %dma_wait3A_88, %dma_wait3A_89] : memref<2x128x32xf32, #tpu.memory_space<vmem>> -> memref<1x128x32xf32, #tpu.memory_space<vmem>>
      %dma_wait3A_91 = tpu.memref_squeeze %dma_wait3A_90 : memref<1x128x32xf32, #tpu.memory_space<vmem>> -> memref<128x32xf32, #tpu.memory_space<vmem>>
      %dma_wait3A_92 = arith.constant 0 : i32
      %dma_wait3A_93 = tpu.memref_slice %arg6[%add3A_86, %dma_wait3A_92] : memref<79x128xi32, #tpu.memory_space<vmem>> -> memref<1x128xi32, #tpu.memory_space<vmem>>
      %dma_wait3A_94 = tpu.memref_squeeze %dma_wait3A_93 : memref<1x128xi32, #tpu.memory_space<vmem>> -> memref<128xi32, #tpu.memory_space<vmem>>
      %dma_wait3A_95 = arith.constant 0 : i32
      %dma_wait3A_96 = arith.constant 0 : i32
      %dma_wait3A_97 = tpu.memref_slice %arg10[%dma_wait3A_95, %dma_wait3A_96] : memref<10000x32xf32, #tpu.memory_space<vmem_shared>> -> memref<10000x32xf32, #tpu.memory_space<vmem_shared>>
      tpu.wait_indirect_dma semaphore(%arg12 : memref<!tpu.dma_semaphore, #tpu.memory_space<semaphore_mem>>) src(%dma_wait3A_97 : memref<10000x32xf32, #tpu.memory_space<vmem_shared>>) dst(%dma_wait3A_91 : memref<128x32xf32, #tpu.memory_space<vmem>>)
      %add3A_98 = arith.constant 1 : i32
      %add3A_99 = arith.addi %mul3A_32, %add3A_98 : i32
      %dma_start3A_100 = arith.constant 1 : i32
      %dma_start3A_101 = arith.constant 0 : i32
      %dma_start3A_102 = arith.constant 0 : i32
      %dma_start3A_103 = tpu.memref_slice %arg8[%dma_start3A_100, %dma_start3A_101, %dma_start3A_102] : memref<2x128x32xf32, #tpu.memory_space<vmem>> -> memref<1x128x32xf32, #tpu.memory_space<vmem>>
      %dma_start3A_104 = tpu.memref_squeeze %dma_start3A_103 : memref<1x128x32xf32, #tpu.memory_space<vmem>> -> memref<128x32xf32, #tpu.memory_space<vmem>>
      %dma_start3A_105 = arith.constant 0 : i32
      %dma_start3A_106 = tpu.memref_slice %arg7[%add3A_99, %dma_start3A_105] : memref<79x128xi32, #tpu.memory_space<vmem>> -> memref<1x128xi32, #tpu.memory_space<vmem>>
      %dma_start3A_107 = tpu.memref_squeeze %dma_start3A_106 : memref<1x128xi32, #tpu.memory_space<vmem>> -> memref<128xi32, #tpu.memory_space<vmem>>
      %dma_start3A_108 = arith.constant 0 : i32
      %dma_start3A_109 = arith.constant 0 : i32
      %dma_start3A_110 = tpu.memref_slice %arg9[%dma_start3A_108, %dma_start3A_109] : memref<10000x32xf32, #tpu.memory_space<vmem_shared>> -> memref<10000x32xf32, #tpu.memory_space<vmem_shared>>
      tpu.enqueue_indirect_dma source(%dma_start3A_104 : memref<128x32xf32, #tpu.memory_space<vmem>>) target(%dma_start3A_110 : memref<10000x32xf32, #tpu.memory_space<vmem_shared>>) offsets(%dma_start3A_107 : memref<128xi32, #tpu.memory_space<vmem>>) semaphore(%arg14 : memref<!tpu.dma_semaphore, #tpu.memory_space<semaphore_mem>>) {add = true}
      %add3A_111 = arith.constant 1 : i32
      %add3A_112 = arith.addi %mul3A_32, %add3A_111 : i32
      %dma_wait3A_113 = arith.constant 1 : i32
      %dma_wait3A_114 = arith.constant 0 : i32
      %dma_wait3A_115 = arith.constant 0 : i32
      %dma_wait3A_116 = tpu.memref_slice %arg8[%dma_wait3A_113, %dma_wait3A_114, %dma_wait3A_115] : memref<2x128x32xf32, #tpu.memory_space<vmem>> -> memref<1x128x32xf32, #tpu.memory_space<vmem>>
      %dma_wait3A_117 = tpu.memref_squeeze %dma_wait3A_116 : memref<1x128x32xf32, #tpu.memory_space<vmem>> -> memref<128x32xf32, #tpu.memory_space<vmem>>
      %dma_wait3A_118 = arith.constant 0 : i32
      %dma_wait3A_119 = tpu.memref_slice %arg7[%add3A_112, %dma_wait3A_118] : memref<79x128xi32, #tpu.memory_space<vmem>> -> memref<1x128xi32, #tpu.memory_space<vmem>>
      %dma_wait3A_120 = tpu.memref_squeeze %dma_wait3A_119 : memref<1x128xi32, #tpu.memory_space<vmem>> -> memref<128xi32, #tpu.memory_space<vmem>>
      %dma_wait3A_121 = arith.constant 0 : i32
      %dma_wait3A_122 = arith.constant 0 : i32
      %dma_wait3A_123 = tpu.memref_slice %arg9[%dma_wait3A_121, %dma_wait3A_122] : memref<10000x32xf32, #tpu.memory_space<vmem_shared>> -> memref<10000x32xf32, #tpu.memory_space<vmem_shared>>
      tpu.wait_indirect_dma semaphore(%arg14 : memref<!tpu.dma_semaphore, #tpu.memory_space<semaphore_mem>>) src(%dma_wait3A_117 : memref<128x32xf32, #tpu.memory_space<vmem>>) dst(%dma_wait3A_123 : memref<10000x32xf32, #tpu.memory_space<vmem_shared>>)
    }
    %scan3A_25 = arith.constant 39 : i32
    %convert_element_type3A_26 = arith.extui %lt3A_1 : i1 to i32
    %cond3A_27 = arith.constant 0 : i32
    %cond3A_28 = arith.cmpi ne, %convert_element_type3A_26, %cond3A_27 : i32
    scf.if %cond3A_28 {
      %dma_start3A_30 = arith.constant 78 : i32
      %dma_start3A_31 = arith.constant 0 : i32
      %dma_start3A_32 = arith.constant 0 : i32
      %dma_start3A_33 = arith.constant 0 : i32
      %dma_start3A_34 = tpu.memref_slice %arg8[%dma_start3A_31, %dma_start3A_32, %dma_start3A_33] : memref<2x128x32xf32, #tpu.memory_space<vmem>> -> memref<1x128x32xf32, #tpu.memory_space<vmem>>
      %dma_start3A_35 = tpu.memref_squeeze %dma_start3A_34 : memref<1x128x32xf32, #tpu.memory_space<vmem>> -> memref<128x32xf32, #tpu.memory_space<vmem>>
      %dma_start3A_36 = arith.constant 0 : i32
      %dma_start3A_37 = tpu.memref_slice %arg6[%dma_start3A_30, %dma_start3A_36] : memref<79x128xi32, #tpu.memory_space<vmem>> -> memref<1x128xi32, #tpu.memory_space<vmem>>
      %dma_start3A_38 = tpu.memref_squeeze %dma_start3A_37 : memref<1x128xi32, #tpu.memory_space<vmem>> -> memref<128xi32, #tpu.memory_space<vmem>>
      %dma_start3A_39 = arith.constant 0 : i32
      %dma_start3A_40 = arith.constant 0 : i32
      %dma_start3A_41 = tpu.memref_slice %arg10[%dma_start3A_39, %dma_start3A_40] : memref<10000x32xf32, #tpu.memory_space<vmem_shared>> -> memref<10000x32xf32, #tpu.memory_space<vmem_shared>>
      tpu.enqueue_indirect_dma source(%dma_start3A_41 : memref<10000x32xf32, #tpu.memory_space<vmem_shared>>) target(%dma_start3A_35 : memref<128x32xf32, #tpu.memory_space<vmem>>) offsets(%dma_start3A_38 : memref<128xi32, #tpu.memory_space<vmem>>) semaphore(%arg11 : memref<!tpu.dma_semaphore, #tpu.memory_space<semaphore_mem>>)
      %dma_wait3A = arith.constant 78 : i32
      %dma_wait3A_42 = arith.constant 0 : i32
      %dma_wait3A_43 = arith.constant 0 : i32
      %dma_wait3A_44 = arith.constant 0 : i32
      %dma_wait3A_45 = tpu.memref_slice %arg8[%dma_wait3A_42, %dma_wait3A_43, %dma_wait3A_44] : memref<2x128x32xf32, #tpu.memory_space<vmem>> -> memref<1x128x32xf32, #tpu.memory_space<vmem>>
      %dma_wait3A_46 = tpu.memref_squeeze %dma_wait3A_45 : memref<1x128x32xf32, #tpu.memory_space<vmem>> -> memref<128x32xf32, #tpu.memory_space<vmem>>
      %dma_wait3A_47 = arith.constant 0 : i32
      %dma_wait3A_48 = tpu.memref_slice %arg6[%dma_wait3A, %dma_wait3A_47] : memref<79x128xi32, #tpu.memory_space<vmem>> -> memref<1x128xi32, #tpu.memory_space<vmem>>
      %dma_wait3A_49 = tpu.memref_squeeze %dma_wait3A_48 : memref<1x128xi32, #tpu.memory_space<vmem>> -> memref<128xi32, #tpu.memory_space<vmem>>
      %dma_wait3A_50 = arith.constant 0 : i32
      %dma_wait3A_51 = arith.constant 0 : i32
      %dma_wait3A_52 = tpu.memref_slice %arg10[%dma_wait3A_50, %dma_wait3A_51] : memref<10000x32xf32, #tpu.memory_space<vmem_shared>> -> memref<10000x32xf32, #tpu.memory_space<vmem_shared>>
      tpu.wait_indirect_dma semaphore(%arg11 : memref<!tpu.dma_semaphore, #tpu.memory_space<semaphore_mem>>) src(%dma_wait3A_52 : memref<10000x32xf32, #tpu.memory_space<vmem_shared>>) dst(%dma_wait3A_46 : memref<128x32xf32, #tpu.memory_space<vmem>>)
      %dma_start3A_53 = arith.constant 0 : i32
      %dma_start3A_54 = arith.constant 78 : i32
      %dma_start3A_55 = arith.constant 0 : i32
      %dma_start3A_56 = arith.constant 0 : i32
      %dma_start3A_57 = tpu.memref_slice %arg8[%dma_start3A_53, %dma_start3A_55, %dma_start3A_56] : memref<2x128x32xf32, #tpu.memory_space<vmem>> -> memref<1x128x32xf32, #tpu.memory_space<vmem>>
      %dma_start3A_58 = tpu.memref_squeeze %dma_start3A_57 : memref<1x128x32xf32, #tpu.memory_space<vmem>> -> memref<128x32xf32, #tpu.memory_space<vmem>>
      %dma_start3A_59 = arith.constant 0 : i32
      %dma_start3A_60 = tpu.memref_slice %arg7[%dma_start3A_54, %dma_start3A_59] : memref<79x128xi32, #tpu.memory_space<vmem>> -> memref<1x128xi32, #tpu.memory_space<vmem>>
      %dma_start3A_61 = tpu.memref_squeeze %dma_start3A_60 : memref<1x128xi32, #tpu.memory_space<vmem>> -> memref<128xi32, #tpu.memory_space<vmem>>
      %dma_start3A_62 = arith.constant 0 : i32
      %dma_start3A_63 = arith.constant 0 : i32
      %dma_start3A_64 = tpu.memref_slice %arg9[%dma_start3A_62, %dma_start3A_63] : memref<10000x32xf32, #tpu.memory_space<vmem_shared>> -> memref<10000x32xf32, #tpu.memory_space<vmem_shared>>
      tpu.enqueue_indirect_dma source(%dma_start3A_58 : memref<128x32xf32, #tpu.memory_space<vmem>>) target(%dma_start3A_64 : memref<10000x32xf32, #tpu.memory_space<vmem_shared>>) offsets(%dma_start3A_61 : memref<128xi32, #tpu.memory_space<vmem>>) semaphore(%arg13 : memref<!tpu.dma_semaphore, #tpu.memory_space<semaphore_mem>>) {add = true}
      %dma_wait3A_65 = arith.constant 0 : i32
      %dma_wait3A_66 = arith.constant 78 : i32
      %dma_wait3A_67 = arith.constant 0 : i32
      %dma_wait3A_68 = arith.constant 0 : i32
      %dma_wait3A_69 = tpu.memref_slice %arg8[%dma_wait3A_65, %dma_wait3A_67, %dma_wait3A_68] : memref<2x128x32xf32, #tpu.memory_space<vmem>> -> memref<1x128x32xf32, #tpu.memory_space<vmem>>
      %dma_wait3A_70 = tpu.memref_squeeze %dma_wait3A_69 : memref<1x128x32xf32, #tpu.memory_space<vmem>> -> memref<128x32xf32, #tpu.memory_space<vmem>>
      %dma_wait3A_71 = arith.constant 0 : i32
      %dma_wait3A_72 = tpu.memref_slice %arg7[%dma_wait3A_66, %dma_wait3A_71] : memref<79x128xi32, #tpu.memory_space<vmem>> -> memref<1x128xi32, #tpu.memory_space<vmem>>
      %dma_wait3A_73 = tpu.memref_squeeze %dma_wait3A_72 : memref<1x128xi32, #tpu.memory_space<vmem>> -> memref<128xi32, #tpu.memory_space<vmem>>
      %dma_wait3A_74 = arith.constant 0 : i32
      %dma_wait3A_75 = arith.constant 0 : i32
      %dma_wait3A_76 = tpu.memref_slice %arg9[%dma_wait3A_74, %dma_wait3A_75] : memref<10000x32xf32, #tpu.memory_space<vmem_shared>> -> memref<10000x32xf32, #tpu.memory_space<vmem_shared>>
      tpu.wait_indirect_dma semaphore(%arg13 : memref<!tpu.dma_semaphore, #tpu.memory_space<semaphore_mem>>) src(%dma_wait3A_70 : memref<128x32xf32, #tpu.memory_space<vmem>>) dst(%dma_wait3A_76 : memref<10000x32xf32, #tpu.memory_space<vmem_shared>>)
    } else {
    }
    %barrier3A_29 = arith.constant 0 : index
    tpu.barrier barrier_id(%barrier3A_29)
    "tpu.region"() ({
      %run_scoped3A_30 = tpu.sem_alloc : memref<!tpu.dma_semaphore, #tpu.memory_space<semaphore_mem>>
      %dma_start3A_31 = arith.constant 0 : i32
      %dma_start3A_32 = tpu.memref_slice %arg5[%arg0, %mul3A_7, %dma_start3A_31] : memref<2x10000x32xf32, #tpu.memory_space<hbm>> -> memref<1x625x32xf32, #tpu.memory_space<hbm>>
      %dma_start3A_33 = tpu.memref_squeeze %dma_start3A_32 : memref<1x625x32xf32, #tpu.memory_space<hbm>> -> memref<625x32xf32, #tpu.memory_space<hbm>>
      %dma_start3A_34 = arith.constant 0 : i32
      %dma_start3A_35 = tpu.memref_slice %arg9[%mul3A_7, %dma_start3A_34] : memref<10000x32xf32, #tpu.memory_space<vmem_shared>> -> memref<625x32xf32, #tpu.memory_space<vmem_shared>>
      tpu.enqueue_dma source(%dma_start3A_35 : memref<625x32xf32, #tpu.memory_space<vmem_shared>>) target(%dma_start3A_33 : memref<625x32xf32, #tpu.memory_space<hbm>>) target_semaphore(%run_scoped3A_30 : memref<!tpu.dma_semaphore, #tpu.memory_space<semaphore_mem>>)
      %dma_wait3A = arith.constant 0 : i32
      %dma_wait3A_36 = tpu.memref_slice %arg5[%arg0, %mul3A_7, %dma_wait3A] : memref<2x10000x32xf32, #tpu.memory_space<hbm>> -> memref<1x625x32xf32, #tpu.memory_space<hbm>>
      %dma_wait3A_37 = tpu.memref_squeeze %dma_wait3A_36 : memref<1x625x32xf32, #tpu.memory_space<hbm>> -> memref<625x32xf32, #tpu.memory_space<hbm>>
      %dma_wait3A_38 = arith.constant 0 : i32
      %dma_wait3A_39 = tpu.memref_slice %arg9[%mul3A_7, %dma_wait3A_38] : memref<10000x32xf32, #tpu.memory_space<vmem_shared>> -> memref<625x32xf32, #tpu.memory_space<vmem_shared>>
      tpu.wait_dma2 semaphore(%run_scoped3A_30 : memref<!tpu.dma_semaphore, #tpu.memory_space<semaphore_mem>>) src(%dma_wait3A_39 : memref<625x32xf32, #tpu.memory_space<vmem_shared>>) dst(%dma_wait3A_37 : memref<625x32xf32, #tpu.memory_space<hbm>>)
      tpu.yield
    }) : () -> ()
    return
  }
}

#map = affine_map<(d0, d1) -> (0, 0)>
#map1 = affine_map<(d0, d1) -> (0, 0, 0)>
module attributes {stable_mosaic.version = 14 : i64} {
  func.func @k(%arg0: i32, %arg1: i32, %arg2: memref<128x8xf32, #tpu.memory_space<hbm>>, %arg3: memref<2x2500x128xi32, #tpu.memory_space<hbm>>, %arg4: memref<10000x8xf32, #tpu.memory_space<hbm>>, %arg5: memref<2x10000x8xf32, #tpu.memory_space<hbm>>, %arg6: memref<79x128xi32, #tpu.memory_space<vmem>>, %arg7: memref<79x128xi32, #tpu.memory_space<vmem>>, %arg8: memref<2x128x8xf32, #tpu.memory_space<vmem>>, %arg9: memref<10000x8xf32, #tpu.memory_space<vmem_shared>>, %arg10: memref<8xf32, #tpu.memory_space<vmem>>, %arg11: memref<!tpu.dma_semaphore, #tpu.memory_space<semaphore_mem>>, %arg12: memref<!tpu.dma_semaphore, #tpu.memory_space<semaphore_mem>>, %arg13: memref<!tpu.dma_semaphore, #tpu.memory_space<semaphore_mem>>, %arg14: memref<!tpu.dma_semaphore, #tpu.memory_space<semaphore_mem>>) attributes {dimension_semantics = [#tpu.dimension_semantics<core_parallel>, #tpu.dimension_semantics<subcore_parallel>], iteration_bounds = array<i64: 2, 16>, scalar_prefetch = 0 : i64, scratch_operands = 9 : i64, tpu.core_type = #tpu.core_type<sc_vector_subcore>, window_params = [{transform_indices = #map}, {transform_indices = #map1}, {transform_indices = #map}, {transform_indices = #map1}]} {
    %mul3A = arith.constant 16 : i32
    %mul3A_0 = arith.muli %arg0, %mul3A : i32
    %add3A = arith.addi %mul3A_0, %arg1 : i32
    %lt3A = arith.constant 4 : i32
    %lt3A_1 = arith.cmpi slt, %add3A, %lt3A : i32
    %mul3A_2 = arith.constant 78 : i32
    %mul3A_3 = arith.muli %add3A, %mul3A_2 : i32
    %min3A = arith.constant 4 : i32
    %min3A_4 = arith.minsi %add3A, %min3A : i32
    %add3A_5 = arith.addi %mul3A_3, %min3A_4 : i32
    %mul3A_6 = arith.constant 625 : i32
    %mul3A_7 = arith.muli %arg1, %mul3A_6 : i32
    "tpu.region"() ({
      %run_scoped3A_19 = tpu.sem_alloc : memref<!tpu.dma_semaphore, #tpu.memory_space<semaphore_mem>>
      %dma_start3A = arith.constant 0 : i32
      %dma_start3A_20 = tpu.memref_slice %arg9[%mul3A_7, %dma_start3A] : memref<10000x8xf32, #tpu.memory_space<vmem_shared>> -> memref<625x8xf32, #tpu.memory_space<vmem_shared>>
      %dma_start3A_21 = arith.constant 0 : i32
      %dma_start3A_22 = tpu.memref_slice %arg4[%mul3A_7, %dma_start3A_21] : memref<10000x8xf32, #tpu.memory_space<hbm>> -> memref<625x8xf32, #tpu.memory_space<hbm>>
      tpu.enqueue_dma source(%dma_start3A_22 : memref<625x8xf32, #tpu.memory_space<hbm>>) target(%dma_start3A_20 : memref<625x8xf32, #tpu.memory_space<vmem_shared>>) target_semaphore(%run_scoped3A_19 : memref<!tpu.dma_semaphore, #tpu.memory_space<semaphore_mem>>)
      %dma_wait3A = arith.constant 0 : i32
      %dma_wait3A_23 = tpu.memref_slice %arg9[%mul3A_7, %dma_wait3A] : memref<10000x8xf32, #tpu.memory_space<vmem_shared>> -> memref<625x8xf32, #tpu.memory_space<vmem_shared>>
      %dma_wait3A_24 = arith.constant 0 : i32
      %dma_wait3A_25 = tpu.memref_slice %arg4[%mul3A_7, %dma_wait3A_24] : memref<10000x8xf32, #tpu.memory_space<hbm>> -> memref<625x8xf32, #tpu.memory_space<hbm>>
      tpu.wait_dma2 semaphore(%run_scoped3A_19 : memref<!tpu.dma_semaphore, #tpu.memory_space<semaphore_mem>>) src(%dma_wait3A_25 : memref<625x8xf32, #tpu.memory_space<hbm>>) dst(%dma_wait3A_23 : memref<625x8xf32, #tpu.memory_space<vmem_shared>>)
      tpu.yield
    }) : () -> ()
    %run_scoped3A = arith.constant 1 : i32
    "tpu.region"() ({
      %run_scoped3A_19 = tpu.sem_alloc : memref<!tpu.dma_semaphore, #tpu.memory_space<semaphore_mem>>
      %dma_start3A = arith.constant 0 : i32
      %dma_start3A_20 = arith.constant 0 : i32
      %dma_start3A_21 = tpu.memref_slice %arg7[%dma_start3A, %dma_start3A_20] : memref<79x128xi32, #tpu.memory_space<vmem>> -> memref<78x128xi32, #tpu.memory_space<vmem>>
      %dma_start3A_22 = arith.constant 0 : i32
      %dma_start3A_23 = tpu.memref_slice %arg3[%run_scoped3A, %add3A_5, %dma_start3A_22] : memref<2x2500x128xi32, #tpu.memory_space<hbm>> -> memref<1x78x128xi32, #tpu.memory_space<hbm>>
      %dma_start3A_24 = tpu.memref_squeeze %dma_start3A_23 : memref<1x78x128xi32, #tpu.memory_space<hbm>> -> memref<78x128xi32, #tpu.memory_space<hbm>>
      %dma_start3A_25 = arith.constant 0 : i32
      %dma_start3A_26 = arith.constant 0 : i32
      %dma_start3A_27 = tpu.memref_slice %arg7[%dma_start3A_25, %dma_start3A_26] : memref<79x128xi32, #tpu.memory_space<vmem>> -> memref<78x128xi32, #tpu.memory_space<vmem>>
      %dma_start3A_28 = arith.constant 0 : i32
      %dma_start3A_29 = tpu.memref_slice %arg3[%run_scoped3A, %add3A_5, %dma_start3A_28] : memref<2x2500x128xi32, #tpu.memory_space<hbm>> -> memref<1x78x128xi32, #tpu.memory_space<hbm>>
      %dma_start3A_30 = tpu.memref_squeeze %dma_start3A_29 : memref<1x78x128xi32, #tpu.memory_space<hbm>> -> memref<78x128xi32, #tpu.memory_space<hbm>>
      tpu.enqueue_dma source(%dma_start3A_30 : memref<78x128xi32, #tpu.memory_space<hbm>>) target(%dma_start3A_27 : memref<78x128xi32, #tpu.memory_space<vmem>>) target_semaphore(%run_scoped3A_19 : memref<!tpu.dma_semaphore, #tpu.memory_space<semaphore_mem>>)
      %dma_wait3A = arith.constant 0 : i32
      %dma_wait3A_31 = arith.constant 0 : i32
      %dma_wait3A_32 = tpu.memref_slice %arg7[%dma_wait3A, %dma_wait3A_31] : memref<79x128xi32, #tpu.memory_space<vmem>> -> memref<78x128xi32, #tpu.memory_space<vmem>>
      %dma_wait3A_33 = arith.constant 0 : i32
      %dma_wait3A_34 = tpu.memref_slice %arg3[%run_scoped3A, %add3A_5, %dma_wait3A_33] : memref<2x2500x128xi32, #tpu.memory_space<hbm>> -> memref<1x78x128xi32, #tpu.memory_space<hbm>>
      %dma_wait3A_35 = tpu.memref_squeeze %dma_wait3A_34 : memref<1x78x128xi32, #tpu.memory_space<hbm>> -> memref<78x128xi32, #tpu.memory_space<hbm>>
      %dma_wait3A_36 = arith.constant 0 : i32
      %dma_wait3A_37 = arith.constant 0 : i32
      %dma_wait3A_38 = tpu.memref_slice %arg7[%dma_wait3A_36, %dma_wait3A_37] : memref<79x128xi32, #tpu.memory_space<vmem>> -> memref<78x128xi32, #tpu.memory_space<vmem>>
      %dma_wait3A_39 = arith.constant 0 : i32
      %dma_wait3A_40 = tpu.memref_slice %arg3[%run_scoped3A, %add3A_5, %dma_wait3A_39] : memref<2x2500x128xi32, #tpu.memory_space<hbm>> -> memref<1x78x128xi32, #tpu.memory_space<hbm>>
      %dma_wait3A_41 = tpu.memref_squeeze %dma_wait3A_40 : memref<1x78x128xi32, #tpu.memory_space<hbm>> -> memref<78x128xi32, #tpu.memory_space<hbm>>
      tpu.wait_dma2 semaphore(%run_scoped3A_19 : memref<!tpu.dma_semaphore, #tpu.memory_space<semaphore_mem>>) src(%dma_wait3A_41 : memref<78x128xi32, #tpu.memory_space<hbm>>) dst(%dma_wait3A_38 : memref<78x128xi32, #tpu.memory_space<vmem>>)
      tpu.yield
    }) : () -> ()
    %run_scoped3A_8 = arith.constant 0 : i32
    "tpu.region"() ({
      %run_scoped3A_19 = tpu.sem_alloc : memref<!tpu.dma_semaphore, #tpu.memory_space<semaphore_mem>>
      %dma_start3A = arith.constant 0 : i32
      %dma_start3A_20 = arith.constant 0 : i32
      %dma_start3A_21 = tpu.memref_slice %arg8[%run_scoped3A_8, %dma_start3A, %dma_start3A_20] : memref<2x128x8xf32, #tpu.memory_space<vmem>> -> memref<1x128x8xf32, #tpu.memory_space<vmem>>
      %dma_start3A_22 = tpu.memref_squeeze %dma_start3A_21 : memref<1x128x8xf32, #tpu.memory_space<vmem>> -> memref<128x8xf32, #tpu.memory_space<vmem>>
      %dma_start3A_23 = arith.constant 0 : i32
      %dma_start3A_24 = arith.constant 0 : i32
      %dma_start3A_25 = tpu.memref_slice %arg8[%run_scoped3A_8, %dma_start3A_23, %dma_start3A_24] : memref<2x128x8xf32, #tpu.memory_space<vmem>> -> memref<1x128x8xf32, #tpu.memory_space<vmem>>
      %dma_start3A_26 = tpu.memref_squeeze %dma_start3A_25 : memref<1x128x8xf32, #tpu.memory_space<vmem>> -> memref<128x8xf32, #tpu.memory_space<vmem>>
      tpu.enqueue_dma source(%arg2 : memref<128x8xf32, #tpu.memory_space<hbm>>) target(%dma_start3A_26 : memref<128x8xf32, #tpu.memory_space<vmem>>) target_semaphore(%run_scoped3A_19 : memref<!tpu.dma_semaphore, #tpu.memory_space<semaphore_mem>>)
      %dma_wait3A = arith.constant 0 : i32
      %dma_wait3A_27 = arith.constant 0 : i32
      %dma_wait3A_28 = tpu.memref_slice %arg8[%run_scoped3A_8, %dma_wait3A, %dma_wait3A_27] : memref<2x128x8xf32, #tpu.memory_space<vmem>> -> memref<1x128x8xf32, #tpu.memory_space<vmem>>
      %dma_wait3A_29 = tpu.memref_squeeze %dma_wait3A_28 : memref<1x128x8xf32, #tpu.memory_space<vmem>> -> memref<128x8xf32, #tpu.memory_space<vmem>>
      %dma_wait3A_30 = arith.constant 0 : i32
      %dma_wait3A_31 = arith.constant 0 : i32
      %dma_wait3A_32 = tpu.memref_slice %arg8[%run_scoped3A_8, %dma_wait3A_30, %dma_wait3A_31] : memref<2x128x8xf32, #tpu.memory_space<vmem>> -> memref<1x128x8xf32, #tpu.memory_space<vmem>>
      %dma_wait3A_33 = tpu.memref_squeeze %dma_wait3A_32 : memref<1x128x8xf32, #tpu.memory_space<vmem>> -> memref<128x8xf32, #tpu.memory_space<vmem>>
      tpu.wait_dma2 semaphore(%run_scoped3A_19 : memref<!tpu.dma_semaphore, #tpu.memory_space<semaphore_mem>>) src(%arg2 : memref<128x8xf32, #tpu.memory_space<hbm>>) dst(%dma_wait3A_33 : memref<128x8xf32, #tpu.memory_space<vmem>>)
      tpu.yield
    }) : () -> ()
    %convert_element_type3A = arith.extui %lt3A_1 : i1 to i32
    %cond3A = arith.constant 0 : i32
    %cond3A_9 = arith.cmpi ne, %convert_element_type3A, %cond3A : i32
    scf.if %cond3A_9 {
      %add3A_19 = arith.constant 78 : i32
      %add3A_20 = arith.addi %add3A_5, %add3A_19 : i32
      %run_scoped3A_21 = arith.constant 1 : i32
      "tpu.region"() ({
        %run_scoped3A_22 = tpu.sem_alloc : memref<!tpu.dma_semaphore, #tpu.memory_space<semaphore_mem>>
        %dma_start3A = arith.constant 78 : i32
        %dma_start3A_23 = arith.constant 0 : i32
        %dma_start3A_24 = tpu.memref_slice %arg7[%dma_start3A, %dma_start3A_23] : memref<79x128xi32, #tpu.memory_space<vmem>> -> memref<1x128xi32, #tpu.memory_space<vmem>>
        %dma_start3A_25 = arith.constant 0 : i32
        %dma_start3A_26 = tpu.memref_slice %arg3[%run_scoped3A_21, %add3A_20, %dma_start3A_25] : memref<2x2500x128xi32, #tpu.memory_space<hbm>> -> memref<1x1x128xi32, #tpu.memory_space<hbm>>
        %dma_start3A_27 = tpu.memref_squeeze %dma_start3A_26 : memref<1x1x128xi32, #tpu.memory_space<hbm>> -> memref<1x128xi32, #tpu.memory_space<hbm>>
        %dma_start3A_28 = arith.constant 78 : i32
        %dma_start3A_29 = arith.constant 0 : i32
        %dma_start3A_30 = tpu.memref_slice %arg7[%dma_start3A_28, %dma_start3A_29] : memref<79x128xi32, #tpu.memory_space<vmem>> -> memref<1x128xi32, #tpu.memory_space<vmem>>
        %dma_start3A_31 = arith.constant 0 : i32
        %dma_start3A_32 = tpu.memref_slice %arg3[%run_scoped3A_21, %add3A_20, %dma_start3A_31] : memref<2x2500x128xi32, #tpu.memory_space<hbm>> -> memref<1x1x128xi32, #tpu.memory_space<hbm>>
        %dma_start3A_33 = tpu.memref_squeeze %dma_start3A_32 : memref<1x1x128xi32, #tpu.memory_space<hbm>> -> memref<1x128xi32, #tpu.memory_space<hbm>>
        tpu.enqueue_dma source(%dma_start3A_33 : memref<1x128xi32, #tpu.memory_space<hbm>>) target(%dma_start3A_30 : memref<1x128xi32, #tpu.memory_space<vmem>>) target_semaphore(%run_scoped3A_22 : memref<!tpu.dma_semaphore, #tpu.memory_space<semaphore_mem>>)
        %dma_wait3A = arith.constant 78 : i32
        %dma_wait3A_34 = arith.constant 0 : i32
        %dma_wait3A_35 = tpu.memref_slice %arg7[%dma_wait3A, %dma_wait3A_34] : memref<79x128xi32, #tpu.memory_space<vmem>> -> memref<1x128xi32, #tpu.memory_space<vmem>>
        %dma_wait3A_36 = arith.constant 0 : i32
        %dma_wait3A_37 = tpu.memref_slice %arg3[%run_scoped3A_21, %add3A_20, %dma_wait3A_36] : memref<2x2500x128xi32, #tpu.memory_space<hbm>> -> memref<1x1x128xi32, #tpu.memory_space<hbm>>
        %dma_wait3A_38 = tpu.memref_squeeze %dma_wait3A_37 : memref<1x1x128xi32, #tpu.memory_space<hbm>> -> memref<1x128xi32, #tpu.memory_space<hbm>>
        %dma_wait3A_39 = arith.constant 78 : i32
        %dma_wait3A_40 = arith.constant 0 : i32
        %dma_wait3A_41 = tpu.memref_slice %arg7[%dma_wait3A_39, %dma_wait3A_40] : memref<79x128xi32, #tpu.memory_space<vmem>> -> memref<1x128xi32, #tpu.memory_space<vmem>>
        %dma_wait3A_42 = arith.constant 0 : i32
        %dma_wait3A_43 = tpu.memref_slice %arg3[%run_scoped3A_21, %add3A_20, %dma_wait3A_42] : memref<2x2500x128xi32, #tpu.memory_space<hbm>> -> memref<1x1x128xi32, #tpu.memory_space<hbm>>
        %dma_wait3A_44 = tpu.memref_squeeze %dma_wait3A_43 : memref<1x1x128xi32, #tpu.memory_space<hbm>> -> memref<1x128xi32, #tpu.memory_space<hbm>>
        tpu.wait_dma2 semaphore(%run_scoped3A_22 : memref<!tpu.dma_semaphore, #tpu.memory_space<semaphore_mem>>) src(%dma_wait3A_44 : memref<1x128xi32, #tpu.memory_space<hbm>>) dst(%dma_wait3A_41 : memref<1x128xi32, #tpu.memory_space<vmem>>)
        tpu.yield
      }) : () -> ()
    } else {
    }
    %barrier3A = arith.constant 0 : index
    tpu.barrier barrier_id(%barrier3A)
    %scan3A = arith.constant 0 : i32
    %scan3A_10 = arith.constant 0 : i32
    %scan3A_11 = arith.constant 39 : i32
    %scan3A_12 = arith.addi %scan3A_10, %scan3A_11 : i32
    %scan3A_13 = arith.constant 1 : i32
    scf.for %scan3A_19 = %scan3A_10 to %scan3A_12 step %scan3A_13  : i32 {
      %mul3A_20 = arith.constant 2 : i32
      %mul3A_21 = arith.muli %mul3A_20, %scan3A_19 : i32
      %dma_start3A = arith.constant 0 : i32
      %dma_start3A_22 = arith.constant 0 : i32
      %dma_start3A_23 = arith.constant 0 : i32
      %dma_start3A_24 = tpu.memref_slice %arg8[%dma_start3A, %dma_start3A_22, %dma_start3A_23] : memref<2x128x8xf32, #tpu.memory_space<vmem>> -> memref<1x128x8xf32, #tpu.memory_space<vmem>>
      %dma_start3A_25 = tpu.memref_squeeze %dma_start3A_24 : memref<1x128x8xf32, #tpu.memory_space<vmem>> -> memref<128x8xf32, #tpu.memory_space<vmem>>
      %dma_start3A_26 = arith.constant 0 : i32
      %dma_start3A_27 = tpu.memref_slice %arg7[%mul3A_21, %dma_start3A_26] : memref<79x128xi32, #tpu.memory_space<vmem>> -> memref<1x128xi32, #tpu.memory_space<vmem>>
      %dma_start3A_28 = tpu.memref_squeeze %dma_start3A_27 : memref<1x128xi32, #tpu.memory_space<vmem>> -> memref<128xi32, #tpu.memory_space<vmem>>
      %dma_start3A_29 = arith.constant 0 : i32
      %dma_start3A_30 = arith.constant 0 : i32
      %dma_start3A_31 = tpu.memref_slice %arg9[%dma_start3A_29, %dma_start3A_30] : memref<10000x8xf32, #tpu.memory_space<vmem_shared>> -> memref<10000x8xf32, #tpu.memory_space<vmem_shared>>
      tpu.enqueue_indirect_dma source(%dma_start3A_25 : memref<128x8xf32, #tpu.memory_space<vmem>>) target(%dma_start3A_31 : memref<10000x8xf32, #tpu.memory_space<vmem_shared>>) offsets(%dma_start3A_28 : memref<128xi32, #tpu.memory_space<vmem>>) semaphore(%arg13 : memref<!tpu.dma_semaphore, #tpu.memory_space<semaphore_mem>>) {add = true}
      %add3A_32 = arith.constant 1 : i32
      %add3A_33 = arith.addi %mul3A_21, %add3A_32 : i32
      %dma_start3A_34 = arith.constant 0 : i32
      %dma_start3A_35 = arith.constant 0 : i32
      %dma_start3A_36 = arith.constant 0 : i32
      %dma_start3A_37 = tpu.memref_slice %arg8[%dma_start3A_34, %dma_start3A_35, %dma_start3A_36] : memref<2x128x8xf32, #tpu.memory_space<vmem>> -> memref<1x128x8xf32, #tpu.memory_space<vmem>>
      %dma_start3A_38 = tpu.memref_squeeze %dma_start3A_37 : memref<1x128x8xf32, #tpu.memory_space<vmem>> -> memref<128x8xf32, #tpu.memory_space<vmem>>
      %dma_start3A_39 = arith.constant 0 : i32
      %dma_start3A_40 = tpu.memref_slice %arg7[%add3A_33, %dma_start3A_39] : memref<79x128xi32, #tpu.memory_space<vmem>> -> memref<1x128xi32, #tpu.memory_space<vmem>>
      %dma_start3A_41 = tpu.memref_squeeze %dma_start3A_40 : memref<1x128xi32, #tpu.memory_space<vmem>> -> memref<128xi32, #tpu.memory_space<vmem>>
      %dma_start3A_42 = arith.constant 0 : i32
      %dma_start3A_43 = arith.constant 0 : i32
      %dma_start3A_44 = tpu.memref_slice %arg9[%dma_start3A_42, %dma_start3A_43] : memref<10000x8xf32, #tpu.memory_space<vmem_shared>> -> memref<10000x8xf32, #tpu.memory_space<vmem_shared>>
      tpu.enqueue_indirect_dma source(%dma_start3A_38 : memref<128x8xf32, #tpu.memory_space<vmem>>) target(%dma_start3A_44 : memref<10000x8xf32, #tpu.memory_space<vmem_shared>>) offsets(%dma_start3A_41 : memref<128xi32, #tpu.memory_space<vmem>>) semaphore(%arg14 : memref<!tpu.dma_semaphore, #tpu.memory_space<semaphore_mem>>) {add = true}
      %dma_wait3A = arith.constant 0 : i32
      %dma_wait3A_45 = arith.constant 0 : i32
      %dma_wait3A_46 = arith.constant 0 : i32
      %dma_wait3A_47 = tpu.memref_slice %arg8[%dma_wait3A, %dma_wait3A_45, %dma_wait3A_46] : memref<2x128x8xf32, #tpu.memory_space<vmem>> -> memref<1x128x8xf32, #tpu.memory_space<vmem>>
      %dma_wait3A_48 = tpu.memref_squeeze %dma_wait3A_47 : memref<1x128x8xf32, #tpu.memory_space<vmem>> -> memref<128x8xf32, #tpu.memory_space<vmem>>
      %dma_wait3A_49 = arith.constant 0 : i32
      %dma_wait3A_50 = tpu.memref_slice %arg7[%mul3A_21, %dma_wait3A_49] : memref<79x128xi32, #tpu.memory_space<vmem>> -> memref<1x128xi32, #tpu.memory_space<vmem>>
      %dma_wait3A_51 = tpu.memref_squeeze %dma_wait3A_50 : memref<1x128xi32, #tpu.memory_space<vmem>> -> memref<128xi32, #tpu.memory_space<vmem>>
      %dma_wait3A_52 = arith.constant 0 : i32
      %dma_wait3A_53 = arith.constant 0 : i32
      %dma_wait3A_54 = tpu.memref_slice %arg9[%dma_wait3A_52, %dma_wait3A_53] : memref<10000x8xf32, #tpu.memory_space<vmem_shared>> -> memref<10000x8xf32, #tpu.memory_space<vmem_shared>>
      tpu.wait_indirect_dma semaphore(%arg13 : memref<!tpu.dma_semaphore, #tpu.memory_space<semaphore_mem>>) src(%dma_wait3A_48 : memref<128x8xf32, #tpu.memory_space<vmem>>) dst(%dma_wait3A_54 : memref<10000x8xf32, #tpu.memory_space<vmem_shared>>)
      %add3A_55 = arith.constant 1 : i32
      %add3A_56 = arith.addi %mul3A_21, %add3A_55 : i32
      %dma_wait3A_57 = arith.constant 0 : i32
      %dma_wait3A_58 = arith.constant 0 : i32
      %dma_wait3A_59 = arith.constant 0 : i32
      %dma_wait3A_60 = tpu.memref_slice %arg8[%dma_wait3A_57, %dma_wait3A_58, %dma_wait3A_59] : memref<2x128x8xf32, #tpu.memory_space<vmem>> -> memref<1x128x8xf32, #tpu.memory_space<vmem>>
      %dma_wait3A_61 = tpu.memref_squeeze %dma_wait3A_60 : memref<1x128x8xf32, #tpu.memory_space<vmem>> -> memref<128x8xf32, #tpu.memory_space<vmem>>
      %dma_wait3A_62 = arith.constant 0 : i32
      %dma_wait3A_63 = tpu.memref_slice %arg7[%add3A_56, %dma_wait3A_62] : memref<79x128xi32, #tpu.memory_space<vmem>> -> memref<1x128xi32, #tpu.memory_space<vmem>>
      %dma_wait3A_64 = tpu.memref_squeeze %dma_wait3A_63 : memref<1x128xi32, #tpu.memory_space<vmem>> -> memref<128xi32, #tpu.memory_space<vmem>>
      %dma_wait3A_65 = arith.constant 0 : i32
      %dma_wait3A_66 = arith.constant 0 : i32
      %dma_wait3A_67 = tpu.memref_slice %arg9[%dma_wait3A_65, %dma_wait3A_66] : memref<10000x8xf32, #tpu.memory_space<vmem_shared>> -> memref<10000x8xf32, #tpu.memory_space<vmem_shared>>
      tpu.wait_indirect_dma semaphore(%arg14 : memref<!tpu.dma_semaphore, #tpu.memory_space<semaphore_mem>>) src(%dma_wait3A_61 : memref<128x8xf32, #tpu.memory_space<vmem>>) dst(%dma_wait3A_67 : memref<10000x8xf32, #tpu.memory_space<vmem_shared>>)
    }
    %scan3A_14 = arith.constant 39 : i32
    %convert_element_type3A_15 = arith.extui %lt3A_1 : i1 to i32
    %cond3A_16 = arith.constant 0 : i32
    %cond3A_17 = arith.cmpi ne, %convert_element_type3A_15, %cond3A_16 : i32
    scf.if %cond3A_17 {
      %dma_start3A = arith.constant 0 : i32
      %dma_start3A_19 = arith.constant 78 : i32
      %dma_start3A_20 = arith.constant 0 : i32
      %dma_start3A_21 = arith.constant 0 : i32
      %dma_start3A_22 = tpu.memref_slice %arg8[%dma_start3A, %dma_start3A_20, %dma_start3A_21] : memref<2x128x8xf32, #tpu.memory_space<vmem>> -> memref<1x128x8xf32, #tpu.memory_space<vmem>>
      %dma_start3A_23 = tpu.memref_squeeze %dma_start3A_22 : memref<1x128x8xf32, #tpu.memory_space<vmem>> -> memref<128x8xf32, #tpu.memory_space<vmem>>
      %dma_start3A_24 = arith.constant 0 : i32
      %dma_start3A_25 = tpu.memref_slice %arg7[%dma_start3A_19, %dma_start3A_24] : memref<79x128xi32, #tpu.memory_space<vmem>> -> memref<1x128xi32, #tpu.memory_space<vmem>>
      %dma_start3A_26 = tpu.memref_squeeze %dma_start3A_25 : memref<1x128xi32, #tpu.memory_space<vmem>> -> memref<128xi32, #tpu.memory_space<vmem>>
      %dma_start3A_27 = arith.constant 0 : i32
      %dma_start3A_28 = arith.constant 0 : i32
      %dma_start3A_29 = tpu.memref_slice %arg9[%dma_start3A_27, %dma_start3A_28] : memref<10000x8xf32, #tpu.memory_space<vmem_shared>> -> memref<10000x8xf32, #tpu.memory_space<vmem_shared>>
      tpu.enqueue_indirect_dma source(%dma_start3A_23 : memref<128x8xf32, #tpu.memory_space<vmem>>) target(%dma_start3A_29 : memref<10000x8xf32, #tpu.memory_space<vmem_shared>>) offsets(%dma_start3A_26 : memref<128xi32, #tpu.memory_space<vmem>>) semaphore(%arg13 : memref<!tpu.dma_semaphore, #tpu.memory_space<semaphore_mem>>) {add = true}
      %dma_wait3A = arith.constant 0 : i32
      %dma_wait3A_30 = arith.constant 78 : i32
      %dma_wait3A_31 = arith.constant 0 : i32
      %dma_wait3A_32 = arith.constant 0 : i32
      %dma_wait3A_33 = tpu.memref_slice %arg8[%dma_wait3A, %dma_wait3A_31, %dma_wait3A_32] : memref<2x128x8xf32, #tpu.memory_space<vmem>> -> memref<1x128x8xf32, #tpu.memory_space<vmem>>
      %dma_wait3A_34 = tpu.memref_squeeze %dma_wait3A_33 : memref<1x128x8xf32, #tpu.memory_space<vmem>> -> memref<128x8xf32, #tpu.memory_space<vmem>>
      %dma_wait3A_35 = arith.constant 0 : i32
      %dma_wait3A_36 = tpu.memref_slice %arg7[%dma_wait3A_30, %dma_wait3A_35] : memref<79x128xi32, #tpu.memory_space<vmem>> -> memref<1x128xi32, #tpu.memory_space<vmem>>
      %dma_wait3A_37 = tpu.memref_squeeze %dma_wait3A_36 : memref<1x128xi32, #tpu.memory_space<vmem>> -> memref<128xi32, #tpu.memory_space<vmem>>
      %dma_wait3A_38 = arith.constant 0 : i32
      %dma_wait3A_39 = arith.constant 0 : i32
      %dma_wait3A_40 = tpu.memref_slice %arg9[%dma_wait3A_38, %dma_wait3A_39] : memref<10000x8xf32, #tpu.memory_space<vmem_shared>> -> memref<10000x8xf32, #tpu.memory_space<vmem_shared>>
      tpu.wait_indirect_dma semaphore(%arg13 : memref<!tpu.dma_semaphore, #tpu.memory_space<semaphore_mem>>) src(%dma_wait3A_34 : memref<128x8xf32, #tpu.memory_space<vmem>>) dst(%dma_wait3A_40 : memref<10000x8xf32, #tpu.memory_space<vmem_shared>>)
    } else {
    }
    %barrier3A_18 = arith.constant 0 : index
    tpu.barrier barrier_id(%barrier3A_18)
    "tpu.region"() ({
      %run_scoped3A_19 = tpu.sem_alloc : memref<!tpu.dma_semaphore, #tpu.memory_space<semaphore_mem>>
      %dma_start3A = arith.constant 0 : i32
      %dma_start3A_20 = tpu.memref_slice %arg5[%arg0, %mul3A_7, %dma_start3A] : memref<2x10000x8xf32, #tpu.memory_space<hbm>> -> memref<1x625x8xf32, #tpu.memory_space<hbm>>
      %dma_start3A_21 = tpu.memref_squeeze %dma_start3A_20 : memref<1x625x8xf32, #tpu.memory_space<hbm>> -> memref<625x8xf32, #tpu.memory_space<hbm>>
      %dma_start3A_22 = arith.constant 0 : i32
      %dma_start3A_23 = tpu.memref_slice %arg9[%mul3A_7, %dma_start3A_22] : memref<10000x8xf32, #tpu.memory_space<vmem_shared>> -> memref<625x8xf32, #tpu.memory_space<vmem_shared>>
      tpu.enqueue_dma source(%dma_start3A_23 : memref<625x8xf32, #tpu.memory_space<vmem_shared>>) target(%dma_start3A_21 : memref<625x8xf32, #tpu.memory_space<hbm>>) target_semaphore(%run_scoped3A_19 : memref<!tpu.dma_semaphore, #tpu.memory_space<semaphore_mem>>)
      %dma_wait3A = arith.constant 0 : i32
      %dma_wait3A_24 = tpu.memref_slice %arg5[%arg0, %mul3A_7, %dma_wait3A] : memref<2x10000x8xf32, #tpu.memory_space<hbm>> -> memref<1x625x8xf32, #tpu.memory_space<hbm>>
      %dma_wait3A_25 = tpu.memref_squeeze %dma_wait3A_24 : memref<1x625x8xf32, #tpu.memory_space<hbm>> -> memref<625x8xf32, #tpu.memory_space<hbm>>
      %dma_wait3A_26 = arith.constant 0 : i32
      %dma_wait3A_27 = tpu.memref_slice %arg9[%mul3A_7, %dma_wait3A_26] : memref<10000x8xf32, #tpu.memory_space<vmem_shared>> -> memref<625x8xf32, #tpu.memory_space<vmem_shared>>
      tpu.wait_dma2 semaphore(%run_scoped3A_19 : memref<!tpu.dma_semaphore, #tpu.memory_space<semaphore_mem>>) src(%dma_wait3A_27 : memref<625x8xf32, #tpu.memory_space<vmem_shared>>) dst(%dma_wait3A_25 : memref<625x8xf32, #tpu.memory_space<hbm>>)
      tpu.yield
    }) : () -> ()
    return
  }
}

#map = affine_map<(d0, d1) -> (0, 0)>
#map1 = affine_map<(d0, d1) -> (0, 0, 0)>
module attributes {stable_mosaic.version = 14 : i64} {
  func.func @k(%arg0: i32, %arg1: i32, %arg2: memref<10000x64xf32, #tpu.memory_space<hbm>>, %arg3: memref<2x2500x128xi32, #tpu.memory_space<hbm>>, %arg4: memref<10000x64xf32, #tpu.memory_space<hbm>>, %arg5: memref<2x10000x64xf32, #tpu.memory_space<hbm>>, %arg6: memref<79x128xi32, #tpu.memory_space<vmem>>, %arg7: memref<79x128xi32, #tpu.memory_space<vmem>>, %arg8: memref<2x128x64xf32, #tpu.memory_space<vmem>>, %arg9: memref<10000x64xf32, #tpu.memory_space<vmem_shared>>, %arg10: memref<10000x64xf32, #tpu.memory_space<vmem_shared>>, %arg11: memref<!tpu.dma_semaphore, #tpu.memory_space<semaphore_mem>>, %arg12: memref<!tpu.dma_semaphore, #tpu.memory_space<semaphore_mem>>, %arg13: memref<!tpu.dma_semaphore, #tpu.memory_space<semaphore_mem>>, %arg14: memref<!tpu.dma_semaphore, #tpu.memory_space<semaphore_mem>>) attributes {dimension_semantics = [#tpu.dimension_semantics<core_parallel>, #tpu.dimension_semantics<subcore_parallel>], iteration_bounds = array<i64: 2, 16>, scalar_prefetch = 0 : i64, scratch_operands = 9 : i64, tpu.core_type = #tpu.core_type<sc_vector_subcore>, window_params = [{transform_indices = #map}, {transform_indices = #map1}, {transform_indices = #map}, {transform_indices = #map1}]} {
    %mul3A = arith.constant 16 : i32
    %mul3A_0 = arith.muli %arg0, %mul3A : i32
    %add3A = arith.addi %mul3A_0, %arg1 : i32
    %lt3A = arith.constant 4 : i32
    %lt3A_1 = arith.cmpi slt, %add3A, %lt3A : i32
    %mul3A_2 = arith.constant 78 : i32
    %mul3A_3 = arith.muli %add3A, %mul3A_2 : i32
    %min3A = arith.constant 4 : i32
    %min3A_4 = arith.minsi %add3A, %min3A : i32
    %add3A_5 = arith.addi %mul3A_3, %min3A_4 : i32
    %mul3A_6 = arith.constant 625 : i32
    %mul3A_7 = arith.muli %arg1, %mul3A_6 : i32
    "tpu.region"() ({
      %run_scoped3A_30 = tpu.sem_alloc : memref<!tpu.dma_semaphore, #tpu.memory_space<semaphore_mem>>
      %dma_start3A_31 = arith.constant 0 : i32
      %dma_start3A_32 = tpu.memref_slice %arg9[%mul3A_7, %dma_start3A_31] : memref<10000x64xf32, #tpu.memory_space<vmem_shared>> -> memref<625x64xf32, #tpu.memory_space<vmem_shared>>
      %dma_start3A_33 = arith.constant 0 : i32
      %dma_start3A_34 = tpu.memref_slice %arg4[%mul3A_7, %dma_start3A_33] : memref<10000x64xf32, #tpu.memory_space<hbm>> -> memref<625x64xf32, #tpu.memory_space<hbm>>
      tpu.enqueue_dma source(%dma_start3A_34 : memref<625x64xf32, #tpu.memory_space<hbm>>) target(%dma_start3A_32 : memref<625x64xf32, #tpu.memory_space<vmem_shared>>) target_semaphore(%run_scoped3A_30 : memref<!tpu.dma_semaphore, #tpu.memory_space<semaphore_mem>>)
      %dma_wait3A = arith.constant 0 : i32
      %dma_wait3A_35 = tpu.memref_slice %arg9[%mul3A_7, %dma_wait3A] : memref<10000x64xf32, #tpu.memory_space<vmem_shared>> -> memref<625x64xf32, #tpu.memory_space<vmem_shared>>
      %dma_wait3A_36 = arith.constant 0 : i32
      %dma_wait3A_37 = tpu.memref_slice %arg4[%mul3A_7, %dma_wait3A_36] : memref<10000x64xf32, #tpu.memory_space<hbm>> -> memref<625x64xf32, #tpu.memory_space<hbm>>
      tpu.wait_dma2 semaphore(%run_scoped3A_30 : memref<!tpu.dma_semaphore, #tpu.memory_space<semaphore_mem>>) src(%dma_wait3A_37 : memref<625x64xf32, #tpu.memory_space<hbm>>) dst(%dma_wait3A_35 : memref<625x64xf32, #tpu.memory_space<vmem_shared>>)
      tpu.yield
    }) : () -> ()
    %run_scoped3A = arith.constant 1 : i32
    "tpu.region"() ({
      %run_scoped3A_30 = tpu.sem_alloc : memref<!tpu.dma_semaphore, #tpu.memory_space<semaphore_mem>>
      %dma_start3A_31 = arith.constant 0 : i32
      %dma_start3A_32 = arith.constant 0 : i32
      %dma_start3A_33 = tpu.memref_slice %arg7[%dma_start3A_31, %dma_start3A_32] : memref<79x128xi32, #tpu.memory_space<vmem>> -> memref<78x128xi32, #tpu.memory_space<vmem>>
      %dma_start3A_34 = arith.constant 0 : i32
      %dma_start3A_35 = tpu.memref_slice %arg3[%run_scoped3A, %add3A_5, %dma_start3A_34] : memref<2x2500x128xi32, #tpu.memory_space<hbm>> -> memref<1x78x128xi32, #tpu.memory_space<hbm>>
      %dma_start3A_36 = tpu.memref_squeeze %dma_start3A_35 : memref<1x78x128xi32, #tpu.memory_space<hbm>> -> memref<78x128xi32, #tpu.memory_space<hbm>>
      %dma_start3A_37 = arith.constant 0 : i32
      %dma_start3A_38 = arith.constant 0 : i32
      %dma_start3A_39 = tpu.memref_slice %arg7[%dma_start3A_37, %dma_start3A_38] : memref<79x128xi32, #tpu.memory_space<vmem>> -> memref<78x128xi32, #tpu.memory_space<vmem>>
      %dma_start3A_40 = arith.constant 0 : i32
      %dma_start3A_41 = tpu.memref_slice %arg3[%run_scoped3A, %add3A_5, %dma_start3A_40] : memref<2x2500x128xi32, #tpu.memory_space<hbm>> -> memref<1x78x128xi32, #tpu.memory_space<hbm>>
      %dma_start3A_42 = tpu.memref_squeeze %dma_start3A_41 : memref<1x78x128xi32, #tpu.memory_space<hbm>> -> memref<78x128xi32, #tpu.memory_space<hbm>>
      tpu.enqueue_dma source(%dma_start3A_42 : memref<78x128xi32, #tpu.memory_space<hbm>>) target(%dma_start3A_39 : memref<78x128xi32, #tpu.memory_space<vmem>>) target_semaphore(%run_scoped3A_30 : memref<!tpu.dma_semaphore, #tpu.memory_space<semaphore_mem>>)
      %dma_wait3A = arith.constant 0 : i32
      %dma_wait3A_43 = arith.constant 0 : i32
      %dma_wait3A_44 = tpu.memref_slice %arg7[%dma_wait3A, %dma_wait3A_43] : memref<79x128xi32, #tpu.memory_space<vmem>> -> memref<78x128xi32, #tpu.memory_space<vmem>>
      %dma_wait3A_45 = arith.constant 0 : i32
      %dma_wait3A_46 = tpu.memref_slice %arg3[%run_scoped3A, %add3A_5, %dma_wait3A_45] : memref<2x2500x128xi32, #tpu.memory_space<hbm>> -> memref<1x78x128xi32, #tpu.memory_space<hbm>>
      %dma_wait3A_47 = tpu.memref_squeeze %dma_wait3A_46 : memref<1x78x128xi32, #tpu.memory_space<hbm>> -> memref<78x128xi32, #tpu.memory_space<hbm>>
      %dma_wait3A_48 = arith.constant 0 : i32
      %dma_wait3A_49 = arith.constant 0 : i32
      %dma_wait3A_50 = tpu.memref_slice %arg7[%dma_wait3A_48, %dma_wait3A_49] : memref<79x128xi32, #tpu.memory_space<vmem>> -> memref<78x128xi32, #tpu.memory_space<vmem>>
      %dma_wait3A_51 = arith.constant 0 : i32
      %dma_wait3A_52 = tpu.memref_slice %arg3[%run_scoped3A, %add3A_5, %dma_wait3A_51] : memref<2x2500x128xi32, #tpu.memory_space<hbm>> -> memref<1x78x128xi32, #tpu.memory_space<hbm>>
      %dma_wait3A_53 = tpu.memref_squeeze %dma_wait3A_52 : memref<1x78x128xi32, #tpu.memory_space<hbm>> -> memref<78x128xi32, #tpu.memory_space<hbm>>
      tpu.wait_dma2 semaphore(%run_scoped3A_30 : memref<!tpu.dma_semaphore, #tpu.memory_space<semaphore_mem>>) src(%dma_wait3A_53 : memref<78x128xi32, #tpu.memory_space<hbm>>) dst(%dma_wait3A_50 : memref<78x128xi32, #tpu.memory_space<vmem>>)
      tpu.yield
    }) : () -> ()
    %run_scoped3A_8 = arith.constant 0 : i32
    "tpu.region"() ({
      %run_scoped3A_30 = tpu.sem_alloc : memref<!tpu.dma_semaphore, #tpu.memory_space<semaphore_mem>>
      %dma_start3A_31 = arith.constant 0 : i32
      %dma_start3A_32 = arith.constant 0 : i32
      %dma_start3A_33 = tpu.memref_slice %arg6[%dma_start3A_31, %dma_start3A_32] : memref<79x128xi32, #tpu.memory_space<vmem>> -> memref<78x128xi32, #tpu.memory_space<vmem>>
      %dma_start3A_34 = arith.constant 0 : i32
      %dma_start3A_35 = tpu.memref_slice %arg3[%run_scoped3A_8, %add3A_5, %dma_start3A_34] : memref<2x2500x128xi32, #tpu.memory_space<hbm>> -> memref<1x78x128xi32, #tpu.memory_space<hbm>>
      %dma_start3A_36 = tpu.memref_squeeze %dma_start3A_35 : memref<1x78x128xi32, #tpu.memory_space<hbm>> -> memref<78x128xi32, #tpu.memory_space<hbm>>
      %dma_start3A_37 = arith.constant 0 : i32
      %dma_start3A_38 = arith.constant 0 : i32
      %dma_start3A_39 = tpu.memref_slice %arg6[%dma_start3A_37, %dma_start3A_38] : memref<79x128xi32, #tpu.memory_space<vmem>> -> memref<78x128xi32, #tpu.memory_space<vmem>>
      %dma_start3A_40 = arith.constant 0 : i32
      %dma_start3A_41 = tpu.memref_slice %arg3[%run_scoped3A_8, %add3A_5, %dma_start3A_40] : memref<2x2500x128xi32, #tpu.memory_space<hbm>> -> memref<1x78x128xi32, #tpu.memory_space<hbm>>
      %dma_start3A_42 = tpu.memref_squeeze %dma_start3A_41 : memref<1x78x128xi32, #tpu.memory_space<hbm>> -> memref<78x128xi32, #tpu.memory_space<hbm>>
      tpu.enqueue_dma source(%dma_start3A_42 : memref<78x128xi32, #tpu.memory_space<hbm>>) target(%dma_start3A_39 : memref<78x128xi32, #tpu.memory_space<vmem>>) target_semaphore(%run_scoped3A_30 : memref<!tpu.dma_semaphore, #tpu.memory_space<semaphore_mem>>)
      %dma_wait3A = arith.constant 0 : i32
      %dma_wait3A_43 = arith.constant 0 : i32
      %dma_wait3A_44 = tpu.memref_slice %arg6[%dma_wait3A, %dma_wait3A_43] : memref<79x128xi32, #tpu.memory_space<vmem>> -> memref<78x128xi32, #tpu.memory_space<vmem>>
      %dma_wait3A_45 = arith.constant 0 : i32
      %dma_wait3A_46 = tpu.memref_slice %arg3[%run_scoped3A_8, %add3A_5, %dma_wait3A_45] : memref<2x2500x128xi32, #tpu.memory_space<hbm>> -> memref<1x78x128xi32, #tpu.memory_space<hbm>>
      %dma_wait3A_47 = tpu.memref_squeeze %dma_wait3A_46 : memref<1x78x128xi32, #tpu.memory_space<hbm>> -> memref<78x128xi32, #tpu.memory_space<hbm>>
      %dma_wait3A_48 = arith.constant 0 : i32
      %dma_wait3A_49 = arith.constant 0 : i32
      %dma_wait3A_50 = tpu.memref_slice %arg6[%dma_wait3A_48, %dma_wait3A_49] : memref<79x128xi32, #tpu.memory_space<vmem>> -> memref<78x128xi32, #tpu.memory_space<vmem>>
      %dma_wait3A_51 = arith.constant 0 : i32
      %dma_wait3A_52 = tpu.memref_slice %arg3[%run_scoped3A_8, %add3A_5, %dma_wait3A_51] : memref<2x2500x128xi32, #tpu.memory_space<hbm>> -> memref<1x78x128xi32, #tpu.memory_space<hbm>>
      %dma_wait3A_53 = tpu.memref_squeeze %dma_wait3A_52 : memref<1x78x128xi32, #tpu.memory_space<hbm>> -> memref<78x128xi32, #tpu.memory_space<hbm>>
      tpu.wait_dma2 semaphore(%run_scoped3A_30 : memref<!tpu.dma_semaphore, #tpu.memory_space<semaphore_mem>>) src(%dma_wait3A_53 : memref<78x128xi32, #tpu.memory_space<hbm>>) dst(%dma_wait3A_50 : memref<78x128xi32, #tpu.memory_space<vmem>>)
      tpu.yield
    }) : () -> ()
    "tpu.region"() ({
      %run_scoped3A_30 = tpu.sem_alloc : memref<!tpu.dma_semaphore, #tpu.memory_space<semaphore_mem>>
      %dma_start3A_31 = arith.constant 0 : i32
      %dma_start3A_32 = tpu.memref_slice %arg10[%mul3A_7, %dma_start3A_31] : memref<10000x64xf32, #tpu.memory_space<vmem_shared>> -> memref<625x64xf32, #tpu.memory_space<vmem_shared>>
      %dma_start3A_33 = arith.constant 0 : i32
      %dma_start3A_34 = tpu.memref_slice %arg2[%mul3A_7, %dma_start3A_33] : memref<10000x64xf32, #tpu.memory_space<hbm>> -> memref<625x64xf32, #tpu.memory_space<hbm>>
      tpu.enqueue_dma source(%dma_start3A_34 : memref<625x64xf32, #tpu.memory_space<hbm>>) target(%dma_start3A_32 : memref<625x64xf32, #tpu.memory_space<vmem_shared>>) target_semaphore(%run_scoped3A_30 : memref<!tpu.dma_semaphore, #tpu.memory_space<semaphore_mem>>)
      %dma_wait3A = arith.constant 0 : i32
      %dma_wait3A_35 = tpu.memref_slice %arg10[%mul3A_7, %dma_wait3A] : memref<10000x64xf32, #tpu.memory_space<vmem_shared>> -> memref<625x64xf32, #tpu.memory_space<vmem_shared>>
      %dma_wait3A_36 = arith.constant 0 : i32
      %dma_wait3A_37 = tpu.memref_slice %arg2[%mul3A_7, %dma_wait3A_36] : memref<10000x64xf32, #tpu.memory_space<hbm>> -> memref<625x64xf32, #tpu.memory_space<hbm>>
      tpu.wait_dma2 semaphore(%run_scoped3A_30 : memref<!tpu.dma_semaphore, #tpu.memory_space<semaphore_mem>>) src(%dma_wait3A_37 : memref<625x64xf32, #tpu.memory_space<hbm>>) dst(%dma_wait3A_35 : memref<625x64xf32, #tpu.memory_space<vmem_shared>>)
      tpu.yield
    }) : () -> ()
    %convert_element_type3A = arith.extui %lt3A_1 : i1 to i32
    %cond3A = arith.constant 0 : i32
    %cond3A_9 = arith.cmpi ne, %convert_element_type3A, %cond3A : i32
    scf.if %cond3A_9 {
      %add3A_30 = arith.constant 78 : i32
      %add3A_31 = arith.addi %add3A_5, %add3A_30 : i32
      %run_scoped3A_32 = arith.constant 1 : i32
      "tpu.region"() ({
        %run_scoped3A_36 = tpu.sem_alloc : memref<!tpu.dma_semaphore, #tpu.memory_space<semaphore_mem>>
        %dma_start3A_37 = arith.constant 78 : i32
        %dma_start3A_38 = arith.constant 0 : i32
        %dma_start3A_39 = tpu.memref_slice %arg7[%dma_start3A_37, %dma_start3A_38] : memref<79x128xi32, #tpu.memory_space<vmem>> -> memref<1x128xi32, #tpu.memory_space<vmem>>
        %dma_start3A_40 = arith.constant 0 : i32
        %dma_start3A_41 = tpu.memref_slice %arg3[%run_scoped3A_32, %add3A_31, %dma_start3A_40] : memref<2x2500x128xi32, #tpu.memory_space<hbm>> -> memref<1x1x128xi32, #tpu.memory_space<hbm>>
        %dma_start3A_42 = tpu.memref_squeeze %dma_start3A_41 : memref<1x1x128xi32, #tpu.memory_space<hbm>> -> memref<1x128xi32, #tpu.memory_space<hbm>>
        %dma_start3A_43 = arith.constant 78 : i32
        %dma_start3A_44 = arith.constant 0 : i32
        %dma_start3A_45 = tpu.memref_slice %arg7[%dma_start3A_43, %dma_start3A_44] : memref<79x128xi32, #tpu.memory_space<vmem>> -> memref<1x128xi32, #tpu.memory_space<vmem>>
        %dma_start3A_46 = arith.constant 0 : i32
        %dma_start3A_47 = tpu.memref_slice %arg3[%run_scoped3A_32, %add3A_31, %dma_start3A_46] : memref<2x2500x128xi32, #tpu.memory_space<hbm>> -> memref<1x1x128xi32, #tpu.memory_space<hbm>>
        %dma_start3A_48 = tpu.memref_squeeze %dma_start3A_47 : memref<1x1x128xi32, #tpu.memory_space<hbm>> -> memref<1x128xi32, #tpu.memory_space<hbm>>
        tpu.enqueue_dma source(%dma_start3A_48 : memref<1x128xi32, #tpu.memory_space<hbm>>) target(%dma_start3A_45 : memref<1x128xi32, #tpu.memory_space<vmem>>) target_semaphore(%run_scoped3A_36 : memref<!tpu.dma_semaphore, #tpu.memory_space<semaphore_mem>>)
        %dma_wait3A = arith.constant 78 : i32
        %dma_wait3A_49 = arith.constant 0 : i32
        %dma_wait3A_50 = tpu.memref_slice %arg7[%dma_wait3A, %dma_wait3A_49] : memref<79x128xi32, #tpu.memory_space<vmem>> -> memref<1x128xi32, #tpu.memory_space<vmem>>
        %dma_wait3A_51 = arith.constant 0 : i32
        %dma_wait3A_52 = tpu.memref_slice %arg3[%run_scoped3A_32, %add3A_31, %dma_wait3A_51] : memref<2x2500x128xi32, #tpu.memory_space<hbm>> -> memref<1x1x128xi32, #tpu.memory_space<hbm>>
        %dma_wait3A_53 = tpu.memref_squeeze %dma_wait3A_52 : memref<1x1x128xi32, #tpu.memory_space<hbm>> -> memref<1x128xi32, #tpu.memory_space<hbm>>
        %dma_wait3A_54 = arith.constant 78 : i32
        %dma_wait3A_55 = arith.constant 0 : i32
        %dma_wait3A_56 = tpu.memref_slice %arg7[%dma_wait3A_54, %dma_wait3A_55] : memref<79x128xi32, #tpu.memory_space<vmem>> -> memref<1x128xi32, #tpu.memory_space<vmem>>
        %dma_wait3A_57 = arith.constant 0 : i32
        %dma_wait3A_58 = tpu.memref_slice %arg3[%run_scoped3A_32, %add3A_31, %dma_wait3A_57] : memref<2x2500x128xi32, #tpu.memory_space<hbm>> -> memref<1x1x128xi32, #tpu.memory_space<hbm>>
        %dma_wait3A_59 = tpu.memref_squeeze %dma_wait3A_58 : memref<1x1x128xi32, #tpu.memory_space<hbm>> -> memref<1x128xi32, #tpu.memory_space<hbm>>
        tpu.wait_dma2 semaphore(%run_scoped3A_36 : memref<!tpu.dma_semaphore, #tpu.memory_space<semaphore_mem>>) src(%dma_wait3A_59 : memref<1x128xi32, #tpu.memory_space<hbm>>) dst(%dma_wait3A_56 : memref<1x128xi32, #tpu.memory_space<vmem>>)
        tpu.yield
      }) : () -> ()
      %add3A_33 = arith.constant 78 : i32
      %add3A_34 = arith.addi %add3A_5, %add3A_33 : i32
      %run_scoped3A_35 = arith.constant 0 : i32
      "tpu.region"() ({
        %run_scoped3A_36 = tpu.sem_alloc : memref<!tpu.dma_semaphore, #tpu.memory_space<semaphore_mem>>
        %dma_start3A_37 = arith.constant 78 : i32
        %dma_start3A_38 = arith.constant 0 : i32
        %dma_start3A_39 = tpu.memref_slice %arg6[%dma_start3A_37, %dma_start3A_38] : memref<79x128xi32, #tpu.memory_space<vmem>> -> memref<1x128xi32, #tpu.memory_space<vmem>>
        %dma_start3A_40 = arith.constant 0 : i32
        %dma_start3A_41 = tpu.memref_slice %arg3[%run_scoped3A_35, %add3A_34, %dma_start3A_40] : memref<2x2500x128xi32, #tpu.memory_space<hbm>> -> memref<1x1x128xi32, #tpu.memory_space<hbm>>
        %dma_start3A_42 = tpu.memref_squeeze %dma_start3A_41 : memref<1x1x128xi32, #tpu.memory_space<hbm>> -> memref<1x128xi32, #tpu.memory_space<hbm>>
        %dma_start3A_43 = arith.constant 78 : i32
        %dma_start3A_44 = arith.constant 0 : i32
        %dma_start3A_45 = tpu.memref_slice %arg6[%dma_start3A_43, %dma_start3A_44] : memref<79x128xi32, #tpu.memory_space<vmem>> -> memref<1x128xi32, #tpu.memory_space<vmem>>
        %dma_start3A_46 = arith.constant 0 : i32
        %dma_start3A_47 = tpu.memref_slice %arg3[%run_scoped3A_35, %add3A_34, %dma_start3A_46] : memref<2x2500x128xi32, #tpu.memory_space<hbm>> -> memref<1x1x128xi32, #tpu.memory_space<hbm>>
        %dma_start3A_48 = tpu.memref_squeeze %dma_start3A_47 : memref<1x1x128xi32, #tpu.memory_space<hbm>> -> memref<1x128xi32, #tpu.memory_space<hbm>>
        tpu.enqueue_dma source(%dma_start3A_48 : memref<1x128xi32, #tpu.memory_space<hbm>>) target(%dma_start3A_45 : memref<1x128xi32, #tpu.memory_space<vmem>>) target_semaphore(%run_scoped3A_36 : memref<!tpu.dma_semaphore, #tpu.memory_space<semaphore_mem>>)
        %dma_wait3A = arith.constant 78 : i32
        %dma_wait3A_49 = arith.constant 0 : i32
        %dma_wait3A_50 = tpu.memref_slice %arg6[%dma_wait3A, %dma_wait3A_49] : memref<79x128xi32, #tpu.memory_space<vmem>> -> memref<1x128xi32, #tpu.memory_space<vmem>>
        %dma_wait3A_51 = arith.constant 0 : i32
        %dma_wait3A_52 = tpu.memref_slice %arg3[%run_scoped3A_35, %add3A_34, %dma_wait3A_51] : memref<2x2500x128xi32, #tpu.memory_space<hbm>> -> memref<1x1x128xi32, #tpu.memory_space<hbm>>
        %dma_wait3A_53 = tpu.memref_squeeze %dma_wait3A_52 : memref<1x1x128xi32, #tpu.memory_space<hbm>> -> memref<1x128xi32, #tpu.memory_space<hbm>>
        %dma_wait3A_54 = arith.constant 78 : i32
        %dma_wait3A_55 = arith.constant 0 : i32
        %dma_wait3A_56 = tpu.memref_slice %arg6[%dma_wait3A_54, %dma_wait3A_55] : memref<79x128xi32, #tpu.memory_space<vmem>> -> memref<1x128xi32, #tpu.memory_space<vmem>>
        %dma_wait3A_57 = arith.constant 0 : i32
        %dma_wait3A_58 = tpu.memref_slice %arg3[%run_scoped3A_35, %add3A_34, %dma_wait3A_57] : memref<2x2500x128xi32, #tpu.memory_space<hbm>> -> memref<1x1x128xi32, #tpu.memory_space<hbm>>
        %dma_wait3A_59 = tpu.memref_squeeze %dma_wait3A_58 : memref<1x1x128xi32, #tpu.memory_space<hbm>> -> memref<1x128xi32, #tpu.memory_space<hbm>>
        tpu.wait_dma2 semaphore(%run_scoped3A_36 : memref<!tpu.dma_semaphore, #tpu.memory_space<semaphore_mem>>) src(%dma_wait3A_59 : memref<1x128xi32, #tpu.memory_space<hbm>>) dst(%dma_wait3A_56 : memref<1x128xi32, #tpu.memory_space<vmem>>)
        tpu.yield
      }) : () -> ()
    } else {
    }
    %barrier3A = arith.constant 0 : index
    tpu.barrier barrier_id(%barrier3A)
    %dma_start3A = arith.constant 0 : i32
    %dma_start3A_10 = arith.constant 0 : i32
    %dma_start3A_11 = arith.constant 0 : i32
    %dma_start3A_12 = arith.constant 0 : i32
    %dma_start3A_13 = tpu.memref_slice %arg8[%dma_start3A_10, %dma_start3A_11, %dma_start3A_12] : memref<2x128x64xf32, #tpu.memory_space<vmem>> -> memref<1x128x64xf32, #tpu.memory_space<vmem>>
    %dma_start3A_14 = tpu.memref_squeeze %dma_start3A_13 : memref<1x128x64xf32, #tpu.memory_space<vmem>> -> memref<128x64xf32, #tpu.memory_space<vmem>>
    %dma_start3A_15 = arith.constant 0 : i32
    %dma_start3A_16 = tpu.memref_slice %arg6[%dma_start3A, %dma_start3A_15] : memref<79x128xi32, #tpu.memory_space<vmem>> -> memref<1x128xi32, #tpu.memory_space<vmem>>
    %dma_start3A_17 = tpu.memref_squeeze %dma_start3A_16 : memref<1x128xi32, #tpu.memory_space<vmem>> -> memref<128xi32, #tpu.memory_space<vmem>>
    %dma_start3A_18 = arith.constant 0 : i32
    %dma_start3A_19 = arith.constant 0 : i32
    %dma_start3A_20 = tpu.memref_slice %arg10[%dma_start3A_18, %dma_start3A_19] : memref<10000x64xf32, #tpu.memory_space<vmem_shared>> -> memref<10000x64xf32, #tpu.memory_space<vmem_shared>>
    tpu.enqueue_indirect_dma source(%dma_start3A_20 : memref<10000x64xf32, #tpu.memory_space<vmem_shared>>) target(%dma_start3A_14 : memref<128x64xf32, #tpu.memory_space<vmem>>) offsets(%dma_start3A_17 : memref<128xi32, #tpu.memory_space<vmem>>) semaphore(%arg11 : memref<!tpu.dma_semaphore, #tpu.memory_space<semaphore_mem>>)
    %scan3A = arith.constant 0 : i32
    %scan3A_21 = arith.constant 0 : i32
    %scan3A_22 = arith.constant 39 : i32
    %scan3A_23 = arith.addi %scan3A_21, %scan3A_22 : i32
    %scan3A_24 = arith.constant 1 : i32
    scf.for %scan3A_30 = %scan3A_21 to %scan3A_23 step %scan3A_24  : i32 {
      %mul3A_31 = arith.constant 2 : i32
      %mul3A_32 = arith.muli %mul3A_31, %scan3A_30 : i32
      %add3A_33 = arith.constant 1 : i32
      %add3A_34 = arith.addi %mul3A_32, %add3A_33 : i32
      %dma_start3A_35 = arith.constant 1 : i32
      %dma_start3A_36 = arith.constant 0 : i32
      %dma_start3A_37 = arith.constant 0 : i32
      %dma_start3A_38 = tpu.memref_slice %arg8[%dma_start3A_35, %dma_start3A_36, %dma_start3A_37] : memref<2x128x64xf32, #tpu.memory_space<vmem>> -> memref<1x128x64xf32, #tpu.memory_space<vmem>>
      %dma_start3A_39 = tpu.memref_squeeze %dma_start3A_38 : memref<1x128x64xf32, #tpu.memory_space<vmem>> -> memref<128x64xf32, #tpu.memory_space<vmem>>
      %dma_start3A_40 = arith.constant 0 : i32
      %dma_start3A_41 = tpu.memref_slice %arg6[%add3A_34, %dma_start3A_40] : memref<79x128xi32, #tpu.memory_space<vmem>> -> memref<1x128xi32, #tpu.memory_space<vmem>>
      %dma_start3A_42 = tpu.memref_squeeze %dma_start3A_41 : memref<1x128xi32, #tpu.memory_space<vmem>> -> memref<128xi32, #tpu.memory_space<vmem>>
      %dma_start3A_43 = arith.constant 0 : i32
      %dma_start3A_44 = arith.constant 0 : i32
      %dma_start3A_45 = tpu.memref_slice %arg10[%dma_start3A_43, %dma_start3A_44] : memref<10000x64xf32, #tpu.memory_space<vmem_shared>> -> memref<10000x64xf32, #tpu.memory_space<vmem_shared>>
      tpu.enqueue_indirect_dma source(%dma_start3A_45 : memref<10000x64xf32, #tpu.memory_space<vmem_shared>>) target(%dma_start3A_39 : memref<128x64xf32, #tpu.memory_space<vmem>>) offsets(%dma_start3A_42 : memref<128xi32, #tpu.memory_space<vmem>>) semaphore(%arg12 : memref<!tpu.dma_semaphore, #tpu.memory_space<semaphore_mem>>)
      %dma_wait3A = arith.constant 0 : i32
      %dma_wait3A_46 = arith.constant 0 : i32
      %dma_wait3A_47 = arith.constant 0 : i32
      %dma_wait3A_48 = tpu.memref_slice %arg8[%dma_wait3A, %dma_wait3A_46, %dma_wait3A_47] : memref<2x128x64xf32, #tpu.memory_space<vmem>> -> memref<1x128x64xf32, #tpu.memory_space<vmem>>
      %dma_wait3A_49 = tpu.memref_squeeze %dma_wait3A_48 : memref<1x128x64xf32, #tpu.memory_space<vmem>> -> memref<128x64xf32, #tpu.memory_space<vmem>>
      %dma_wait3A_50 = arith.constant 0 : i32
      %dma_wait3A_51 = tpu.memref_slice %arg6[%mul3A_32, %dma_wait3A_50] : memref<79x128xi32, #tpu.memory_space<vmem>> -> memref<1x128xi32, #tpu.memory_space<vmem>>
      %dma_wait3A_52 = tpu.memref_squeeze %dma_wait3A_51 : memref<1x128xi32, #tpu.memory_space<vmem>> -> memref<128xi32, #tpu.memory_space<vmem>>
      %dma_wait3A_53 = arith.constant 0 : i32
      %dma_wait3A_54 = arith.constant 0 : i32
      %dma_wait3A_55 = tpu.memref_slice %arg10[%dma_wait3A_53, %dma_wait3A_54] : memref<10000x64xf32, #tpu.memory_space<vmem_shared>> -> memref<10000x64xf32, #tpu.memory_space<vmem_shared>>
      tpu.wait_indirect_dma semaphore(%arg11 : memref<!tpu.dma_semaphore, #tpu.memory_space<semaphore_mem>>) src(%dma_wait3A_55 : memref<10000x64xf32, #tpu.memory_space<vmem_shared>>) dst(%dma_wait3A_49 : memref<128x64xf32, #tpu.memory_space<vmem>>)
      %dma_start3A_56 = arith.constant 0 : i32
      %dma_start3A_57 = arith.constant 0 : i32
      %dma_start3A_58 = arith.constant 0 : i32
      %dma_start3A_59 = tpu.memref_slice %arg8[%dma_start3A_56, %dma_start3A_57, %dma_start3A_58] : memref<2x128x64xf32, #tpu.memory_space<vmem>> -> memref<1x128x64xf32, #tpu.memory_space<vmem>>
      %dma_start3A_60 = tpu.memref_squeeze %dma_start3A_59 : memref<1x128x64xf32, #tpu.memory_space<vmem>> -> memref<128x64xf32, #tpu.memory_space<vmem>>
      %dma_start3A_61 = arith.constant 0 : i32
      %dma_start3A_62 = tpu.memref_slice %arg7[%mul3A_32, %dma_start3A_61] : memref<79x128xi32, #tpu.memory_space<vmem>> -> memref<1x128xi32, #tpu.memory_space<vmem>>
      %dma_start3A_63 = tpu.memref_squeeze %dma_start3A_62 : memref<1x128xi32, #tpu.memory_space<vmem>> -> memref<128xi32, #tpu.memory_space<vmem>>
      %dma_start3A_64 = arith.constant 0 : i32
      %dma_start3A_65 = arith.constant 0 : i32
      %dma_start3A_66 = tpu.memref_slice %arg9[%dma_start3A_64, %dma_start3A_65] : memref<10000x64xf32, #tpu.memory_space<vmem_shared>> -> memref<10000x64xf32, #tpu.memory_space<vmem_shared>>
      tpu.enqueue_indirect_dma source(%dma_start3A_60 : memref<128x64xf32, #tpu.memory_space<vmem>>) target(%dma_start3A_66 : memref<10000x64xf32, #tpu.memory_space<vmem_shared>>) offsets(%dma_start3A_63 : memref<128xi32, #tpu.memory_space<vmem>>) semaphore(%arg13 : memref<!tpu.dma_semaphore, #tpu.memory_space<semaphore_mem>>) {add = true}
      %dma_wait3A_67 = arith.constant 0 : i32
      %dma_wait3A_68 = arith.constant 0 : i32
      %dma_wait3A_69 = arith.constant 0 : i32
      %dma_wait3A_70 = tpu.memref_slice %arg8[%dma_wait3A_67, %dma_wait3A_68, %dma_wait3A_69] : memref<2x128x64xf32, #tpu.memory_space<vmem>> -> memref<1x128x64xf32, #tpu.memory_space<vmem>>
      %dma_wait3A_71 = tpu.memref_squeeze %dma_wait3A_70 : memref<1x128x64xf32, #tpu.memory_space<vmem>> -> memref<128x64xf32, #tpu.memory_space<vmem>>
      %dma_wait3A_72 = arith.constant 0 : i32
      %dma_wait3A_73 = tpu.memref_slice %arg7[%mul3A_32, %dma_wait3A_72] : memref<79x128xi32, #tpu.memory_space<vmem>> -> memref<1x128xi32, #tpu.memory_space<vmem>>
      %dma_wait3A_74 = tpu.memref_squeeze %dma_wait3A_73 : memref<1x128xi32, #tpu.memory_space<vmem>> -> memref<128xi32, #tpu.memory_space<vmem>>
      %dma_wait3A_75 = arith.constant 0 : i32
      %dma_wait3A_76 = arith.constant 0 : i32
      %dma_wait3A_77 = tpu.memref_slice %arg9[%dma_wait3A_75, %dma_wait3A_76] : memref<10000x64xf32, #tpu.memory_space<vmem_shared>> -> memref<10000x64xf32, #tpu.memory_space<vmem_shared>>
      tpu.wait_indirect_dma semaphore(%arg13 : memref<!tpu.dma_semaphore, #tpu.memory_space<semaphore_mem>>) src(%dma_wait3A_71 : memref<128x64xf32, #tpu.memory_space<vmem>>) dst(%dma_wait3A_77 : memref<10000x64xf32, #tpu.memory_space<vmem_shared>>)
      %add3A_78 = arith.constant 2 : i32
      %add3A_79 = arith.addi %mul3A_32, %add3A_78 : i32
      %lt3A_80 = arith.constant 78 : i32
      %lt3A_81 = arith.cmpi slt, %add3A_79, %lt3A_80 : i32
      %convert_element_type3A_82 = arith.extui %lt3A_81 : i1 to i32
      %cond3A_83 = arith.constant 0 : i32
      %cond3A_84 = arith.cmpi ne, %convert_element_type3A_82, %cond3A_83 : i32
      scf.if %cond3A_84 {
        %add3A_124 = arith.constant 2 : i32
        %add3A_125 = arith.addi %mul3A_32, %add3A_124 : i32
        %dma_start3A_126 = arith.constant 0 : i32
        %dma_start3A_127 = arith.constant 0 : i32
        %dma_start3A_128 = arith.constant 0 : i32
        %dma_start3A_129 = tpu.memref_slice %arg8[%dma_start3A_126, %dma_start3A_127, %dma_start3A_128] : memref<2x128x64xf32, #tpu.memory_space<vmem>> -> memref<1x128x64xf32, #tpu.memory_space<vmem>>
        %dma_start3A_130 = tpu.memref_squeeze %dma_start3A_129 : memref<1x128x64xf32, #tpu.memory_space<vmem>> -> memref<128x64xf32, #tpu.memory_space<vmem>>
        %dma_start3A_131 = arith.constant 0 : i32
        %dma_start3A_132 = tpu.memref_slice %arg6[%add3A_125, %dma_start3A_131] : memref<79x128xi32, #tpu.memory_space<vmem>> -> memref<1x128xi32, #tpu.memory_space<vmem>>
        %dma_start3A_133 = tpu.memref_squeeze %dma_start3A_132 : memref<1x128xi32, #tpu.memory_space<vmem>> -> memref<128xi32, #tpu.memory_space<vmem>>
        %dma_start3A_134 = arith.constant 0 : i32
        %dma_start3A_135 = arith.constant 0 : i32
        %dma_start3A_136 = tpu.memref_slice %arg10[%dma_start3A_134, %dma_start3A_135] : memref<10000x64xf32, #tpu.memory_space<vmem_shared>> -> memref<10000x64xf32, #tpu.memory_space<vmem_shared>>
        tpu.enqueue_indirect_dma source(%dma_start3A_136 : memref<10000x64xf32, #tpu.memory_space<vmem_shared>>) target(%dma_start3A_130 : memref<128x64xf32, #tpu.memory_space<vmem>>) offsets(%dma_start3A_133 : memref<128xi32, #tpu.memory_space<vmem>>) semaphore(%arg11 : memref<!tpu.dma_semaphore, #tpu.memory_space<semaphore_mem>>)
      } else {
      }
      %add3A_85 = arith.constant 1 : i32
      %add3A_86 = arith.addi %mul3A_32, %add3A_85 : i32
      %dma_wait3A_87 = arith.constant 1 : i32
      %dma_wait3A_88 = arith.constant 0 : i32
      %dma_wait3A_89 = arith.constant 0 : i32
      %dma_wait3A_90 = tpu.memref_slice %arg8[%dma_wait3A_87, %dma_wait3A_88, %dma_wait3A_89] : memref<2x128x64xf32, #tpu.memory_space<vmem>> -> memref<1x128x64xf32, #tpu.memory_space<vmem>>
      %dma_wait3A_91 = tpu.memref_squeeze %dma_wait3A_90 : memref<1x128x64xf32, #tpu.memory_space<vmem>> -> memref<128x64xf32, #tpu.memory_space<vmem>>
      %dma_wait3A_92 = arith.constant 0 : i32
      %dma_wait3A_93 = tpu.memref_slice %arg6[%add3A_86, %dma_wait3A_92] : memref<79x128xi32, #tpu.memory_space<vmem>> -> memref<1x128xi32, #tpu.memory_space<vmem>>
      %dma_wait3A_94 = tpu.memref_squeeze %dma_wait3A_93 : memref<1x128xi32, #tpu.memory_space<vmem>> -> memref<128xi32, #tpu.memory_space<vmem>>
      %dma_wait3A_95 = arith.constant 0 : i32
      %dma_wait3A_96 = arith.constant 0 : i32
      %dma_wait3A_97 = tpu.memref_slice %arg10[%dma_wait3A_95, %dma_wait3A_96] : memref<10000x64xf32, #tpu.memory_space<vmem_shared>> -> memref<10000x64xf32, #tpu.memory_space<vmem_shared>>
      tpu.wait_indirect_dma semaphore(%arg12 : memref<!tpu.dma_semaphore, #tpu.memory_space<semaphore_mem>>) src(%dma_wait3A_97 : memref<10000x64xf32, #tpu.memory_space<vmem_shared>>) dst(%dma_wait3A_91 : memref<128x64xf32, #tpu.memory_space<vmem>>)
      %add3A_98 = arith.constant 1 : i32
      %add3A_99 = arith.addi %mul3A_32, %add3A_98 : i32
      %dma_start3A_100 = arith.constant 1 : i32
      %dma_start3A_101 = arith.constant 0 : i32
      %dma_start3A_102 = arith.constant 0 : i32
      %dma_start3A_103 = tpu.memref_slice %arg8[%dma_start3A_100, %dma_start3A_101, %dma_start3A_102] : memref<2x128x64xf32, #tpu.memory_space<vmem>> -> memref<1x128x64xf32, #tpu.memory_space<vmem>>
      %dma_start3A_104 = tpu.memref_squeeze %dma_start3A_103 : memref<1x128x64xf32, #tpu.memory_space<vmem>> -> memref<128x64xf32, #tpu.memory_space<vmem>>
      %dma_start3A_105 = arith.constant 0 : i32
      %dma_start3A_106 = tpu.memref_slice %arg7[%add3A_99, %dma_start3A_105] : memref<79x128xi32, #tpu.memory_space<vmem>> -> memref<1x128xi32, #tpu.memory_space<vmem>>
      %dma_start3A_107 = tpu.memref_squeeze %dma_start3A_106 : memref<1x128xi32, #tpu.memory_space<vmem>> -> memref<128xi32, #tpu.memory_space<vmem>>
      %dma_start3A_108 = arith.constant 0 : i32
      %dma_start3A_109 = arith.constant 0 : i32
      %dma_start3A_110 = tpu.memref_slice %arg9[%dma_start3A_108, %dma_start3A_109] : memref<10000x64xf32, #tpu.memory_space<vmem_shared>> -> memref<10000x64xf32, #tpu.memory_space<vmem_shared>>
      tpu.enqueue_indirect_dma source(%dma_start3A_104 : memref<128x64xf32, #tpu.memory_space<vmem>>) target(%dma_start3A_110 : memref<10000x64xf32, #tpu.memory_space<vmem_shared>>) offsets(%dma_start3A_107 : memref<128xi32, #tpu.memory_space<vmem>>) semaphore(%arg14 : memref<!tpu.dma_semaphore, #tpu.memory_space<semaphore_mem>>) {add = true}
      %add3A_111 = arith.constant 1 : i32
      %add3A_112 = arith.addi %mul3A_32, %add3A_111 : i32
      %dma_wait3A_113 = arith.constant 1 : i32
      %dma_wait3A_114 = arith.constant 0 : i32
      %dma_wait3A_115 = arith.constant 0 : i32
      %dma_wait3A_116 = tpu.memref_slice %arg8[%dma_wait3A_113, %dma_wait3A_114, %dma_wait3A_115] : memref<2x128x64xf32, #tpu.memory_space<vmem>> -> memref<1x128x64xf32, #tpu.memory_space<vmem>>
      %dma_wait3A_117 = tpu.memref_squeeze %dma_wait3A_116 : memref<1x128x64xf32, #tpu.memory_space<vmem>> -> memref<128x64xf32, #tpu.memory_space<vmem>>
      %dma_wait3A_118 = arith.constant 0 : i32
      %dma_wait3A_119 = tpu.memref_slice %arg7[%add3A_112, %dma_wait3A_118] : memref<79x128xi32, #tpu.memory_space<vmem>> -> memref<1x128xi32, #tpu.memory_space<vmem>>
      %dma_wait3A_120 = tpu.memref_squeeze %dma_wait3A_119 : memref<1x128xi32, #tpu.memory_space<vmem>> -> memref<128xi32, #tpu.memory_space<vmem>>
      %dma_wait3A_121 = arith.constant 0 : i32
      %dma_wait3A_122 = arith.constant 0 : i32
      %dma_wait3A_123 = tpu.memref_slice %arg9[%dma_wait3A_121, %dma_wait3A_122] : memref<10000x64xf32, #tpu.memory_space<vmem_shared>> -> memref<10000x64xf32, #tpu.memory_space<vmem_shared>>
      tpu.wait_indirect_dma semaphore(%arg14 : memref<!tpu.dma_semaphore, #tpu.memory_space<semaphore_mem>>) src(%dma_wait3A_117 : memref<128x64xf32, #tpu.memory_space<vmem>>) dst(%dma_wait3A_123 : memref<10000x64xf32, #tpu.memory_space<vmem_shared>>)
    }
    %scan3A_25 = arith.constant 39 : i32
    %convert_element_type3A_26 = arith.extui %lt3A_1 : i1 to i32
    %cond3A_27 = arith.constant 0 : i32
    %cond3A_28 = arith.cmpi ne, %convert_element_type3A_26, %cond3A_27 : i32
    scf.if %cond3A_28 {
      %dma_start3A_30 = arith.constant 78 : i32
      %dma_start3A_31 = arith.constant 0 : i32
      %dma_start3A_32 = arith.constant 0 : i32
      %dma_start3A_33 = arith.constant 0 : i32
      %dma_start3A_34 = tpu.memref_slice %arg8[%dma_start3A_31, %dma_start3A_32, %dma_start3A_33] : memref<2x128x64xf32, #tpu.memory_space<vmem>> -> memref<1x128x64xf32, #tpu.memory_space<vmem>>
      %dma_start3A_35 = tpu.memref_squeeze %dma_start3A_34 : memref<1x128x64xf32, #tpu.memory_space<vmem>> -> memref<128x64xf32, #tpu.memory_space<vmem>>
      %dma_start3A_36 = arith.constant 0 : i32
      %dma_start3A_37 = tpu.memref_slice %arg6[%dma_start3A_30, %dma_start3A_36] : memref<79x128xi32, #tpu.memory_space<vmem>> -> memref<1x128xi32, #tpu.memory_space<vmem>>
      %dma_start3A_38 = tpu.memref_squeeze %dma_start3A_37 : memref<1x128xi32, #tpu.memory_space<vmem>> -> memref<128xi32, #tpu.memory_space<vmem>>
      %dma_start3A_39 = arith.constant 0 : i32
      %dma_start3A_40 = arith.constant 0 : i32
      %dma_start3A_41 = tpu.memref_slice %arg10[%dma_start3A_39, %dma_start3A_40] : memref<10000x64xf32, #tpu.memory_space<vmem_shared>> -> memref<10000x64xf32, #tpu.memory_space<vmem_shared>>
      tpu.enqueue_indirect_dma source(%dma_start3A_41 : memref<10000x64xf32, #tpu.memory_space<vmem_shared>>) target(%dma_start3A_35 : memref<128x64xf32, #tpu.memory_space<vmem>>) offsets(%dma_start3A_38 : memref<128xi32, #tpu.memory_space<vmem>>) semaphore(%arg11 : memref<!tpu.dma_semaphore, #tpu.memory_space<semaphore_mem>>)
      %dma_wait3A = arith.constant 78 : i32
      %dma_wait3A_42 = arith.constant 0 : i32
      %dma_wait3A_43 = arith.constant 0 : i32
      %dma_wait3A_44 = arith.constant 0 : i32
      %dma_wait3A_45 = tpu.memref_slice %arg8[%dma_wait3A_42, %dma_wait3A_43, %dma_wait3A_44] : memref<2x128x64xf32, #tpu.memory_space<vmem>> -> memref<1x128x64xf32, #tpu.memory_space<vmem>>
      %dma_wait3A_46 = tpu.memref_squeeze %dma_wait3A_45 : memref<1x128x64xf32, #tpu.memory_space<vmem>> -> memref<128x64xf32, #tpu.memory_space<vmem>>
      %dma_wait3A_47 = arith.constant 0 : i32
      %dma_wait3A_48 = tpu.memref_slice %arg6[%dma_wait3A, %dma_wait3A_47] : memref<79x128xi32, #tpu.memory_space<vmem>> -> memref<1x128xi32, #tpu.memory_space<vmem>>
      %dma_wait3A_49 = tpu.memref_squeeze %dma_wait3A_48 : memref<1x128xi32, #tpu.memory_space<vmem>> -> memref<128xi32, #tpu.memory_space<vmem>>
      %dma_wait3A_50 = arith.constant 0 : i32
      %dma_wait3A_51 = arith.constant 0 : i32
      %dma_wait3A_52 = tpu.memref_slice %arg10[%dma_wait3A_50, %dma_wait3A_51] : memref<10000x64xf32, #tpu.memory_space<vmem_shared>> -> memref<10000x64xf32, #tpu.memory_space<vmem_shared>>
      tpu.wait_indirect_dma semaphore(%arg11 : memref<!tpu.dma_semaphore, #tpu.memory_space<semaphore_mem>>) src(%dma_wait3A_52 : memref<10000x64xf32, #tpu.memory_space<vmem_shared>>) dst(%dma_wait3A_46 : memref<128x64xf32, #tpu.memory_space<vmem>>)
      %dma_start3A_53 = arith.constant 0 : i32
      %dma_start3A_54 = arith.constant 78 : i32
      %dma_start3A_55 = arith.constant 0 : i32
      %dma_start3A_56 = arith.constant 0 : i32
      %dma_start3A_57 = tpu.memref_slice %arg8[%dma_start3A_53, %dma_start3A_55, %dma_start3A_56] : memref<2x128x64xf32, #tpu.memory_space<vmem>> -> memref<1x128x64xf32, #tpu.memory_space<vmem>>
      %dma_start3A_58 = tpu.memref_squeeze %dma_start3A_57 : memref<1x128x64xf32, #tpu.memory_space<vmem>> -> memref<128x64xf32, #tpu.memory_space<vmem>>
      %dma_start3A_59 = arith.constant 0 : i32
      %dma_start3A_60 = tpu.memref_slice %arg7[%dma_start3A_54, %dma_start3A_59] : memref<79x128xi32, #tpu.memory_space<vmem>> -> memref<1x128xi32, #tpu.memory_space<vmem>>
      %dma_start3A_61 = tpu.memref_squeeze %dma_start3A_60 : memref<1x128xi32, #tpu.memory_space<vmem>> -> memref<128xi32, #tpu.memory_space<vmem>>
      %dma_start3A_62 = arith.constant 0 : i32
      %dma_start3A_63 = arith.constant 0 : i32
      %dma_start3A_64 = tpu.memref_slice %arg9[%dma_start3A_62, %dma_start3A_63] : memref<10000x64xf32, #tpu.memory_space<vmem_shared>> -> memref<10000x64xf32, #tpu.memory_space<vmem_shared>>
      tpu.enqueue_indirect_dma source(%dma_start3A_58 : memref<128x64xf32, #tpu.memory_space<vmem>>) target(%dma_start3A_64 : memref<10000x64xf32, #tpu.memory_space<vmem_shared>>) offsets(%dma_start3A_61 : memref<128xi32, #tpu.memory_space<vmem>>) semaphore(%arg13 : memref<!tpu.dma_semaphore, #tpu.memory_space<semaphore_mem>>) {add = true}
      %dma_wait3A_65 = arith.constant 0 : i32
      %dma_wait3A_66 = arith.constant 78 : i32
      %dma_wait3A_67 = arith.constant 0 : i32
      %dma_wait3A_68 = arith.constant 0 : i32
      %dma_wait3A_69 = tpu.memref_slice %arg8[%dma_wait3A_65, %dma_wait3A_67, %dma_wait3A_68] : memref<2x128x64xf32, #tpu.memory_space<vmem>> -> memref<1x128x64xf32, #tpu.memory_space<vmem>>
      %dma_wait3A_70 = tpu.memref_squeeze %dma_wait3A_69 : memref<1x128x64xf32, #tpu.memory_space<vmem>> -> memref<128x64xf32, #tpu.memory_space<vmem>>
      %dma_wait3A_71 = arith.constant 0 : i32
      %dma_wait3A_72 = tpu.memref_slice %arg7[%dma_wait3A_66, %dma_wait3A_71] : memref<79x128xi32, #tpu.memory_space<vmem>> -> memref<1x128xi32, #tpu.memory_space<vmem>>
      %dma_wait3A_73 = tpu.memref_squeeze %dma_wait3A_72 : memref<1x128xi32, #tpu.memory_space<vmem>> -> memref<128xi32, #tpu.memory_space<vmem>>
      %dma_wait3A_74 = arith.constant 0 : i32
      %dma_wait3A_75 = arith.constant 0 : i32
      %dma_wait3A_76 = tpu.memref_slice %arg9[%dma_wait3A_74, %dma_wait3A_75] : memref<10000x64xf32, #tpu.memory_space<vmem_shared>> -> memref<10000x64xf32, #tpu.memory_space<vmem_shared>>
      tpu.wait_indirect_dma semaphore(%arg13 : memref<!tpu.dma_semaphore, #tpu.memory_space<semaphore_mem>>) src(%dma_wait3A_70 : memref<128x64xf32, #tpu.memory_space<vmem>>) dst(%dma_wait3A_76 : memref<10000x64xf32, #tpu.memory_space<vmem_shared>>)
    } else {
    }
    %barrier3A_29 = arith.constant 0 : index
    tpu.barrier barrier_id(%barrier3A_29)
    "tpu.region"() ({
      %run_scoped3A_30 = tpu.sem_alloc : memref<!tpu.dma_semaphore, #tpu.memory_space<semaphore_mem>>
      %dma_start3A_31 = arith.constant 0 : i32
      %dma_start3A_32 = tpu.memref_slice %arg5[%arg0, %mul3A_7, %dma_start3A_31] : memref<2x10000x64xf32, #tpu.memory_space<hbm>> -> memref<1x625x64xf32, #tpu.memory_space<hbm>>
      %dma_start3A_33 = tpu.memref_squeeze %dma_start3A_32 : memref<1x625x64xf32, #tpu.memory_space<hbm>> -> memref<625x64xf32, #tpu.memory_space<hbm>>
      %dma_start3A_34 = arith.constant 0 : i32
      %dma_start3A_35 = tpu.memref_slice %arg9[%mul3A_7, %dma_start3A_34] : memref<10000x64xf32, #tpu.memory_space<vmem_shared>> -> memref<625x64xf32, #tpu.memory_space<vmem_shared>>
      tpu.enqueue_dma source(%dma_start3A_35 : memref<625x64xf32, #tpu.memory_space<vmem_shared>>) target(%dma_start3A_33 : memref<625x64xf32, #tpu.memory_space<hbm>>) target_semaphore(%run_scoped3A_30 : memref<!tpu.dma_semaphore, #tpu.memory_space<semaphore_mem>>)
      %dma_wait3A = arith.constant 0 : i32
      %dma_wait3A_36 = tpu.memref_slice %arg5[%arg0, %mul3A_7, %dma_wait3A] : memref<2x10000x64xf32, #tpu.memory_space<hbm>> -> memref<1x625x64xf32, #tpu.memory_space<hbm>>
      %dma_wait3A_37 = tpu.memref_squeeze %dma_wait3A_36 : memref<1x625x64xf32, #tpu.memory_space<hbm>> -> memref<625x64xf32, #tpu.memory_space<hbm>>
      %dma_wait3A_38 = arith.constant 0 : i32
      %dma_wait3A_39 = tpu.memref_slice %arg9[%mul3A_7, %dma_wait3A_38] : memref<10000x64xf32, #tpu.memory_space<vmem_shared>> -> memref<625x64xf32, #tpu.memory_space<vmem_shared>>
      tpu.wait_dma2 semaphore(%run_scoped3A_30 : memref<!tpu.dma_semaphore, #tpu.memory_space<semaphore_mem>>) src(%dma_wait3A_39 : memref<625x64xf32, #tpu.memory_space<vmem_shared>>) dst(%dma_wait3A_37 : memref<625x64xf32, #tpu.memory_space<hbm>>)
      tpu.yield
    }) : () -> ()
    return
  }
}

#map = affine_map<(d0, d1) -> (0, 0)>
#map1 = affine_map<(d0, d1) -> (0, 0, 0)>
module attributes {stable_mosaic.version = 14 : i64} {
  func.func @k(%arg0: i32, %arg1: i32, %arg2: memref<10000x64xf32, #tpu.memory_space<hbm>>, %arg3: memref<2x2500x128xi32, #tpu.memory_space<hbm>>, %arg4: memref<10000x64xf32, #tpu.memory_space<hbm>>, %arg5: memref<2x10000x64xf32, #tpu.memory_space<hbm>>, %arg6: memref<79x128xi32, #tpu.memory_space<vmem>>, %arg7: memref<79x128xi32, #tpu.memory_space<vmem>>, %arg8: memref<2x128x64xf32, #tpu.memory_space<vmem>>, %arg9: memref<10000x64xf32, #tpu.memory_space<vmem_shared>>, %arg10: memref<10000x64xf32, #tpu.memory_space<vmem_shared>>, %arg11: memref<!tpu.dma_semaphore, #tpu.memory_space<semaphore_mem>>, %arg12: memref<!tpu.dma_semaphore, #tpu.memory_space<semaphore_mem>>, %arg13: memref<!tpu.dma_semaphore, #tpu.memory_space<semaphore_mem>>, %arg14: memref<!tpu.dma_semaphore, #tpu.memory_space<semaphore_mem>>) attributes {dimension_semantics = [#tpu.dimension_semantics<core_parallel>, #tpu.dimension_semantics<subcore_parallel>], iteration_bounds = array<i64: 2, 16>, scalar_prefetch = 0 : i64, scratch_operands = 9 : i64, tpu.core_type = #tpu.core_type<sc_vector_subcore>, window_params = [{transform_indices = #map}, {transform_indices = #map1}, {transform_indices = #map}, {transform_indices = #map1}]} {
    %mul3A = arith.constant 16 : i32
    %mul3A_0 = arith.muli %arg0, %mul3A : i32
    %add3A = arith.addi %mul3A_0, %arg1 : i32
    %lt3A = arith.constant 4 : i32
    %lt3A_1 = arith.cmpi slt, %add3A, %lt3A : i32
    %mul3A_2 = arith.constant 78 : i32
    %mul3A_3 = arith.muli %add3A, %mul3A_2 : i32
    %min3A = arith.constant 4 : i32
    %min3A_4 = arith.minsi %add3A, %min3A : i32
    %add3A_5 = arith.addi %mul3A_3, %min3A_4 : i32
    %mul3A_6 = arith.constant 625 : i32
    %mul3A_7 = arith.muli %arg1, %mul3A_6 : i32
    "tpu.region"() ({
      %run_scoped3A_30 = tpu.sem_alloc : memref<!tpu.dma_semaphore, #tpu.memory_space<semaphore_mem>>
      %dma_start3A_31 = arith.constant 0 : i32
      %dma_start3A_32 = tpu.memref_slice %arg9[%mul3A_7, %dma_start3A_31] : memref<10000x64xf32, #tpu.memory_space<vmem_shared>> -> memref<625x64xf32, #tpu.memory_space<vmem_shared>>
      %dma_start3A_33 = arith.constant 0 : i32
      %dma_start3A_34 = tpu.memref_slice %arg4[%mul3A_7, %dma_start3A_33] : memref<10000x64xf32, #tpu.memory_space<hbm>> -> memref<625x64xf32, #tpu.memory_space<hbm>>
      tpu.enqueue_dma source(%dma_start3A_34 : memref<625x64xf32, #tpu.memory_space<hbm>>) target(%dma_start3A_32 : memref<625x64xf32, #tpu.memory_space<vmem_shared>>) target_semaphore(%run_scoped3A_30 : memref<!tpu.dma_semaphore, #tpu.memory_space<semaphore_mem>>)
      %dma_wait3A = arith.constant 0 : i32
      %dma_wait3A_35 = tpu.memref_slice %arg9[%mul3A_7, %dma_wait3A] : memref<10000x64xf32, #tpu.memory_space<vmem_shared>> -> memref<625x64xf32, #tpu.memory_space<vmem_shared>>
      %dma_wait3A_36 = arith.constant 0 : i32
      %dma_wait3A_37 = tpu.memref_slice %arg4[%mul3A_7, %dma_wait3A_36] : memref<10000x64xf32, #tpu.memory_space<hbm>> -> memref<625x64xf32, #tpu.memory_space<hbm>>
      tpu.wait_dma2 semaphore(%run_scoped3A_30 : memref<!tpu.dma_semaphore, #tpu.memory_space<semaphore_mem>>) src(%dma_wait3A_37 : memref<625x64xf32, #tpu.memory_space<hbm>>) dst(%dma_wait3A_35 : memref<625x64xf32, #tpu.memory_space<vmem_shared>>)
      tpu.yield
    }) : () -> ()
    %run_scoped3A = arith.constant 1 : i32
    "tpu.region"() ({
      %run_scoped3A_30 = tpu.sem_alloc : memref<!tpu.dma_semaphore, #tpu.memory_space<semaphore_mem>>
      %dma_start3A_31 = arith.constant 0 : i32
      %dma_start3A_32 = arith.constant 0 : i32
      %dma_start3A_33 = tpu.memref_slice %arg7[%dma_start3A_31, %dma_start3A_32] : memref<79x128xi32, #tpu.memory_space<vmem>> -> memref<78x128xi32, #tpu.memory_space<vmem>>
      %dma_start3A_34 = arith.constant 0 : i32
      %dma_start3A_35 = tpu.memref_slice %arg3[%run_scoped3A, %add3A_5, %dma_start3A_34] : memref<2x2500x128xi32, #tpu.memory_space<hbm>> -> memref<1x78x128xi32, #tpu.memory_space<hbm>>
      %dma_start3A_36 = tpu.memref_squeeze %dma_start3A_35 : memref<1x78x128xi32, #tpu.memory_space<hbm>> -> memref<78x128xi32, #tpu.memory_space<hbm>>
      %dma_start3A_37 = arith.constant 0 : i32
      %dma_start3A_38 = arith.constant 0 : i32
      %dma_start3A_39 = tpu.memref_slice %arg7[%dma_start3A_37, %dma_start3A_38] : memref<79x128xi32, #tpu.memory_space<vmem>> -> memref<78x128xi32, #tpu.memory_space<vmem>>
      %dma_start3A_40 = arith.constant 0 : i32
      %dma_start3A_41 = tpu.memref_slice %arg3[%run_scoped3A, %add3A_5, %dma_start3A_40] : memref<2x2500x128xi32, #tpu.memory_space<hbm>> -> memref<1x78x128xi32, #tpu.memory_space<hbm>>
      %dma_start3A_42 = tpu.memref_squeeze %dma_start3A_41 : memref<1x78x128xi32, #tpu.memory_space<hbm>> -> memref<78x128xi32, #tpu.memory_space<hbm>>
      tpu.enqueue_dma source(%dma_start3A_42 : memref<78x128xi32, #tpu.memory_space<hbm>>) target(%dma_start3A_39 : memref<78x128xi32, #tpu.memory_space<vmem>>) target_semaphore(%run_scoped3A_30 : memref<!tpu.dma_semaphore, #tpu.memory_space<semaphore_mem>>)
      %dma_wait3A = arith.constant 0 : i32
      %dma_wait3A_43 = arith.constant 0 : i32
      %dma_wait3A_44 = tpu.memref_slice %arg7[%dma_wait3A, %dma_wait3A_43] : memref<79x128xi32, #tpu.memory_space<vmem>> -> memref<78x128xi32, #tpu.memory_space<vmem>>
      %dma_wait3A_45 = arith.constant 0 : i32
      %dma_wait3A_46 = tpu.memref_slice %arg3[%run_scoped3A, %add3A_5, %dma_wait3A_45] : memref<2x2500x128xi32, #tpu.memory_space<hbm>> -> memref<1x78x128xi32, #tpu.memory_space<hbm>>
      %dma_wait3A_47 = tpu.memref_squeeze %dma_wait3A_46 : memref<1x78x128xi32, #tpu.memory_space<hbm>> -> memref<78x128xi32, #tpu.memory_space<hbm>>
      %dma_wait3A_48 = arith.constant 0 : i32
      %dma_wait3A_49 = arith.constant 0 : i32
      %dma_wait3A_50 = tpu.memref_slice %arg7[%dma_wait3A_48, %dma_wait3A_49] : memref<79x128xi32, #tpu.memory_space<vmem>> -> memref<78x128xi32, #tpu.memory_space<vmem>>
      %dma_wait3A_51 = arith.constant 0 : i32
      %dma_wait3A_52 = tpu.memref_slice %arg3[%run_scoped3A, %add3A_5, %dma_wait3A_51] : memref<2x2500x128xi32, #tpu.memory_space<hbm>> -> memref<1x78x128xi32, #tpu.memory_space<hbm>>
      %dma_wait3A_53 = tpu.memref_squeeze %dma_wait3A_52 : memref<1x78x128xi32, #tpu.memory_space<hbm>> -> memref<78x128xi32, #tpu.memory_space<hbm>>
      tpu.wait_dma2 semaphore(%run_scoped3A_30 : memref<!tpu.dma_semaphore, #tpu.memory_space<semaphore_mem>>) src(%dma_wait3A_53 : memref<78x128xi32, #tpu.memory_space<hbm>>) dst(%dma_wait3A_50 : memref<78x128xi32, #tpu.memory_space<vmem>>)
      tpu.yield
    }) : () -> ()
    %run_scoped3A_8 = arith.constant 0 : i32
    "tpu.region"() ({
      %run_scoped3A_30 = tpu.sem_alloc : memref<!tpu.dma_semaphore, #tpu.memory_space<semaphore_mem>>
      %dma_start3A_31 = arith.constant 0 : i32
      %dma_start3A_32 = arith.constant 0 : i32
      %dma_start3A_33 = tpu.memref_slice %arg6[%dma_start3A_31, %dma_start3A_32] : memref<79x128xi32, #tpu.memory_space<vmem>> -> memref<78x128xi32, #tpu.memory_space<vmem>>
      %dma_start3A_34 = arith.constant 0 : i32
      %dma_start3A_35 = tpu.memref_slice %arg3[%run_scoped3A_8, %add3A_5, %dma_start3A_34] : memref<2x2500x128xi32, #tpu.memory_space<hbm>> -> memref<1x78x128xi32, #tpu.memory_space<hbm>>
      %dma_start3A_36 = tpu.memref_squeeze %dma_start3A_35 : memref<1x78x128xi32, #tpu.memory_space<hbm>> -> memref<78x128xi32, #tpu.memory_space<hbm>>
      %dma_start3A_37 = arith.constant 0 : i32
      %dma_start3A_38 = arith.constant 0 : i32
      %dma_start3A_39 = tpu.memref_slice %arg6[%dma_start3A_37, %dma_start3A_38] : memref<79x128xi32, #tpu.memory_space<vmem>> -> memref<78x128xi32, #tpu.memory_space<vmem>>
      %dma_start3A_40 = arith.constant 0 : i32
      %dma_start3A_41 = tpu.memref_slice %arg3[%run_scoped3A_8, %add3A_5, %dma_start3A_40] : memref<2x2500x128xi32, #tpu.memory_space<hbm>> -> memref<1x78x128xi32, #tpu.memory_space<hbm>>
      %dma_start3A_42 = tpu.memref_squeeze %dma_start3A_41 : memref<1x78x128xi32, #tpu.memory_space<hbm>> -> memref<78x128xi32, #tpu.memory_space<hbm>>
      tpu.enqueue_dma source(%dma_start3A_42 : memref<78x128xi32, #tpu.memory_space<hbm>>) target(%dma_start3A_39 : memref<78x128xi32, #tpu.memory_space<vmem>>) target_semaphore(%run_scoped3A_30 : memref<!tpu.dma_semaphore, #tpu.memory_space<semaphore_mem>>)
      %dma_wait3A = arith.constant 0 : i32
      %dma_wait3A_43 = arith.constant 0 : i32
      %dma_wait3A_44 = tpu.memref_slice %arg6[%dma_wait3A, %dma_wait3A_43] : memref<79x128xi32, #tpu.memory_space<vmem>> -> memref<78x128xi32, #tpu.memory_space<vmem>>
      %dma_wait3A_45 = arith.constant 0 : i32
      %dma_wait3A_46 = tpu.memref_slice %arg3[%run_scoped3A_8, %add3A_5, %dma_wait3A_45] : memref<2x2500x128xi32, #tpu.memory_space<hbm>> -> memref<1x78x128xi32, #tpu.memory_space<hbm>>
      %dma_wait3A_47 = tpu.memref_squeeze %dma_wait3A_46 : memref<1x78x128xi32, #tpu.memory_space<hbm>> -> memref<78x128xi32, #tpu.memory_space<hbm>>
      %dma_wait3A_48 = arith.constant 0 : i32
      %dma_wait3A_49 = arith.constant 0 : i32
      %dma_wait3A_50 = tpu.memref_slice %arg6[%dma_wait3A_48, %dma_wait3A_49] : memref<79x128xi32, #tpu.memory_space<vmem>> -> memref<78x128xi32, #tpu.memory_space<vmem>>
      %dma_wait3A_51 = arith.constant 0 : i32
      %dma_wait3A_52 = tpu.memref_slice %arg3[%run_scoped3A_8, %add3A_5, %dma_wait3A_51] : memref<2x2500x128xi32, #tpu.memory_space<hbm>> -> memref<1x78x128xi32, #tpu.memory_space<hbm>>
      %dma_wait3A_53 = tpu.memref_squeeze %dma_wait3A_52 : memref<1x78x128xi32, #tpu.memory_space<hbm>> -> memref<78x128xi32, #tpu.memory_space<hbm>>
      tpu.wait_dma2 semaphore(%run_scoped3A_30 : memref<!tpu.dma_semaphore, #tpu.memory_space<semaphore_mem>>) src(%dma_wait3A_53 : memref<78x128xi32, #tpu.memory_space<hbm>>) dst(%dma_wait3A_50 : memref<78x128xi32, #tpu.memory_space<vmem>>)
      tpu.yield
    }) : () -> ()
    "tpu.region"() ({
      %run_scoped3A_30 = tpu.sem_alloc : memref<!tpu.dma_semaphore, #tpu.memory_space<semaphore_mem>>
      %dma_start3A_31 = arith.constant 0 : i32
      %dma_start3A_32 = tpu.memref_slice %arg10[%mul3A_7, %dma_start3A_31] : memref<10000x64xf32, #tpu.memory_space<vmem_shared>> -> memref<625x64xf32, #tpu.memory_space<vmem_shared>>
      %dma_start3A_33 = arith.constant 0 : i32
      %dma_start3A_34 = tpu.memref_slice %arg2[%mul3A_7, %dma_start3A_33] : memref<10000x64xf32, #tpu.memory_space<hbm>> -> memref<625x64xf32, #tpu.memory_space<hbm>>
      tpu.enqueue_dma source(%dma_start3A_34 : memref<625x64xf32, #tpu.memory_space<hbm>>) target(%dma_start3A_32 : memref<625x64xf32, #tpu.memory_space<vmem_shared>>) target_semaphore(%run_scoped3A_30 : memref<!tpu.dma_semaphore, #tpu.memory_space<semaphore_mem>>)
      %dma_wait3A = arith.constant 0 : i32
      %dma_wait3A_35 = tpu.memref_slice %arg10[%mul3A_7, %dma_wait3A] : memref<10000x64xf32, #tpu.memory_space<vmem_shared>> -> memref<625x64xf32, #tpu.memory_space<vmem_shared>>
      %dma_wait3A_36 = arith.constant 0 : i32
      %dma_wait3A_37 = tpu.memref_slice %arg2[%mul3A_7, %dma_wait3A_36] : memref<10000x64xf32, #tpu.memory_space<hbm>> -> memref<625x64xf32, #tpu.memory_space<hbm>>
      tpu.wait_dma2 semaphore(%run_scoped3A_30 : memref<!tpu.dma_semaphore, #tpu.memory_space<semaphore_mem>>) src(%dma_wait3A_37 : memref<625x64xf32, #tpu.memory_space<hbm>>) dst(%dma_wait3A_35 : memref<625x64xf32, #tpu.memory_space<vmem_shared>>)
      tpu.yield
    }) : () -> ()
    %convert_element_type3A = arith.extui %lt3A_1 : i1 to i32
    %cond3A = arith.constant 0 : i32
    %cond3A_9 = arith.cmpi ne, %convert_element_type3A, %cond3A : i32
    scf.if %cond3A_9 {
      %add3A_30 = arith.constant 78 : i32
      %add3A_31 = arith.addi %add3A_5, %add3A_30 : i32
      %run_scoped3A_32 = arith.constant 1 : i32
      "tpu.region"() ({
        %run_scoped3A_36 = tpu.sem_alloc : memref<!tpu.dma_semaphore, #tpu.memory_space<semaphore_mem>>
        %dma_start3A_37 = arith.constant 78 : i32
        %dma_start3A_38 = arith.constant 0 : i32
        %dma_start3A_39 = tpu.memref_slice %arg7[%dma_start3A_37, %dma_start3A_38] : memref<79x128xi32, #tpu.memory_space<vmem>> -> memref<1x128xi32, #tpu.memory_space<vmem>>
        %dma_start3A_40 = arith.constant 0 : i32
        %dma_start3A_41 = tpu.memref_slice %arg3[%run_scoped3A_32, %add3A_31, %dma_start3A_40] : memref<2x2500x128xi32, #tpu.memory_space<hbm>> -> memref<1x1x128xi32, #tpu.memory_space<hbm>>
        %dma_start3A_42 = tpu.memref_squeeze %dma_start3A_41 : memref<1x1x128xi32, #tpu.memory_space<hbm>> -> memref<1x128xi32, #tpu.memory_space<hbm>>
        %dma_start3A_43 = arith.constant 78 : i32
        %dma_start3A_44 = arith.constant 0 : i32
        %dma_start3A_45 = tpu.memref_slice %arg7[%dma_start3A_43, %dma_start3A_44] : memref<79x128xi32, #tpu.memory_space<vmem>> -> memref<1x128xi32, #tpu.memory_space<vmem>>
        %dma_start3A_46 = arith.constant 0 : i32
        %dma_start3A_47 = tpu.memref_slice %arg3[%run_scoped3A_32, %add3A_31, %dma_start3A_46] : memref<2x2500x128xi32, #tpu.memory_space<hbm>> -> memref<1x1x128xi32, #tpu.memory_space<hbm>>
        %dma_start3A_48 = tpu.memref_squeeze %dma_start3A_47 : memref<1x1x128xi32, #tpu.memory_space<hbm>> -> memref<1x128xi32, #tpu.memory_space<hbm>>
        tpu.enqueue_dma source(%dma_start3A_48 : memref<1x128xi32, #tpu.memory_space<hbm>>) target(%dma_start3A_45 : memref<1x128xi32, #tpu.memory_space<vmem>>) target_semaphore(%run_scoped3A_36 : memref<!tpu.dma_semaphore, #tpu.memory_space<semaphore_mem>>)
        %dma_wait3A = arith.constant 78 : i32
        %dma_wait3A_49 = arith.constant 0 : i32
        %dma_wait3A_50 = tpu.memref_slice %arg7[%dma_wait3A, %dma_wait3A_49] : memref<79x128xi32, #tpu.memory_space<vmem>> -> memref<1x128xi32, #tpu.memory_space<vmem>>
        %dma_wait3A_51 = arith.constant 0 : i32
        %dma_wait3A_52 = tpu.memref_slice %arg3[%run_scoped3A_32, %add3A_31, %dma_wait3A_51] : memref<2x2500x128xi32, #tpu.memory_space<hbm>> -> memref<1x1x128xi32, #tpu.memory_space<hbm>>
        %dma_wait3A_53 = tpu.memref_squeeze %dma_wait3A_52 : memref<1x1x128xi32, #tpu.memory_space<hbm>> -> memref<1x128xi32, #tpu.memory_space<hbm>>
        %dma_wait3A_54 = arith.constant 78 : i32
        %dma_wait3A_55 = arith.constant 0 : i32
        %dma_wait3A_56 = tpu.memref_slice %arg7[%dma_wait3A_54, %dma_wait3A_55] : memref<79x128xi32, #tpu.memory_space<vmem>> -> memref<1x128xi32, #tpu.memory_space<vmem>>
        %dma_wait3A_57 = arith.constant 0 : i32
        %dma_wait3A_58 = tpu.memref_slice %arg3[%run_scoped3A_32, %add3A_31, %dma_wait3A_57] : memref<2x2500x128xi32, #tpu.memory_space<hbm>> -> memref<1x1x128xi32, #tpu.memory_space<hbm>>
        %dma_wait3A_59 = tpu.memref_squeeze %dma_wait3A_58 : memref<1x1x128xi32, #tpu.memory_space<hbm>> -> memref<1x128xi32, #tpu.memory_space<hbm>>
        tpu.wait_dma2 semaphore(%run_scoped3A_36 : memref<!tpu.dma_semaphore, #tpu.memory_space<semaphore_mem>>) src(%dma_wait3A_59 : memref<1x128xi32, #tpu.memory_space<hbm>>) dst(%dma_wait3A_56 : memref<1x128xi32, #tpu.memory_space<vmem>>)
        tpu.yield
      }) : () -> ()
      %add3A_33 = arith.constant 78 : i32
      %add3A_34 = arith.addi %add3A_5, %add3A_33 : i32
      %run_scoped3A_35 = arith.constant 0 : i32
      "tpu.region"() ({
        %run_scoped3A_36 = tpu.sem_alloc : memref<!tpu.dma_semaphore, #tpu.memory_space<semaphore_mem>>
        %dma_start3A_37 = arith.constant 78 : i32
        %dma_start3A_38 = arith.constant 0 : i32
        %dma_start3A_39 = tpu.memref_slice %arg6[%dma_start3A_37, %dma_start3A_38] : memref<79x128xi32, #tpu.memory_space<vmem>> -> memref<1x128xi32, #tpu.memory_space<vmem>>
        %dma_start3A_40 = arith.constant 0 : i32
        %dma_start3A_41 = tpu.memref_slice %arg3[%run_scoped3A_35, %add3A_34, %dma_start3A_40] : memref<2x2500x128xi32, #tpu.memory_space<hbm>> -> memref<1x1x128xi32, #tpu.memory_space<hbm>>
        %dma_start3A_42 = tpu.memref_squeeze %dma_start3A_41 : memref<1x1x128xi32, #tpu.memory_space<hbm>> -> memref<1x128xi32, #tpu.memory_space<hbm>>
        %dma_start3A_43 = arith.constant 78 : i32
        %dma_start3A_44 = arith.constant 0 : i32
        %dma_start3A_45 = tpu.memref_slice %arg6[%dma_start3A_43, %dma_start3A_44] : memref<79x128xi32, #tpu.memory_space<vmem>> -> memref<1x128xi32, #tpu.memory_space<vmem>>
        %dma_start3A_46 = arith.constant 0 : i32
        %dma_start3A_47 = tpu.memref_slice %arg3[%run_scoped3A_35, %add3A_34, %dma_start3A_46] : memref<2x2500x128xi32, #tpu.memory_space<hbm>> -> memref<1x1x128xi32, #tpu.memory_space<hbm>>
        %dma_start3A_48 = tpu.memref_squeeze %dma_start3A_47 : memref<1x1x128xi32, #tpu.memory_space<hbm>> -> memref<1x128xi32, #tpu.memory_space<hbm>>
        tpu.enqueue_dma source(%dma_start3A_48 : memref<1x128xi32, #tpu.memory_space<hbm>>) target(%dma_start3A_45 : memref<1x128xi32, #tpu.memory_space<vmem>>) target_semaphore(%run_scoped3A_36 : memref<!tpu.dma_semaphore, #tpu.memory_space<semaphore_mem>>)
        %dma_wait3A = arith.constant 78 : i32
        %dma_wait3A_49 = arith.constant 0 : i32
        %dma_wait3A_50 = tpu.memref_slice %arg6[%dma_wait3A, %dma_wait3A_49] : memref<79x128xi32, #tpu.memory_space<vmem>> -> memref<1x128xi32, #tpu.memory_space<vmem>>
        %dma_wait3A_51 = arith.constant 0 : i32
        %dma_wait3A_52 = tpu.memref_slice %arg3[%run_scoped3A_35, %add3A_34, %dma_wait3A_51] : memref<2x2500x128xi32, #tpu.memory_space<hbm>> -> memref<1x1x128xi32, #tpu.memory_space<hbm>>
        %dma_wait3A_53 = tpu.memref_squeeze %dma_wait3A_52 : memref<1x1x128xi32, #tpu.memory_space<hbm>> -> memref<1x128xi32, #tpu.memory_space<hbm>>
        %dma_wait3A_54 = arith.constant 78 : i32
        %dma_wait3A_55 = arith.constant 0 : i32
        %dma_wait3A_56 = tpu.memref_slice %arg6[%dma_wait3A_54, %dma_wait3A_55] : memref<79x128xi32, #tpu.memory_space<vmem>> -> memref<1x128xi32, #tpu.memory_space<vmem>>
        %dma_wait3A_57 = arith.constant 0 : i32
        %dma_wait3A_58 = tpu.memref_slice %arg3[%run_scoped3A_35, %add3A_34, %dma_wait3A_57] : memref<2x2500x128xi32, #tpu.memory_space<hbm>> -> memref<1x1x128xi32, #tpu.memory_space<hbm>>
        %dma_wait3A_59 = tpu.memref_squeeze %dma_wait3A_58 : memref<1x1x128xi32, #tpu.memory_space<hbm>> -> memref<1x128xi32, #tpu.memory_space<hbm>>
        tpu.wait_dma2 semaphore(%run_scoped3A_36 : memref<!tpu.dma_semaphore, #tpu.memory_space<semaphore_mem>>) src(%dma_wait3A_59 : memref<1x128xi32, #tpu.memory_space<hbm>>) dst(%dma_wait3A_56 : memref<1x128xi32, #tpu.memory_space<vmem>>)
        tpu.yield
      }) : () -> ()
    } else {
    }
    %barrier3A = arith.constant 0 : index
    tpu.barrier barrier_id(%barrier3A)
    %dma_start3A = arith.constant 0 : i32
    %dma_start3A_10 = arith.constant 0 : i32
    %dma_start3A_11 = arith.constant 0 : i32
    %dma_start3A_12 = arith.constant 0 : i32
    %dma_start3A_13 = tpu.memref_slice %arg8[%dma_start3A_10, %dma_start3A_11, %dma_start3A_12] : memref<2x128x64xf32, #tpu.memory_space<vmem>> -> memref<1x128x64xf32, #tpu.memory_space<vmem>>
    %dma_start3A_14 = tpu.memref_squeeze %dma_start3A_13 : memref<1x128x64xf32, #tpu.memory_space<vmem>> -> memref<128x64xf32, #tpu.memory_space<vmem>>
    %dma_start3A_15 = arith.constant 0 : i32
    %dma_start3A_16 = tpu.memref_slice %arg6[%dma_start3A, %dma_start3A_15] : memref<79x128xi32, #tpu.memory_space<vmem>> -> memref<1x128xi32, #tpu.memory_space<vmem>>
    %dma_start3A_17 = tpu.memref_squeeze %dma_start3A_16 : memref<1x128xi32, #tpu.memory_space<vmem>> -> memref<128xi32, #tpu.memory_space<vmem>>
    %dma_start3A_18 = arith.constant 0 : i32
    %dma_start3A_19 = arith.constant 0 : i32
    %dma_start3A_20 = tpu.memref_slice %arg10[%dma_start3A_18, %dma_start3A_19] : memref<10000x64xf32, #tpu.memory_space<vmem_shared>> -> memref<10000x64xf32, #tpu.memory_space<vmem_shared>>
    tpu.enqueue_indirect_dma source(%dma_start3A_20 : memref<10000x64xf32, #tpu.memory_space<vmem_shared>>) target(%dma_start3A_14 : memref<128x64xf32, #tpu.memory_space<vmem>>) offsets(%dma_start3A_17 : memref<128xi32, #tpu.memory_space<vmem>>) semaphore(%arg11 : memref<!tpu.dma_semaphore, #tpu.memory_space<semaphore_mem>>)
    %scan3A = arith.constant 0 : i32
    %scan3A_21 = arith.constant 0 : i32
    %scan3A_22 = arith.constant 39 : i32
    %scan3A_23 = arith.addi %scan3A_21, %scan3A_22 : i32
    %scan3A_24 = arith.constant 1 : i32
    scf.for %scan3A_30 = %scan3A_21 to %scan3A_23 step %scan3A_24  : i32 {
      %mul3A_31 = arith.constant 2 : i32
      %mul3A_32 = arith.muli %mul3A_31, %scan3A_30 : i32
      %add3A_33 = arith.constant 1 : i32
      %add3A_34 = arith.addi %mul3A_32, %add3A_33 : i32
      %dma_start3A_35 = arith.constant 1 : i32
      %dma_start3A_36 = arith.constant 0 : i32
      %dma_start3A_37 = arith.constant 0 : i32
      %dma_start3A_38 = tpu.memref_slice %arg8[%dma_start3A_35, %dma_start3A_36, %dma_start3A_37] : memref<2x128x64xf32, #tpu.memory_space<vmem>> -> memref<1x128x64xf32, #tpu.memory_space<vmem>>
      %dma_start3A_39 = tpu.memref_squeeze %dma_start3A_38 : memref<1x128x64xf32, #tpu.memory_space<vmem>> -> memref<128x64xf32, #tpu.memory_space<vmem>>
      %dma_start3A_40 = arith.constant 0 : i32
      %dma_start3A_41 = tpu.memref_slice %arg6[%add3A_34, %dma_start3A_40] : memref<79x128xi32, #tpu.memory_space<vmem>> -> memref<1x128xi32, #tpu.memory_space<vmem>>
      %dma_start3A_42 = tpu.memref_squeeze %dma_start3A_41 : memref<1x128xi32, #tpu.memory_space<vmem>> -> memref<128xi32, #tpu.memory_space<vmem>>
      %dma_start3A_43 = arith.constant 0 : i32
      %dma_start3A_44 = arith.constant 0 : i32
      %dma_start3A_45 = tpu.memref_slice %arg10[%dma_start3A_43, %dma_start3A_44] : memref<10000x64xf32, #tpu.memory_space<vmem_shared>> -> memref<10000x64xf32, #tpu.memory_space<vmem_shared>>
      tpu.enqueue_indirect_dma source(%dma_start3A_45 : memref<10000x64xf32, #tpu.memory_space<vmem_shared>>) target(%dma_start3A_39 : memref<128x64xf32, #tpu.memory_space<vmem>>) offsets(%dma_start3A_42 : memref<128xi32, #tpu.memory_space<vmem>>) semaphore(%arg12 : memref<!tpu.dma_semaphore, #tpu.memory_space<semaphore_mem>>)
      %dma_wait3A = arith.constant 0 : i32
      %dma_wait3A_46 = arith.constant 0 : i32
      %dma_wait3A_47 = arith.constant 0 : i32
      %dma_wait3A_48 = tpu.memref_slice %arg8[%dma_wait3A, %dma_wait3A_46, %dma_wait3A_47] : memref<2x128x64xf32, #tpu.memory_space<vmem>> -> memref<1x128x64xf32, #tpu.memory_space<vmem>>
      %dma_wait3A_49 = tpu.memref_squeeze %dma_wait3A_48 : memref<1x128x64xf32, #tpu.memory_space<vmem>> -> memref<128x64xf32, #tpu.memory_space<vmem>>
      %dma_wait3A_50 = arith.constant 0 : i32
      %dma_wait3A_51 = tpu.memref_slice %arg6[%mul3A_32, %dma_wait3A_50] : memref<79x128xi32, #tpu.memory_space<vmem>> -> memref<1x128xi32, #tpu.memory_space<vmem>>
      %dma_wait3A_52 = tpu.memref_squeeze %dma_wait3A_51 : memref<1x128xi32, #tpu.memory_space<vmem>> -> memref<128xi32, #tpu.memory_space<vmem>>
      %dma_wait3A_53 = arith.constant 0 : i32
      %dma_wait3A_54 = arith.constant 0 : i32
      %dma_wait3A_55 = tpu.memref_slice %arg10[%dma_wait3A_53, %dma_wait3A_54] : memref<10000x64xf32, #tpu.memory_space<vmem_shared>> -> memref<10000x64xf32, #tpu.memory_space<vmem_shared>>
      tpu.wait_indirect_dma semaphore(%arg11 : memref<!tpu.dma_semaphore, #tpu.memory_space<semaphore_mem>>) src(%dma_wait3A_55 : memref<10000x64xf32, #tpu.memory_space<vmem_shared>>) dst(%dma_wait3A_49 : memref<128x64xf32, #tpu.memory_space<vmem>>)
      %dma_start3A_56 = arith.constant 0 : i32
      %dma_start3A_57 = arith.constant 0 : i32
      %dma_start3A_58 = arith.constant 0 : i32
      %dma_start3A_59 = tpu.memref_slice %arg8[%dma_start3A_56, %dma_start3A_57, %dma_start3A_58] : memref<2x128x64xf32, #tpu.memory_space<vmem>> -> memref<1x128x64xf32, #tpu.memory_space<vmem>>
      %dma_start3A_60 = tpu.memref_squeeze %dma_start3A_59 : memref<1x128x64xf32, #tpu.memory_space<vmem>> -> memref<128x64xf32, #tpu.memory_space<vmem>>
      %dma_start3A_61 = arith.constant 0 : i32
      %dma_start3A_62 = tpu.memref_slice %arg7[%mul3A_32, %dma_start3A_61] : memref<79x128xi32, #tpu.memory_space<vmem>> -> memref<1x128xi32, #tpu.memory_space<vmem>>
      %dma_start3A_63 = tpu.memref_squeeze %dma_start3A_62 : memref<1x128xi32, #tpu.memory_space<vmem>> -> memref<128xi32, #tpu.memory_space<vmem>>
      %dma_start3A_64 = arith.constant 0 : i32
      %dma_start3A_65 = arith.constant 0 : i32
      %dma_start3A_66 = tpu.memref_slice %arg9[%dma_start3A_64, %dma_start3A_65] : memref<10000x64xf32, #tpu.memory_space<vmem_shared>> -> memref<10000x64xf32, #tpu.memory_space<vmem_shared>>
      tpu.enqueue_indirect_dma source(%dma_start3A_60 : memref<128x64xf32, #tpu.memory_space<vmem>>) target(%dma_start3A_66 : memref<10000x64xf32, #tpu.memory_space<vmem_shared>>) offsets(%dma_start3A_63 : memref<128xi32, #tpu.memory_space<vmem>>) semaphore(%arg13 : memref<!tpu.dma_semaphore, #tpu.memory_space<semaphore_mem>>) {add = true}
      %dma_wait3A_67 = arith.constant 0 : i32
      %dma_wait3A_68 = arith.constant 0 : i32
      %dma_wait3A_69 = arith.constant 0 : i32
      %dma_wait3A_70 = tpu.memref_slice %arg8[%dma_wait3A_67, %dma_wait3A_68, %dma_wait3A_69] : memref<2x128x64xf32, #tpu.memory_space<vmem>> -> memref<1x128x64xf32, #tpu.memory_space<vmem>>
      %dma_wait3A_71 = tpu.memref_squeeze %dma_wait3A_70 : memref<1x128x64xf32, #tpu.memory_space<vmem>> -> memref<128x64xf32, #tpu.memory_space<vmem>>
      %dma_wait3A_72 = arith.constant 0 : i32
      %dma_wait3A_73 = tpu.memref_slice %arg7[%mul3A_32, %dma_wait3A_72] : memref<79x128xi32, #tpu.memory_space<vmem>> -> memref<1x128xi32, #tpu.memory_space<vmem>>
      %dma_wait3A_74 = tpu.memref_squeeze %dma_wait3A_73 : memref<1x128xi32, #tpu.memory_space<vmem>> -> memref<128xi32, #tpu.memory_space<vmem>>
      %dma_wait3A_75 = arith.constant 0 : i32
      %dma_wait3A_76 = arith.constant 0 : i32
      %dma_wait3A_77 = tpu.memref_slice %arg9[%dma_wait3A_75, %dma_wait3A_76] : memref<10000x64xf32, #tpu.memory_space<vmem_shared>> -> memref<10000x64xf32, #tpu.memory_space<vmem_shared>>
      tpu.wait_indirect_dma semaphore(%arg13 : memref<!tpu.dma_semaphore, #tpu.memory_space<semaphore_mem>>) src(%dma_wait3A_71 : memref<128x64xf32, #tpu.memory_space<vmem>>) dst(%dma_wait3A_77 : memref<10000x64xf32, #tpu.memory_space<vmem_shared>>)
      %add3A_78 = arith.constant 2 : i32
      %add3A_79 = arith.addi %mul3A_32, %add3A_78 : i32
      %lt3A_80 = arith.constant 78 : i32
      %lt3A_81 = arith.cmpi slt, %add3A_79, %lt3A_80 : i32
      %convert_element_type3A_82 = arith.extui %lt3A_81 : i1 to i32
      %cond3A_83 = arith.constant 0 : i32
      %cond3A_84 = arith.cmpi ne, %convert_element_type3A_82, %cond3A_83 : i32
      scf.if %cond3A_84 {
        %add3A_124 = arith.constant 2 : i32
        %add3A_125 = arith.addi %mul3A_32, %add3A_124 : i32
        %dma_start3A_126 = arith.constant 0 : i32
        %dma_start3A_127 = arith.constant 0 : i32
        %dma_start3A_128 = arith.constant 0 : i32
        %dma_start3A_129 = tpu.memref_slice %arg8[%dma_start3A_126, %dma_start3A_127, %dma_start3A_128] : memref<2x128x64xf32, #tpu.memory_space<vmem>> -> memref<1x128x64xf32, #tpu.memory_space<vmem>>
        %dma_start3A_130 = tpu.memref_squeeze %dma_start3A_129 : memref<1x128x64xf32, #tpu.memory_space<vmem>> -> memref<128x64xf32, #tpu.memory_space<vmem>>
        %dma_start3A_131 = arith.constant 0 : i32
        %dma_start3A_132 = tpu.memref_slice %arg6[%add3A_125, %dma_start3A_131] : memref<79x128xi32, #tpu.memory_space<vmem>> -> memref<1x128xi32, #tpu.memory_space<vmem>>
        %dma_start3A_133 = tpu.memref_squeeze %dma_start3A_132 : memref<1x128xi32, #tpu.memory_space<vmem>> -> memref<128xi32, #tpu.memory_space<vmem>>
        %dma_start3A_134 = arith.constant 0 : i32
        %dma_start3A_135 = arith.constant 0 : i32
        %dma_start3A_136 = tpu.memref_slice %arg10[%dma_start3A_134, %dma_start3A_135] : memref<10000x64xf32, #tpu.memory_space<vmem_shared>> -> memref<10000x64xf32, #tpu.memory_space<vmem_shared>>
        tpu.enqueue_indirect_dma source(%dma_start3A_136 : memref<10000x64xf32, #tpu.memory_space<vmem_shared>>) target(%dma_start3A_130 : memref<128x64xf32, #tpu.memory_space<vmem>>) offsets(%dma_start3A_133 : memref<128xi32, #tpu.memory_space<vmem>>) semaphore(%arg11 : memref<!tpu.dma_semaphore, #tpu.memory_space<semaphore_mem>>)
      } else {
      }
      %add3A_85 = arith.constant 1 : i32
      %add3A_86 = arith.addi %mul3A_32, %add3A_85 : i32
      %dma_wait3A_87 = arith.constant 1 : i32
      %dma_wait3A_88 = arith.constant 0 : i32
      %dma_wait3A_89 = arith.constant 0 : i32
      %dma_wait3A_90 = tpu.memref_slice %arg8[%dma_wait3A_87, %dma_wait3A_88, %dma_wait3A_89] : memref<2x128x64xf32, #tpu.memory_space<vmem>> -> memref<1x128x64xf32, #tpu.memory_space<vmem>>
      %dma_wait3A_91 = tpu.memref_squeeze %dma_wait3A_90 : memref<1x128x64xf32, #tpu.memory_space<vmem>> -> memref<128x64xf32, #tpu.memory_space<vmem>>
      %dma_wait3A_92 = arith.constant 0 : i32
      %dma_wait3A_93 = tpu.memref_slice %arg6[%add3A_86, %dma_wait3A_92] : memref<79x128xi32, #tpu.memory_space<vmem>> -> memref<1x128xi32, #tpu.memory_space<vmem>>
      %dma_wait3A_94 = tpu.memref_squeeze %dma_wait3A_93 : memref<1x128xi32, #tpu.memory_space<vmem>> -> memref<128xi32, #tpu.memory_space<vmem>>
      %dma_wait3A_95 = arith.constant 0 : i32
      %dma_wait3A_96 = arith.constant 0 : i32
      %dma_wait3A_97 = tpu.memref_slice %arg10[%dma_wait3A_95, %dma_wait3A_96] : memref<10000x64xf32, #tpu.memory_space<vmem_shared>> -> memref<10000x64xf32, #tpu.memory_space<vmem_shared>>
      tpu.wait_indirect_dma semaphore(%arg12 : memref<!tpu.dma_semaphore, #tpu.memory_space<semaphore_mem>>) src(%dma_wait3A_97 : memref<10000x64xf32, #tpu.memory_space<vmem_shared>>) dst(%dma_wait3A_91 : memref<128x64xf32, #tpu.memory_space<vmem>>)
      %add3A_98 = arith.constant 1 : i32
      %add3A_99 = arith.addi %mul3A_32, %add3A_98 : i32
      %dma_start3A_100 = arith.constant 1 : i32
      %dma_start3A_101 = arith.constant 0 : i32
      %dma_start3A_102 = arith.constant 0 : i32
      %dma_start3A_103 = tpu.memref_slice %arg8[%dma_start3A_100, %dma_start3A_101, %dma_start3A_102] : memref<2x128x64xf32, #tpu.memory_space<vmem>> -> memref<1x128x64xf32, #tpu.memory_space<vmem>>
      %dma_start3A_104 = tpu.memref_squeeze %dma_start3A_103 : memref<1x128x64xf32, #tpu.memory_space<vmem>> -> memref<128x64xf32, #tpu.memory_space<vmem>>
      %dma_start3A_105 = arith.constant 0 : i32
      %dma_start3A_106 = tpu.memref_slice %arg7[%add3A_99, %dma_start3A_105] : memref<79x128xi32, #tpu.memory_space<vmem>> -> memref<1x128xi32, #tpu.memory_space<vmem>>
      %dma_start3A_107 = tpu.memref_squeeze %dma_start3A_106 : memref<1x128xi32, #tpu.memory_space<vmem>> -> memref<128xi32, #tpu.memory_space<vmem>>
      %dma_start3A_108 = arith.constant 0 : i32
      %dma_start3A_109 = arith.constant 0 : i32
      %dma_start3A_110 = tpu.memref_slice %arg9[%dma_start3A_108, %dma_start3A_109] : memref<10000x64xf32, #tpu.memory_space<vmem_shared>> -> memref<10000x64xf32, #tpu.memory_space<vmem_shared>>
      tpu.enqueue_indirect_dma source(%dma_start3A_104 : memref<128x64xf32, #tpu.memory_space<vmem>>) target(%dma_start3A_110 : memref<10000x64xf32, #tpu.memory_space<vmem_shared>>) offsets(%dma_start3A_107 : memref<128xi32, #tpu.memory_space<vmem>>) semaphore(%arg14 : memref<!tpu.dma_semaphore, #tpu.memory_space<semaphore_mem>>) {add = true}
      %add3A_111 = arith.constant 1 : i32
      %add3A_112 = arith.addi %mul3A_32, %add3A_111 : i32
      %dma_wait3A_113 = arith.constant 1 : i32
      %dma_wait3A_114 = arith.constant 0 : i32
      %dma_wait3A_115 = arith.constant 0 : i32
      %dma_wait3A_116 = tpu.memref_slice %arg8[%dma_wait3A_113, %dma_wait3A_114, %dma_wait3A_115] : memref<2x128x64xf32, #tpu.memory_space<vmem>> -> memref<1x128x64xf32, #tpu.memory_space<vmem>>
      %dma_wait3A_117 = tpu.memref_squeeze %dma_wait3A_116 : memref<1x128x64xf32, #tpu.memory_space<vmem>> -> memref<128x64xf32, #tpu.memory_space<vmem>>
      %dma_wait3A_118 = arith.constant 0 : i32
      %dma_wait3A_119 = tpu.memref_slice %arg7[%add3A_112, %dma_wait3A_118] : memref<79x128xi32, #tpu.memory_space<vmem>> -> memref<1x128xi32, #tpu.memory_space<vmem>>
      %dma_wait3A_120 = tpu.memref_squeeze %dma_wait3A_119 : memref<1x128xi32, #tpu.memory_space<vmem>> -> memref<128xi32, #tpu.memory_space<vmem>>
      %dma_wait3A_121 = arith.constant 0 : i32
      %dma_wait3A_122 = arith.constant 0 : i32
      %dma_wait3A_123 = tpu.memref_slice %arg9[%dma_wait3A_121, %dma_wait3A_122] : memref<10000x64xf32, #tpu.memory_space<vmem_shared>> -> memref<10000x64xf32, #tpu.memory_space<vmem_shared>>
      tpu.wait_indirect_dma semaphore(%arg14 : memref<!tpu.dma_semaphore, #tpu.memory_space<semaphore_mem>>) src(%dma_wait3A_117 : memref<128x64xf32, #tpu.memory_space<vmem>>) dst(%dma_wait3A_123 : memref<10000x64xf32, #tpu.memory_space<vmem_shared>>)
    }
    %scan3A_25 = arith.constant 39 : i32
    %convert_element_type3A_26 = arith.extui %lt3A_1 : i1 to i32
    %cond3A_27 = arith.constant 0 : i32
    %cond3A_28 = arith.cmpi ne, %convert_element_type3A_26, %cond3A_27 : i32
    scf.if %cond3A_28 {
      %dma_start3A_30 = arith.constant 78 : i32
      %dma_start3A_31 = arith.constant 0 : i32
      %dma_start3A_32 = arith.constant 0 : i32
      %dma_start3A_33 = arith.constant 0 : i32
      %dma_start3A_34 = tpu.memref_slice %arg8[%dma_start3A_31, %dma_start3A_32, %dma_start3A_33] : memref<2x128x64xf32, #tpu.memory_space<vmem>> -> memref<1x128x64xf32, #tpu.memory_space<vmem>>
      %dma_start3A_35 = tpu.memref_squeeze %dma_start3A_34 : memref<1x128x64xf32, #tpu.memory_space<vmem>> -> memref<128x64xf32, #tpu.memory_space<vmem>>
      %dma_start3A_36 = arith.constant 0 : i32
      %dma_start3A_37 = tpu.memref_slice %arg6[%dma_start3A_30, %dma_start3A_36] : memref<79x128xi32, #tpu.memory_space<vmem>> -> memref<1x128xi32, #tpu.memory_space<vmem>>
      %dma_start3A_38 = tpu.memref_squeeze %dma_start3A_37 : memref<1x128xi32, #tpu.memory_space<vmem>> -> memref<128xi32, #tpu.memory_space<vmem>>
      %dma_start3A_39 = arith.constant 0 : i32
      %dma_start3A_40 = arith.constant 0 : i32
      %dma_start3A_41 = tpu.memref_slice %arg10[%dma_start3A_39, %dma_start3A_40] : memref<10000x64xf32, #tpu.memory_space<vmem_shared>> -> memref<10000x64xf32, #tpu.memory_space<vmem_shared>>
      tpu.enqueue_indirect_dma source(%dma_start3A_41 : memref<10000x64xf32, #tpu.memory_space<vmem_shared>>) target(%dma_start3A_35 : memref<128x64xf32, #tpu.memory_space<vmem>>) offsets(%dma_start3A_38 : memref<128xi32, #tpu.memory_space<vmem>>) semaphore(%arg11 : memref<!tpu.dma_semaphore, #tpu.memory_space<semaphore_mem>>)
      %dma_wait3A = arith.constant 78 : i32
      %dma_wait3A_42 = arith.constant 0 : i32
      %dma_wait3A_43 = arith.constant 0 : i32
      %dma_wait3A_44 = arith.constant 0 : i32
      %dma_wait3A_45 = tpu.memref_slice %arg8[%dma_wait3A_42, %dma_wait3A_43, %dma_wait3A_44] : memref<2x128x64xf32, #tpu.memory_space<vmem>> -> memref<1x128x64xf32, #tpu.memory_space<vmem>>
      %dma_wait3A_46 = tpu.memref_squeeze %dma_wait3A_45 : memref<1x128x64xf32, #tpu.memory_space<vmem>> -> memref<128x64xf32, #tpu.memory_space<vmem>>
      %dma_wait3A_47 = arith.constant 0 : i32
      %dma_wait3A_48 = tpu.memref_slice %arg6[%dma_wait3A, %dma_wait3A_47] : memref<79x128xi32, #tpu.memory_space<vmem>> -> memref<1x128xi32, #tpu.memory_space<vmem>>
      %dma_wait3A_49 = tpu.memref_squeeze %dma_wait3A_48 : memref<1x128xi32, #tpu.memory_space<vmem>> -> memref<128xi32, #tpu.memory_space<vmem>>
      %dma_wait3A_50 = arith.constant 0 : i32
      %dma_wait3A_51 = arith.constant 0 : i32
      %dma_wait3A_52 = tpu.memref_slice %arg10[%dma_wait3A_50, %dma_wait3A_51] : memref<10000x64xf32, #tpu.memory_space<vmem_shared>> -> memref<10000x64xf32, #tpu.memory_space<vmem_shared>>
      tpu.wait_indirect_dma semaphore(%arg11 : memref<!tpu.dma_semaphore, #tpu.memory_space<semaphore_mem>>) src(%dma_wait3A_52 : memref<10000x64xf32, #tpu.memory_space<vmem_shared>>) dst(%dma_wait3A_46 : memref<128x64xf32, #tpu.memory_space<vmem>>)
      %dma_start3A_53 = arith.constant 0 : i32
      %dma_start3A_54 = arith.constant 78 : i32
      %dma_start3A_55 = arith.constant 0 : i32
      %dma_start3A_56 = arith.constant 0 : i32
      %dma_start3A_57 = tpu.memref_slice %arg8[%dma_start3A_53, %dma_start3A_55, %dma_start3A_56] : memref<2x128x64xf32, #tpu.memory_space<vmem>> -> memref<1x128x64xf32, #tpu.memory_space<vmem>>
      %dma_start3A_58 = tpu.memref_squeeze %dma_start3A_57 : memref<1x128x64xf32, #tpu.memory_space<vmem>> -> memref<128x64xf32, #tpu.memory_space<vmem>>
      %dma_start3A_59 = arith.constant 0 : i32
      %dma_start3A_60 = tpu.memref_slice %arg7[%dma_start3A_54, %dma_start3A_59] : memref<79x128xi32, #tpu.memory_space<vmem>> -> memref<1x128xi32, #tpu.memory_space<vmem>>
      %dma_start3A_61 = tpu.memref_squeeze %dma_start3A_60 : memref<1x128xi32, #tpu.memory_space<vmem>> -> memref<128xi32, #tpu.memory_space<vmem>>
      %dma_start3A_62 = arith.constant 0 : i32
      %dma_start3A_63 = arith.constant 0 : i32
      %dma_start3A_64 = tpu.memref_slice %arg9[%dma_start3A_62, %dma_start3A_63] : memref<10000x64xf32, #tpu.memory_space<vmem_shared>> -> memref<10000x64xf32, #tpu.memory_space<vmem_shared>>
      tpu.enqueue_indirect_dma source(%dma_start3A_58 : memref<128x64xf32, #tpu.memory_space<vmem>>) target(%dma_start3A_64 : memref<10000x64xf32, #tpu.memory_space<vmem_shared>>) offsets(%dma_start3A_61 : memref<128xi32, #tpu.memory_space<vmem>>) semaphore(%arg13 : memref<!tpu.dma_semaphore, #tpu.memory_space<semaphore_mem>>) {add = true}
      %dma_wait3A_65 = arith.constant 0 : i32
      %dma_wait3A_66 = arith.constant 78 : i32
      %dma_wait3A_67 = arith.constant 0 : i32
      %dma_wait3A_68 = arith.constant 0 : i32
      %dma_wait3A_69 = tpu.memref_slice %arg8[%dma_wait3A_65, %dma_wait3A_67, %dma_wait3A_68] : memref<2x128x64xf32, #tpu.memory_space<vmem>> -> memref<1x128x64xf32, #tpu.memory_space<vmem>>
      %dma_wait3A_70 = tpu.memref_squeeze %dma_wait3A_69 : memref<1x128x64xf32, #tpu.memory_space<vmem>> -> memref<128x64xf32, #tpu.memory_space<vmem>>
      %dma_wait3A_71 = arith.constant 0 : i32
      %dma_wait3A_72 = tpu.memref_slice %arg7[%dma_wait3A_66, %dma_wait3A_71] : memref<79x128xi32, #tpu.memory_space<vmem>> -> memref<1x128xi32, #tpu.memory_space<vmem>>
      %dma_wait3A_73 = tpu.memref_squeeze %dma_wait3A_72 : memref<1x128xi32, #tpu.memory_space<vmem>> -> memref<128xi32, #tpu.memory_space<vmem>>
      %dma_wait3A_74 = arith.constant 0 : i32
      %dma_wait3A_75 = arith.constant 0 : i32
      %dma_wait3A_76 = tpu.memref_slice %arg9[%dma_wait3A_74, %dma_wait3A_75] : memref<10000x64xf32, #tpu.memory_space<vmem_shared>> -> memref<10000x64xf32, #tpu.memory_space<vmem_shared>>
      tpu.wait_indirect_dma semaphore(%arg13 : memref<!tpu.dma_semaphore, #tpu.memory_space<semaphore_mem>>) src(%dma_wait3A_70 : memref<128x64xf32, #tpu.memory_space<vmem>>) dst(%dma_wait3A_76 : memref<10000x64xf32, #tpu.memory_space<vmem_shared>>)
    } else {
    }
    %barrier3A_29 = arith.constant 0 : index
    tpu.barrier barrier_id(%barrier3A_29)
    "tpu.region"() ({
      %run_scoped3A_30 = tpu.sem_alloc : memref<!tpu.dma_semaphore, #tpu.memory_space<semaphore_mem>>
      %dma_start3A_31 = arith.constant 0 : i32
      %dma_start3A_32 = tpu.memref_slice %arg5[%arg0, %mul3A_7, %dma_start3A_31] : memref<2x10000x64xf32, #tpu.memory_space<hbm>> -> memref<1x625x64xf32, #tpu.memory_space<hbm>>
      %dma_start3A_33 = tpu.memref_squeeze %dma_start3A_32 : memref<1x625x64xf32, #tpu.memory_space<hbm>> -> memref<625x64xf32, #tpu.memory_space<hbm>>
      %dma_start3A_34 = arith.constant 0 : i32
      %dma_start3A_35 = tpu.memref_slice %arg9[%mul3A_7, %dma_start3A_34] : memref<10000x64xf32, #tpu.memory_space<vmem_shared>> -> memref<625x64xf32, #tpu.memory_space<vmem_shared>>
      tpu.enqueue_dma source(%dma_start3A_35 : memref<625x64xf32, #tpu.memory_space<vmem_shared>>) target(%dma_start3A_33 : memref<625x64xf32, #tpu.memory_space<hbm>>) target_semaphore(%run_scoped3A_30 : memref<!tpu.dma_semaphore, #tpu.memory_space<semaphore_mem>>)
      %dma_wait3A = arith.constant 0 : i32
      %dma_wait3A_36 = tpu.memref_slice %arg5[%arg0, %mul3A_7, %dma_wait3A] : memref<2x10000x64xf32, #tpu.memory_space<hbm>> -> memref<1x625x64xf32, #tpu.memory_space<hbm>>
      %dma_wait3A_37 = tpu.memref_squeeze %dma_wait3A_36 : memref<1x625x64xf32, #tpu.memory_space<hbm>> -> memref<625x64xf32, #tpu.memory_space<hbm>>
      %dma_wait3A_38 = arith.constant 0 : i32
      %dma_wait3A_39 = tpu.memref_slice %arg9[%mul3A_7, %dma_wait3A_38] : memref<10000x64xf32, #tpu.memory_space<vmem_shared>> -> memref<625x64xf32, #tpu.memory_space<vmem_shared>>
      tpu.wait_dma2 semaphore(%run_scoped3A_30 : memref<!tpu.dma_semaphore, #tpu.memory_space<semaphore_mem>>) src(%dma_wait3A_39 : memref<625x64xf32, #tpu.memory_space<vmem_shared>>) dst(%dma_wait3A_37 : memref<625x64xf32, #tpu.memory_space<hbm>>)
      tpu.yield
    }) : () -> ()
    return
  }
}

module attributes {stable_mosaic.version = 14 : i64} {
  func.func @_tc_in(%arg0: memref<10000x128xf32, #tpu.memory_space<vmem>>, %arg1: memref<128x64xf32, #tpu.memory_space<vmem>>, %arg2: memref<1x64xf32, #tpu.memory_space<vmem>>, %arg3: memref<64x64xf32, #tpu.memory_space<vmem>>, %arg4: memref<10000x64xf32, #tpu.memory_space<vmem>>) attributes {dimension_semantics = [], scalar_prefetch = 0 : i64, scratch_operands = 0 : i64, tpu.core_type = #tpu.core_type<tc>} {
    %get3A = arith.constant 0 : index
    %get3A_0 = arith.constant 0 : index
    %get3A_1 = vector.load %arg0[%get3A, %get3A_0] : memref<10000x128xf32, #tpu.memory_space<vmem>>, vector<10000x128xf32>
    %get3A_2 = arith.constant 0 : index
    %get3A_3 = arith.constant 0 : index
    %get3A_4 = vector.load %arg1[%get3A_2, %get3A_3] : memref<128x64xf32, #tpu.memory_space<vmem>>, vector<128x64xf32>
    %dot_general3A = arith.constant dense<0.000000e+00> : vector<10000x64xf32>
    %dot_general3A_5 = tpu.matmul %get3A_1, %get3A_4, %dot_general3A {dimension_numbers = #tpu.dot_dimension_numbers<[1], [0], [0], [1], [0, 0, 1, 1], [], []>, transpose_lhs_hint = false} : vector<10000x128xf32>, vector<128x64xf32>, vector<10000x64xf32> -> vector<10000x64xf32>
    %get3A_6 = arith.constant 0 : index
    %get3A_7 = arith.constant 0 : index
    %get3A_8 = vector.load %arg2[%get3A_6, %get3A_7] : memref<1x64xf32, #tpu.memory_space<vmem>>, vector<1x64xf32>
    %add3A = vector.broadcast %get3A_8 : vector<1x64xf32> to vector<10000x64xf32>
    %add3A_9 = arith.addf %dot_general3A_5, %add3A : vector<10000x64xf32>
    %max3A = arith.constant 0.000000e+00 : f32
    %max3A_10 = vector.broadcast %max3A : f32 to vector<10000x64xf32>
    %max3A_11 = arith.maximumf %add3A_9, %max3A_10 : vector<10000x64xf32>
    %get3A_12 = arith.constant 0 : index
    %get3A_13 = arith.constant 0 : index
    %get3A_14 = vector.load %arg3[%get3A_12, %get3A_13] : memref<64x64xf32, #tpu.memory_space<vmem>>, vector<64x64xf32>
    %dot_general3A_15 = arith.constant dense<0.000000e+00> : vector<10000x64xf32>
    %dot_general3A_16 = tpu.matmul %max3A_11, %get3A_14, %dot_general3A_15 {dimension_numbers = #tpu.dot_dimension_numbers<[1], [0], [0], [1], [0, 0, 1, 1], [], []>, transpose_lhs_hint = false} : vector<10000x64xf32>, vector<64x64xf32>, vector<10000x64xf32> -> vector<10000x64xf32>
    %swap3A = arith.constant 0 : index
    %swap3A_17 = arith.constant 0 : index
    %swap3A_18 = vector.load %arg4[%swap3A, %swap3A_17] : memref<10000x64xf32, #tpu.memory_space<vmem>>, vector<10000x64xf32>
    tpu.vector_store %arg4[%swap3A, %swap3A_17], %dot_general3A_16 {strides = array<i32>} : memref<10000x64xf32, #tpu.memory_space<vmem>>, vector<10000x64xf32>,
    return
  }
}

module attributes {stable_mosaic.version = 14 : i64} {
  func.func @_tc_dinv(%arg0: memref<2x10000x8xf32, #tpu.memory_space<vmem>>, %arg1: memref<10000x64xf32, #tpu.memory_space<vmem>>, %arg2: memref<10000x1xf32, #tpu.memory_space<vmem>>, %arg3: memref<10000x64xf32, #tpu.memory_space<vmem>>) attributes {dimension_semantics = [], scalar_prefetch = 0 : i64, scratch_operands = 0 : i64, tpu.core_type = #tpu.core_type<tc>} {
    %get3A = arith.constant 0 : index
    %get3A_0 = arith.constant 0 : index
    %get3A_1 = arith.constant 0 : index
    %get3A_2 = vector.load %arg0[%get3A, %get3A_0, %get3A_1] : memref<2x10000x8xf32, #tpu.memory_space<vmem>>, vector<1x10000x1xf32>
    %get3A_3 = vector.shape_cast %get3A_2 : vector<1x10000x1xf32> to vector<10000x1xf32>
    %get3A_4 = arith.constant 1 : index
    %get3A_5 = arith.constant 0 : index
    %get3A_6 = arith.constant 0 : index
    %get3A_7 = vector.load %arg0[%get3A_4, %get3A_5, %get3A_6] : memref<2x10000x8xf32, #tpu.memory_space<vmem>>, vector<1x10000x1xf32>
    %get3A_8 = vector.shape_cast %get3A_7 : vector<1x10000x1xf32> to vector<10000x1xf32>
    %add3A = arith.addf %get3A_3, %get3A_8 : vector<10000x1xf32>
    %add3A_9 = arith.constant 1.000000e+00 : f32
    %add3A_10 = vector.broadcast %add3A_9 : f32 to vector<10000x1xf32>
    %add3A_11 = arith.addf %add3A, %add3A_10 : vector<10000x1xf32>
    %rsqrt3A = math.rsqrt %add3A_11 : vector<10000x1xf32>
    %swap3A = arith.constant 0 : index
    %swap3A_12 = arith.constant 0 : index
    %swap3A_13 = vector.load %arg2[%swap3A, %swap3A_12] : memref<10000x1xf32, #tpu.memory_space<vmem>>, vector<10000x1xf32>
    tpu.vector_store %arg2[%swap3A, %swap3A_12], %rsqrt3A {strides = array<i32>} : memref<10000x1xf32, #tpu.memory_space<vmem>>, vector<10000x1xf32>,
    %get3A_14 = arith.constant 0 : index
    %get3A_15 = arith.constant 0 : index
    %get3A_16 = vector.load %arg1[%get3A_14, %get3A_15] : memref<10000x64xf32, #tpu.memory_space<vmem>>, vector<10000x64xf32>
    %mul3A = vector.broadcast %rsqrt3A : vector<10000x1xf32> to vector<10000x64xf32>
    %mul3A_17 = arith.mulf %get3A_16, %mul3A : vector<10000x64xf32>
    %swap3A_18 = arith.constant 0 : index
    %swap3A_19 = arith.constant 0 : index
    %swap3A_20 = vector.load %arg3[%swap3A_18, %swap3A_19] : memref<10000x64xf32, #tpu.memory_space<vmem>>, vector<10000x64xf32>
    tpu.vector_store %arg3[%swap3A_18, %swap3A_19], %mul3A_17 {strides = array<i32>} : memref<10000x64xf32, #tpu.memory_space<vmem>>, vector<10000x64xf32>,
    return
  }
}

module attributes {stable_mosaic.version = 14 : i64} {
  func.func @_tc_mid(%arg0: memref<2x10000x64xf32, #tpu.memory_space<vmem>>, %arg1: memref<10000x64xf32, #tpu.memory_space<vmem>>, %arg2: memref<10000x1xf32, #tpu.memory_space<vmem>>, %arg3: memref<1x64xf32, #tpu.memory_space<vmem>>, %arg4: memref<1x64xf32, #tpu.memory_space<vmem>>, %arg5: memref<1x64xf32, #tpu.memory_space<vmem>>, %arg6: memref<1x64xf32, #tpu.memory_space<vmem>>, %arg7: memref<1x64xf32, #tpu.memory_space<vmem>>, %arg8: memref<10000x64xf32, #tpu.memory_space<vmem>>, %arg9: memref<64x64xf32, #tpu.memory_space<vmem>>, %arg10: memref<10000x64xf32, #tpu.memory_space<vmem>>, %arg11: memref<10000x64xf32, #tpu.memory_space<vmem>>) attributes {dimension_semantics = [], scalar_prefetch = 0 : i64, scratch_operands = 0 : i64, tpu.core_type = #tpu.core_type<tc>} {
    %get3A = arith.constant 0 : index
    %get3A_0 = arith.constant 0 : index
    %get3A_1 = vector.load %arg2[%get3A, %get3A_0] : memref<10000x1xf32, #tpu.memory_space<vmem>>, vector<10000x1xf32>
    %get3A_2 = arith.constant 0 : index
    %get3A_3 = arith.constant 0 : index
    %get3A_4 = arith.constant 0 : index
    %get3A_5 = vector.load %arg0[%get3A_2, %get3A_3, %get3A_4] : memref<2x10000x64xf32, #tpu.memory_space<vmem>>, vector<1x10000x64xf32>
    %get3A_6 = vector.shape_cast %get3A_5 : vector<1x10000x64xf32> to vector<10000x64xf32>
    %get3A_7 = arith.constant 1 : index
    %get3A_8 = arith.constant 0 : index
    %get3A_9 = arith.constant 0 : index
    %get3A_10 = vector.load %arg0[%get3A_7, %get3A_8, %get3A_9] : memref<2x10000x64xf32, #tpu.memory_space<vmem>>, vector<1x10000x64xf32>
    %get3A_11 = vector.shape_cast %get3A_10 : vector<1x10000x64xf32> to vector<10000x64xf32>
    %add3A = arith.addf %get3A_6, %get3A_11 : vector<10000x64xf32>
    %get3A_12 = arith.constant 0 : index
    %get3A_13 = arith.constant 0 : index
    %get3A_14 = vector.load %arg1[%get3A_12, %get3A_13] : memref<10000x64xf32, #tpu.memory_space<vmem>>, vector<10000x64xf32>
    %add3A_15 = arith.addf %add3A, %get3A_14 : vector<10000x64xf32>
    %mul3A = vector.broadcast %get3A_1 : vector<10000x1xf32> to vector<10000x64xf32>
    %mul3A_16 = arith.mulf %mul3A, %add3A_15 : vector<10000x64xf32>
    %get3A_17 = arith.constant 0 : index
    %get3A_18 = arith.constant 0 : index
    %get3A_19 = vector.load %arg3[%get3A_17, %get3A_18] : memref<1x64xf32, #tpu.memory_space<vmem>>, vector<1x64xf32>
    %add3A_20 = vector.broadcast %get3A_19 : vector<1x64xf32> to vector<10000x64xf32>
    %add3A_21 = arith.addf %mul3A_16, %add3A_20 : vector<10000x64xf32>
    %get3A_22 = arith.constant 0 : index
    %get3A_23 = arith.constant 0 : index
    %get3A_24 = vector.load %arg6[%get3A_22, %get3A_23] : memref<1x64xf32, #tpu.memory_space<vmem>>, vector<1x64xf32>
    %sub3A = vector.broadcast %get3A_24 : vector<1x64xf32> to vector<10000x64xf32>
    %sub3A_25 = arith.subf %add3A_21, %sub3A : vector<10000x64xf32>
    %get3A_26 = arith.constant 0 : index
    %get3A_27 = arith.constant 0 : index
    %get3A_28 = vector.load %arg4[%get3A_26, %get3A_27] : memref<1x64xf32, #tpu.memory_space<vmem>>, vector<1x64xf32>
    %get3A_29 = arith.constant 0 : index
    %get3A_30 = arith.constant 0 : index
    %get3A_31 = vector.load %arg7[%get3A_29, %get3A_30] : memref<1x64xf32, #tpu.memory_space<vmem>>, vector<1x64xf32>
    %add3A_32 = arith.constant 9.99999974E-6 : f32
    %add3A_33 = vector.broadcast %add3A_32 : f32 to vector<1x64xf32>
    %add3A_34 = arith.addf %get3A_31, %add3A_33 : vector<1x64xf32>
    %rsqrt3A = math.rsqrt %add3A_34 : vector<1x64xf32>
    %mul3A_35 = arith.mulf %get3A_28, %rsqrt3A : vector<1x64xf32>
    %mul3A_36 = vector.broadcast %mul3A_35 : vector<1x64xf32> to vector<10000x64xf32>
    %mul3A_37 = arith.mulf %sub3A_25, %mul3A_36 : vector<10000x64xf32>
    %get3A_38 = arith.constant 0 : index
    %get3A_39 = arith.constant 0 : index
    %get3A_40 = vector.load %arg5[%get3A_38, %get3A_39] : memref<1x64xf32, #tpu.memory_space<vmem>>, vector<1x64xf32>
    %add3A_41 = vector.broadcast %get3A_40 : vector<1x64xf32> to vector<10000x64xf32>
    %add3A_42 = arith.addf %mul3A_37, %add3A_41 : vector<10000x64xf32>
    %max3A = arith.constant 0.000000e+00 : f32
    %max3A_43 = vector.broadcast %max3A : f32 to vector<10000x64xf32>
    %max3A_44 = arith.maximumf %add3A_42, %max3A_43 : vector<10000x64xf32>
    %swap3A = arith.constant 0 : index
    %swap3A_45 = arith.constant 0 : index
    %swap3A_46 = vector.load %arg10[%swap3A, %swap3A_45] : memref<10000x64xf32, #tpu.memory_space<vmem>>, vector<10000x64xf32>
    tpu.vector_store %arg10[%swap3A, %swap3A_45], %max3A_44 {strides = array<i32>} : memref<10000x64xf32, #tpu.memory_space<vmem>>, vector<10000x64xf32>,
    %get3A_47 = arith.constant 0 : index
    %get3A_48 = arith.constant 0 : index
    %get3A_49 = vector.load %arg9[%get3A_47, %get3A_48] : memref<64x64xf32, #tpu.memory_space<vmem>>, vector<64x64xf32>
    %dot_general3A = arith.constant dense<0.000000e+00> : vector<10000x64xf32>
    %dot_general3A_50 = tpu.matmul %max3A_44, %get3A_49, %dot_general3A {dimension_numbers = #tpu.dot_dimension_numbers<[1], [0], [0], [1], [0, 0, 1, 1], [], []>, transpose_lhs_hint = false} : vector<10000x64xf32>, vector<64x64xf32>, vector<10000x64xf32> -> vector<10000x64xf32>
    %mul3A_51 = vector.broadcast %get3A_1 : vector<10000x1xf32> to vector<10000x64xf32>
    %mul3A_52 = arith.mulf %mul3A_51, %dot_general3A_50 : vector<10000x64xf32>
    %swap3A_53 = arith.constant 0 : index
    %swap3A_54 = arith.constant 0 : index
    %swap3A_55 = vector.load %arg11[%swap3A_53, %swap3A_54] : memref<10000x64xf32, #tpu.memory_space<vmem>>, vector<10000x64xf32>
    tpu.vector_store %arg11[%swap3A_53, %swap3A_54], %mul3A_52 {strides = array<i32>} : memref<10000x64xf32, #tpu.memory_space<vmem>>, vector<10000x64xf32>,
    return
  }
}

module attributes {stable_mosaic.version = 14 : i64} {
  func.func @_tc_mid(%arg0: memref<2x10000x64xf32, #tpu.memory_space<vmem>>, %arg1: memref<10000x64xf32, #tpu.memory_space<vmem>>, %arg2: memref<10000x1xf32, #tpu.memory_space<vmem>>, %arg3: memref<1x64xf32, #tpu.memory_space<vmem>>, %arg4: memref<1x64xf32, #tpu.memory_space<vmem>>, %arg5: memref<1x64xf32, #tpu.memory_space<vmem>>, %arg6: memref<1x64xf32, #tpu.memory_space<vmem>>, %arg7: memref<1x64xf32, #tpu.memory_space<vmem>>, %arg8: memref<10000x64xf32, #tpu.memory_space<vmem>>, %arg9: memref<64x32xf32, #tpu.memory_space<vmem>>, %arg10: memref<10000x64xf32, #tpu.memory_space<vmem>>, %arg11: memref<10000x32xf32, #tpu.memory_space<vmem>>) attributes {dimension_semantics = [], scalar_prefetch = 0 : i64, scratch_operands = 0 : i64, tpu.core_type = #tpu.core_type<tc>} {
    %get3A = arith.constant 0 : index
    %get3A_0 = arith.constant 0 : index
    %get3A_1 = vector.load %arg2[%get3A, %get3A_0] : memref<10000x1xf32, #tpu.memory_space<vmem>>, vector<10000x1xf32>
    %get3A_2 = arith.constant 0 : index
    %get3A_3 = arith.constant 0 : index
    %get3A_4 = arith.constant 0 : index
    %get3A_5 = vector.load %arg0[%get3A_2, %get3A_3, %get3A_4] : memref<2x10000x64xf32, #tpu.memory_space<vmem>>, vector<1x10000x64xf32>
    %get3A_6 = vector.shape_cast %get3A_5 : vector<1x10000x64xf32> to vector<10000x64xf32>
    %get3A_7 = arith.constant 1 : index
    %get3A_8 = arith.constant 0 : index
    %get3A_9 = arith.constant 0 : index
    %get3A_10 = vector.load %arg0[%get3A_7, %get3A_8, %get3A_9] : memref<2x10000x64xf32, #tpu.memory_space<vmem>>, vector<1x10000x64xf32>
    %get3A_11 = vector.shape_cast %get3A_10 : vector<1x10000x64xf32> to vector<10000x64xf32>
    %add3A = arith.addf %get3A_6, %get3A_11 : vector<10000x64xf32>
    %get3A_12 = arith.constant 0 : index
    %get3A_13 = arith.constant 0 : index
    %get3A_14 = vector.load %arg1[%get3A_12, %get3A_13] : memref<10000x64xf32, #tpu.memory_space<vmem>>, vector<10000x64xf32>
    %add3A_15 = arith.addf %add3A, %get3A_14 : vector<10000x64xf32>
    %mul3A = vector.broadcast %get3A_1 : vector<10000x1xf32> to vector<10000x64xf32>
    %mul3A_16 = arith.mulf %mul3A, %add3A_15 : vector<10000x64xf32>
    %get3A_17 = arith.constant 0 : index
    %get3A_18 = arith.constant 0 : index
    %get3A_19 = vector.load %arg3[%get3A_17, %get3A_18] : memref<1x64xf32, #tpu.memory_space<vmem>>, vector<1x64xf32>
    %add3A_20 = vector.broadcast %get3A_19 : vector<1x64xf32> to vector<10000x64xf32>
    %add3A_21 = arith.addf %mul3A_16, %add3A_20 : vector<10000x64xf32>
    %get3A_22 = arith.constant 0 : index
    %get3A_23 = arith.constant 0 : index
    %get3A_24 = vector.load %arg6[%get3A_22, %get3A_23] : memref<1x64xf32, #tpu.memory_space<vmem>>, vector<1x64xf32>
    %sub3A = vector.broadcast %get3A_24 : vector<1x64xf32> to vector<10000x64xf32>
    %sub3A_25 = arith.subf %add3A_21, %sub3A : vector<10000x64xf32>
    %get3A_26 = arith.constant 0 : index
    %get3A_27 = arith.constant 0 : index
    %get3A_28 = vector.load %arg4[%get3A_26, %get3A_27] : memref<1x64xf32, #tpu.memory_space<vmem>>, vector<1x64xf32>
    %get3A_29 = arith.constant 0 : index
    %get3A_30 = arith.constant 0 : index
    %get3A_31 = vector.load %arg7[%get3A_29, %get3A_30] : memref<1x64xf32, #tpu.memory_space<vmem>>, vector<1x64xf32>
    %add3A_32 = arith.constant 9.99999974E-6 : f32
    %add3A_33 = vector.broadcast %add3A_32 : f32 to vector<1x64xf32>
    %add3A_34 = arith.addf %get3A_31, %add3A_33 : vector<1x64xf32>
    %rsqrt3A = math.rsqrt %add3A_34 : vector<1x64xf32>
    %mul3A_35 = arith.mulf %get3A_28, %rsqrt3A : vector<1x64xf32>
    %mul3A_36 = vector.broadcast %mul3A_35 : vector<1x64xf32> to vector<10000x64xf32>
    %mul3A_37 = arith.mulf %sub3A_25, %mul3A_36 : vector<10000x64xf32>
    %get3A_38 = arith.constant 0 : index
    %get3A_39 = arith.constant 0 : index
    %get3A_40 = vector.load %arg5[%get3A_38, %get3A_39] : memref<1x64xf32, #tpu.memory_space<vmem>>, vector<1x64xf32>
    %add3A_41 = vector.broadcast %get3A_40 : vector<1x64xf32> to vector<10000x64xf32>
    %add3A_42 = arith.addf %mul3A_37, %add3A_41 : vector<10000x64xf32>
    %max3A = arith.constant 0.000000e+00 : f32
    %max3A_43 = vector.broadcast %max3A : f32 to vector<10000x64xf32>
    %max3A_44 = arith.maximumf %add3A_42, %max3A_43 : vector<10000x64xf32>
    %get3A_45 = arith.constant 0 : index
    %get3A_46 = arith.constant 0 : index
    %get3A_47 = vector.load %arg8[%get3A_45, %get3A_46] : memref<10000x64xf32, #tpu.memory_space<vmem>>, vector<10000x64xf32>
    %add3A_48 = arith.addf %max3A_44, %get3A_47 : vector<10000x64xf32>
    %swap3A = arith.constant 0 : index
    %swap3A_49 = arith.constant 0 : index
    %swap3A_50 = vector.load %arg10[%swap3A, %swap3A_49] : memref<10000x64xf32, #tpu.memory_space<vmem>>, vector<10000x64xf32>
    tpu.vector_store %arg10[%swap3A, %swap3A_49], %add3A_48 {strides = array<i32>} : memref<10000x64xf32, #tpu.memory_space<vmem>>, vector<10000x64xf32>,
    %get3A_51 = arith.constant 0 : index
    %get3A_52 = arith.constant 0 : index
    %get3A_53 = vector.load %arg9[%get3A_51, %get3A_52] : memref<64x32xf32, #tpu.memory_space<vmem>>, vector<64x32xf32>
    %dot_general3A = arith.constant dense<0.000000e+00> : vector<10000x32xf32>
    %dot_general3A_54 = tpu.matmul %add3A_48, %get3A_53, %dot_general3A {dimension_numbers = #tpu.dot_dimension_numbers<[1], [0], [0], [1], [0, 0, 1, 1], [], []>, transpose_lhs_hint = false} : vector<10000x64xf32>, vector<64x32xf32>, vector<10000x32xf32> -> vector<10000x32xf32>
    %mul3A_55 = vector.broadcast %get3A_1 : vector<10000x1xf32> to vector<10000x32xf32>
    %mul3A_56 = arith.mulf %mul3A_55, %dot_general3A_54 : vector<10000x32xf32>
    %swap3A_57 = arith.constant 0 : index
    %swap3A_58 = arith.constant 0 : index
    %swap3A_59 = vector.load %arg11[%swap3A_57, %swap3A_58] : memref<10000x32xf32, #tpu.memory_space<vmem>>, vector<10000x32xf32>
    tpu.vector_store %arg11[%swap3A_57, %swap3A_58], %mul3A_56 {strides = array<i32>} : memref<10000x32xf32, #tpu.memory_space<vmem>>, vector<10000x32xf32>,
    return
  }
}

module attributes {stable_mosaic.version = 14 : i64} {
  func.func @_tc_head(%arg0: memref<2x10000x32xf32, #tpu.memory_space<vmem>>, %arg1: memref<10000x32xf32, #tpu.memory_space<vmem>>, %arg2: memref<10000x1xf32, #tpu.memory_space<vmem>>, %arg3: memref<1x32xf32, #tpu.memory_space<vmem>>, %arg4: memref<32x1xf32, #tpu.memory_space<vmem>>, %arg5: memref<1x1xf32, #tpu.memory_space<vmem>>, %arg6: memref<1x1xf32, #tpu.memory_space<vmem>>, %arg7: memref<10000x1xf32, #tpu.memory_space<vmem>>) attributes {dimension_semantics = [], scalar_prefetch = 0 : i64, scratch_operands = 0 : i64, tpu.core_type = #tpu.core_type<tc>} {
    %get3A = arith.constant 0 : index
    %get3A_0 = arith.constant 0 : index
    %get3A_1 = vector.load %arg2[%get3A, %get3A_0] : memref<10000x1xf32, #tpu.memory_space<vmem>>, vector<10000x1xf32>
    %get3A_2 = arith.constant 0 : index
    %get3A_3 = arith.constant 0 : index
    %get3A_4 = arith.constant 0 : index
    %get3A_5 = vector.load %arg0[%get3A_2, %get3A_3, %get3A_4] : memref<2x10000x32xf32, #tpu.memory_space<vmem>>, vector<1x10000x32xf32>
    %get3A_6 = vector.shape_cast %get3A_5 : vector<1x10000x32xf32> to vector<10000x32xf32>
    %get3A_7 = arith.constant 1 : index
    %get3A_8 = arith.constant 0 : index
    %get3A_9 = arith.constant 0 : index
    %get3A_10 = vector.load %arg0[%get3A_7, %get3A_8, %get3A_9] : memref<2x10000x32xf32, #tpu.memory_space<vmem>>, vector<1x10000x32xf32>
    %get3A_11 = vector.shape_cast %get3A_10 : vector<1x10000x32xf32> to vector<10000x32xf32>
    %add3A = arith.addf %get3A_6, %get3A_11 : vector<10000x32xf32>
    %get3A_12 = arith.constant 0 : index
    %get3A_13 = arith.constant 0 : index
    %get3A_14 = vector.load %arg1[%get3A_12, %get3A_13] : memref<10000x32xf32, #tpu.memory_space<vmem>>, vector<10000x32xf32>
    %add3A_15 = arith.addf %add3A, %get3A_14 : vector<10000x32xf32>
    %mul3A = vector.broadcast %get3A_1 : vector<10000x1xf32> to vector<10000x32xf32>
    %mul3A_16 = arith.mulf %mul3A, %add3A_15 : vector<10000x32xf32>
    %get3A_17 = arith.constant 0 : index
    %get3A_18 = arith.constant 0 : index
    %get3A_19 = vector.load %arg3[%get3A_17, %get3A_18] : memref<1x32xf32, #tpu.memory_space<vmem>>, vector<1x32xf32>
    %add3A_20 = vector.broadcast %get3A_19 : vector<1x32xf32> to vector<10000x32xf32>
    %add3A_21 = arith.addf %mul3A_16, %add3A_20 : vector<10000x32xf32>
    %max3A = arith.constant 0.000000e+00 : f32
    %max3A_22 = vector.broadcast %max3A : f32 to vector<10000x32xf32>
    %max3A_23 = arith.maximumf %add3A_21, %max3A_22 : vector<10000x32xf32>
    %get3A_24 = arith.constant 0 : index
    %get3A_25 = arith.constant 0 : index
    %get3A_26 = vector.load %arg4[%get3A_24, %get3A_25] : memref<32x1xf32, #tpu.memory_space<vmem>>, vector<32x1xf32>
    %dot_general3A = arith.constant dense<0.000000e+00> : vector<10000x1xf32>
    %dot_general3A_27 = tpu.matmul %max3A_23, %get3A_26, %dot_general3A {dimension_numbers = #tpu.dot_dimension_numbers<[1], [0], [0], [1], [0, 0, 1, 1], [], []>, transpose_lhs_hint = false} : vector<10000x32xf32>, vector<32x1xf32>, vector<10000x1xf32> -> vector<10000x1xf32>
    %get3A_28 = arith.constant 0 : index
    %get3A_29 = arith.constant 0 : index
    %get3A_30 = vector.load %arg5[%get3A_28, %get3A_29] : memref<1x1xf32, #tpu.memory_space<vmem>>, vector<1x1xf32>
    %add3A_31 = vector.broadcast %get3A_30 : vector<1x1xf32> to vector<10000x1xf32>
    %add3A_32 = arith.addf %dot_general3A_27, %add3A_31 : vector<10000x1xf32>
    %tanh3A = math.tanh %add3A_32 : vector<10000x1xf32>
    %get3A_33 = arith.constant 0 : index
    %get3A_34 = arith.constant 0 : index
    %get3A_35 = vector.load %arg6[%get3A_33, %get3A_34] : memref<1x1xf32, #tpu.memory_space<vmem>>, vector<1x1xf32>
    %mul3A_36 = vector.broadcast %get3A_35 : vector<1x1xf32> to vector<10000x1xf32>
    %mul3A_37 = arith.mulf %tanh3A, %mul3A_36 : vector<10000x1xf32>
    %swap3A = arith.constant 0 : index
    %swap3A_38 = arith.constant 0 : index
    %swap3A_39 = vector.load %arg7[%swap3A, %swap3A_38] : memref<10000x1xf32, #tpu.memory_space<vmem>>, vector<10000x1xf32>
    tpu.vector_store %arg7[%swap3A, %swap3A_38], %mul3A_37 {strides = array<i32>} : memref<10000x1xf32, #tpu.memory_space<vmem>>, vector<10000x1xf32>,
    return
  }
}

</mosaic_0001>

<sc_bundles>
// kernel: kernel.11.cloned.1.call-start
scs
__scs_entry_jumppad:
0x0: {  	(pc) =	sbr.rel $0x88, $3  }
0x1: {  	(tag) =	ssettag $0x0;
	lr =	simm.s32 $0x1  }
0x2: {  	[smem:$0x3F8C] =	sst lr;
	_ =	strace $0xD0000000  }
0x3: {  	_ = 	snop  }
0x4: {  	_ = 	snop  }
0x5: {  	_ = 	snop  }
0x6: {  	_ = 	snop  }
0x7: {  	_ = 	snop  }
__scs_overlays_trampoline_lowered:
0x8: {  	[smem:$0x3F9B] =	sst s0  }
0x9: {  	[smem:$0x3F9C] =	sst s1  }
0xa: {  	[smem:$0x3F9D] =	sst s2  }
0xb: {  	[smem:$0x3F9E] =	sst s3  }
0xc: {  	[smem:$0x3F9F] =	sst s4  }
0xd: {  	[smem:$0x3FA0] =	sst s5  }
0xe: {  	[smem:$0x3FA1] =	sst s6  }
0xf: {  	[smem:$0x3FA2] =	sst s7  }
0x10: {  	[smem:$0x3FA3] =	sst s8  }
0x11: {  	[smem:$0x3FA4] =	sst s9;
	s0 =	simm.s32 @!p0 $0x0  }
0x12: {  	s1 =	sld [smem:$0x3F8A];
	s0 =	simm.s32 @p0 $0x1  }
0x13: {  	[smem:$0x3FA5] =	sst s0;
	s0 =	simm.s32 @!p1 $0x0  }
0x14: {  	s2 =	sld [smem:$0x3F89];
	s0 =	simm.s32 @p1 $0x1  }
0x15: {  	[smem:$0x3FA6] =	sst s0;
	s0 =	simm.s32 @!p2 $0x0  }
0x16: {  	s3 =	sld [smem:$0x3FDB];
	s0 =	simm.s32 @p2 $0x1  }
0x17: {  	s4 =	simm.s32 $0x1BF5;
	[smem:$0x3FA8] =	sst s0  }
0x18: {  	s0 =	sld [smem:$0x3F8B];
	_ =	swait.ge [sflag:s4], $0x0  }
0x19: {  	s7 =	sld [smem:$0x3F8C]  }
0x1a: {  	s8 =	sadd.s32 $0xFFFFE003, lr  }
0x1b: {  	s9 =	sadd.s32 $0xFFFFFEF7, lr;
	s5 =	simm.s32 $0xFFFFFFFF;
	p2 =	slt.u32 s8, $0xFFFFF086  }
0x1c: {  	p1 =	slt.u32 s9, $0xF7A;
	s5 =	simm.s32 @!p2 $0x0  }
0x1d: {  	s5 =	simm.s32 @p1 $0x1;
	p0 =	seq.s32 s7, s2  }
0x1e: {  	s7 =	smul.u32 @!p0 $0xF7A, s2;
	p2 =	seq.s32 @!p0 s5, $0x0  }
0x1f: {  	s9 =	smul.u32 $0xF7A, s1;
	s8 =	simm.s32 @!p0 $0x1BF5;
	p2 =	por !p2, p0  }
0x20: {  	[sflag:s8] =	ssyncset.s32 @!p0 $0xFFFFF086;
	s6 =	sadd.s32 @!p0 s3, s7;
	s7 =	simm.s32 @!p0 $0x108  }
0x21: {  	s3 =	sadd.s32 s3, s9;
	s6 =	sadd.s32 @!p0 $0x88, s6;
	s7 =	simm.s32 @p2 $0x1082  }
0x22: {  	[simem:s7], [sflag:s8] =	dma.local @!p0 [hbm:s6], $0xF7A  }
0x23: {  	s9 =	sor.u32 $0xD0000000, s2;
	s6 =	simm.s32 $0x108;
	_ =	swait.ge @!p0 [sflag:s8], $0x0  }
0x24: {  	s3 =	sadd.s32 $0x88, s3;
	s6 =	simm.s32 @!p1 $0x1082;
	[sflag:s4] =	ssyncset.s32 $0xFFFFF086  }
0x25: {  	[simem:s6], [sflag:s4] =	dma.local [hbm:s3], $0xF7A  }
0x26: {  	[smem:$0x3F8C] =	sst s1;
	(tag) =	ssettag s2;
	_ =	strace s9  }
0x27: {  	s1 =	sld [smem:$0x3F9C]  }
0x28: {  	s2 =	sld [smem:$0x3F9D]  }
0x29: {  	s4 =	sld [smem:$0x3F9F]  }
0x2a: {  	p0 =	seq.s32 s5, $0x0;
	s5 =	sld [smem:$0x3FA0]  }
0x2b: {  	s6 =	sld [smem:$0x3FA1]  }
0x2c: {  	s7 =	sld [smem:$0x3FA2]  }
0x2d: {  	s3 =	simm.s32 $0x108;
	s8 =	sld [smem:$0x3FA3]  }
0x2e: {  	s3 =	simm.s32 @!p0 $0x1082;
	s9 =	sld [smem:$0x3FA4]  }
0x2f: {  	lr =	sadd.s32 s0, s3;
	s0 =	sld [smem:$0x3F9B]  }
0x30: {  	s3 =	sld [smem:$0x3F9E]  }
0x31: {  	[smem:$0x3FA7] =	sst s10  }
0x32: {  	s10 =	sld [smem:$0x3FA5];
	_ =	sdelay $0x3  }
0x33: {  	p0 =	seq.s32 s10, $0x1;
	s10 =	sld [smem:$0x3FA7];
	_ =	sdelay $0x3  }
0x34: {  	[smem:$0x3FA7] =	sst s10  }
0x35: {  	s10 =	sld [smem:$0x3FA6];
	_ =	sdelay $0x3  }
0x36: {  	p1 =	seq.s32 s10, $0x1;
	s10 =	sld [smem:$0x3FA7];
	_ =	sdelay $0x3  }
0x37: {  	[smem:$0x3FA7] =	sst s10  }
0x38: {  	s10 =	sld [smem:$0x3FA8]  }
0x39: {  	_ = 	snop;
	(pc) =	sbr.ind lr, $3  }
0x3a: {  	_ = 	snop  }
0x3b: {  	_ = 	snop  }
0x3c: {  	p2 =	seq.s32 s10, $0x1;
	s10 =	sld [smem:$0x3FA7]  }
0x3d: {  	_ =	shalt  }
0x3e: {  	_ =	shalt  }
0x3f: {  	_ =	shalt  }
0x40: {  	_ =	shalt  }
0x41: {  	_ =	shalt  }
0x42: {  	_ =	shalt  }
0x43: {  	_ =	shalt  }
0x44: {  	_ =	shalt  }
0x45: {  	_ =	shalt  }
0x46: {  	_ =	shalt  }
0x47: {  	_ =	shalt  }
0x48: {  	_ =	shalt  }
0x49: {  	_ =	shalt  }
0x4a: {  	_ =	shalt  }
0x4b: {  	_ =	shalt  }
0x4c: {  	_ =	shalt  }
0x4d: {  	_ =	shalt  }
0x4e: {  	_ =	shalt  }
0x4f: {  	_ =	shalt  }
0x50: {  	_ =	shalt  }
0x51: {  	_ =	shalt  }
0x52: {  	_ =	shalt  }
0x53: {  	_ =	shalt  }
0x54: {  	_ =	shalt  }
0x55: {  	_ =	shalt  }
0x56: {  	_ =	shalt  }
0x57: {  	_ =	shalt  }
0x58: {  	_ =	shalt  }
0x59: {  	_ =	shalt  }
0x5a: {  	_ =	shalt  }
0x5b: {  	_ =	shalt  }
0x5c: {  	_ =	shalt  }
0x5d: {  	_ =	shalt  }
0x5e: {  	_ =	shalt  }
0x5f: {  	_ =	shalt  }
0x60: {  	_ =	shalt  }
0x61: {  	_ =	shalt  }
0x62: {  	_ =	shalt  }
0x63: {  	_ =	shalt  }
0x64: {  	_ =	shalt  }
0x65: {  	_ =	shalt  }
0x66: {  	_ =	shalt  }
0x67: {  	_ =	shalt  }
0x68: {  	_ =	shalt  }
0x69: {  	_ =	shalt  }
0x6a: {  	_ =	shalt  }
0x6b: {  	_ =	shalt  }
0x6c: {  	_ =	shalt  }
0x6d: {  	_ =	shalt  }
0x6e: {  	_ =	shalt  }
0x6f: {  	_ =	shalt  }
0x70: {  	_ =	shalt  }
0x71: {  	_ =	shalt  }
0x72: {  	_ =	shalt  }
0x73: {  	_ =	shalt  }
0x74: {  	_ =	shalt  }
0x75: {  	_ =	shalt  }
0x76: {  	_ =	shalt  }
0x77: {  	_ =	shalt  }
0x78: {  	_ =	shalt  }
0x79: {  	_ =	shalt  }
0x7a: {  	_ =	shalt  }
0x7b: {  	_ =	shalt  }
0x7c: {  	_ =	shalt  }
0x7d: {  	_ =	shalt  }
0x7e: {  	_ =	shalt  }
0x7f: {  	_ =	shalt  }
0x80: {  	_ =	shalt  }
0x81: {  	_ =	shalt  }
0x82: {  	_ =	shalt  }
0x83: {  	_ =	shalt  }
0x84: {  	_ =	shalt  }
0x85: {  	_ =	shalt  }
0x86: {  	_ =	shalt  }
0x87: {  	_ =	shalt  }
.Lfunc_end0:
.L_simem_size_0:
called_computation_lowered:
.L_overlay_start_0:
0x88: {  	s2 =	sld [smem:$0x3FD9]  }
0x89: {  	s3 =	sld [smem:$0x3FFE];
	_ =	sdelay $0x1  }
0x8a: {  	s1 =	srdreg.scid  }
0x8b: {  	s0 =	sand.u32 $0x1, s1  }
0x8c: {  	s17 =	sshll.u32 s0, $0xA;
	s2 =	sadd.s32 s3, s2  }
0x8d: {  	s2 =	sadd.s32 s2, s17  }
0x8e: {  	[smem:$0x3FB3] =	sst s2  }
0x8f: {  	_ = 	snop  }
0x90: {  	s2 =	sld [smem:$0x3FD0];
	(tm) =	ssettm $0x1  }
0x91: {  	s18 =	sld [smem:$0x3FFB];
	_ =	sdelay $0x3  }
0x92: {  	_ =	strace s18  }
0x93: {  	s3 =	sld [smem:$0x3FFC];
	_ =	sdelay $0x3  }
0x94: {  	_ =	strace s3  }
0x95: {  	s3 =	sld [smem:$0x3FFD];
	_ =	sdelay $0x3  }
0x96: {  	_ =	strace s3  }
0x97: {  	_ =	strace $0x8FFFFFFF  }
0x98: {  	s19 =	sld [smem:$0x3FDB];
	_ =	sdelay $0x1  }
0x99: {  	s4 =	simm.s32 $_scs_section_size  }
0x9a: {  	s5 =	simm.s32 $_size__tile_overlayer_lowered;
	s6 =	simm.s32 $_tile_overlayer_lowered  }
0x9b: {  	s22 =	simm.s32 $0x1BFF;
	s21 =	sshll.u32 s6, $0x1;
	s3 =	sadd.s32 s4, s19  }
0x9c: {  	s7 =	simm.s32 $0x0;
	s20 =	sshll.u32 s5, $0x1;
	s5 =	sadd.s32 s21, s3  }
0x9d: {  	[timem:s7], [sflag:s22] =	dma.local [hbm:s5], s20  }
0x9e: {  	_ =	swait.ge [sflag:s22], s20  }
0x9f: {  	s4 =	ssub.s32 $0x0, s20;
	[sflag:s22] =	ssyncset.done $0x0  }
0xa0: {  	[sflag:s22] =	ssyncadd.s32 s4;
	_ =	sdelay $0x1  }
0xa1: {  	s23 =	simm.s32 $0x1B8B  }
0xa2: {  	_ =	swait.ge [sflag:s23], $0x1  }
0xa3: {  	[sflag:s23] =	ssyncset.done $0x0  }
0xa4: {  	s25 =	simm.s32 $0x1B8E;
	s24 =	sld [smem:$0x3FFE];
	[sflag:s23] =	ssyncadd.s32 $0xFFFFFFFF  }
0xa5: {  	s26 =	simm.s32 $execute0_lowered;
	[smem:$0x3FD2] =	sst s25  }
0xa6: {  	s5 =	sshll.u32 s26, $0x1;
	_ =	strace $0x80000046;
	[dreg:$0x1] =	wrdreg $0xFFFFFFFF  }
0xa7: {  	s28 =	simm.s32 $_size_execute0_lowered;
	s3 =	sadd.s32 s3, s5;
	[dreg:$0x0] =	wrdreg $0x0  }
0xa8: {  	s5 =	sshll.u32 s28, $0x1;
	[dreg:$0x2] =	wrdreg s3  }
0xa9: {  	[dreg:$0x3] =	wrdreg s5  }
0xaa: {  	[dreg:$0x4] =	wrdreg $0xC0  }
0xab: {  	_ =	task [dreg:s7], $0x5FFFF  }
0xac: {  	[dreg:$0x1] =	wrdreg $0xFFFFFFFF  }
0xad: {  	[dreg:$0x0] =	wrdreg $0x60  }
0xae: {  	[dreg:$0x2] =	wrdreg s2  }
0xaf: {  	[dreg:$0x3] =	wrdreg s24  }
0xb0: {  	[dreg:$0x4] =	wrdreg $0x2F800  }
0xb1: {  	[dreg:$0x5] =	wrdreg $0x9  }
0xb2: {  	_ =	task.clear_ibuf [dreg:s7], $0x6FFFF;
	_ =	strace $0x90000046  }
0xb3: {  	s29 =	simm.s32 $0x9;
	_ =	strace $0x80000048  }
0xb4: {  	_ =	swait.ge [sflag:s29], $0x1  }
0xb5: {  	[sflag:s29] =	ssyncadd.s32 $0xFFFFFFFF  }
0xb6: {  	_ =	strace $0x90000048  }
0xb7: {  	_ =	sfence  }
0xb8: {  	s30 =	sld [smem:$0x0];
	_ =	sdelay $0x2  }
0xb9: {  	s31 =	sshll.u32 s1, $0xD;
	s1 =	sshrl.u32 s1, $0x2  }
0xba: {  	s3 =	sand.u32 $0x4000, s31;
	s1 =	sadd.s32 s1, s30  }
0xbb: {  	s0 =	sor.u32 s3, s0;
	s1 =	sshll.u32 s1, $0x11  }
0xbc: {  	s0 =	sor.u32 s1, s0  }
0xbd: {  	s0 =	sadd.s32 $0x8F2B, s0  }
0xbe: {  	[sflag:s0] =	ssyncadd.remote.s32 $0x1  }
0xbf: {  	_ =	sfence.sel $0xFFFF  }
0xc0: {  	[dreg:$0x0] =	wrdreg $0xFFFFFFFF;
	(pc) =	sbr.abs _section_cstart, $3  }
0xc1: {  	[dreg:$0x1] =	wrdreg $0xFFFFFFFF  }
0xc2: {  	_ =	task.clear_ibuf [dreg:s7], $0x2FFFF;
	_ =	strace $0x9FFFFFFF  }
0xc3: {  	(tm) =	ssettm $0x7FFFFFFF  }
tec
execute0_lowered:
.L_overlay_start_1:
0x0: {  	(tag) =	ssettag $0x1  }
0x1: {  	s1 =	rddreg [dreg:$0x0]  }
0x2: {  	s6 =	rddreg [dreg:$0x1]  }
0x3: {  	s0 =	srdreg.scid;
	s3 =	rddreg [dreg:$0x2]  }
0x4: {  	s4 =	simm.s32 $0x0;
	s14 =	simm.s32 $0x80;
	s15 =	simm.s32 $0x1  }
0x5: {  	s16 =	simm.s32 $0x2;
	s5 =	sand.u32 $0x1, s0;
	s0 =	stileid.u32  }
0x6: {  	s17 =	simm.s32 $0x0;
	[smem:$0x7FF] =	sst s4;
	s29 =	smul.u32 $0x1388, s0  }
0x7: {  	s2 =	sshll.u32 s5, $0x4;
	s9 =	smul.u32 $0x13880, s5;
	s5 =	ssub.s32 $0x2, s5  }
0x8: {  	s31 =	sshll.u32 s0, $0x6;
	s11 =	sor.u32 s0, s2;
	s2 =	rddreg [dreg:$0x3]  }
0x9: {  	_ =	strace $0x80000047;
	s12 =	sshrl.u32 s5, $0x1;
	s7 =	smul.u32 $0x4E, s11  }
0xa: {  	s8 =	smin.u32 s11, $0x4;
	s30 =	sshrl.u32 s29, $0x3;
	s9 =	sadd.s32 s29, s9  }
0xb: {  	s12 =	ssub.s32 s5, s12;
	s13 =	sadd.s32 s29, s3;
	p0 =	sgt.u32 s11, $0x3  }
0xc: {  	s9 =	sshrl.u32 s9, $0x3;
	s11 =	sshrl.u32 s13, $0x3;
	s7 =	sadd.s32 s8, s7  }
0xd: {  	s13 =	simm.s32 $0x2780;
	s9 =	sadd.s32 s9, s6;
	s7 =	sshll.u32 s7, $0x4  }
0xe: {  	s9 =	sadd.s32 $0x1A400, s9;
	s10 =	sadd.s32 s7, s6;
	s7 =	sadd.s32 s30, s6  }
0xf: {  	s6 =	sor.u32 $0x1C03, s31;
	s5 =	sadd.s32 $0x17C00, s7;
	s7 =	sadd.s32 $0xDE40, s10  }
0x10: {  	s8 =	sadd.s32 $0xE320, s10;
	s10 =	smax.u32 s12, $0x1;
	s12 =	simm.s32 $0x3  }
.LBB2_1:
0x11: {  	[spmem:s11], [sflag:s6] =	dma.local [hbm:s5], $0x271  }
0x12: {  	_ =	swait.ge [sflag:s12], $0x271  }
0x13: {  	[sflag:s12] =	ssyncset.done $0x0  }
0x14: {  	[sflag:s12] =	ssyncadd.s32 $0xFFFFFD8F  }
0x15: {  	[tilespmem:s4], [sflag:$0x3] =	stream.linear.gather [hbm4b:s7+s4], $0x2700, $0x38;
	[tilespmem:$0x4308] =	vst v63  }
0x16: {  	_ =	swait.ge [sflag:s12], $0x2700  }
0x17: {  	[sflag:s12] =	ssyncset.done $0x0  }
0x18: {  	[sflag:s12] =	ssyncadd.s32 $0xFFFFD900  }
0x19: {  	[tilespmem:s13], [sflag:$0x3] =	stream.linear.gather [hbm4b:s1+s4], $0x400, $0x38;
	[tilespmem:$0x4308] =	vst v63  }
0x1a: {  	_ =	swait.ge [sflag:s12], $0x400  }
0x1b: {  	[sflag:s12] =	ssyncset.done $0x0  }
0x1c: {  	s18 =	simm.s32 @!p0 $0x0;
	s19 =	simm.s32 @!p0 $0x2700;
	[sflag:s12] =	ssyncadd.s32 $0xFFFFFC00  }
0x1d: {  	[tilespmem:s19], [sflag:$0x3] =	stream.linear.gather @!p0 [hbm4b:s8+s18], $0x80, $0x38;
	[tilespmem:$0x4308] =	vst v63  }
0x1e: {  	s18 =	simm.s32 @!p0 $0x3  }
0x1f: {  	_ =	swait.ge @!p0 [sflag:s18], $0x80  }
0x20: {  	[sflag:s18] =	ssyncset.done @!p0 $0x0  }
0x21: {  	[sflag:s18] =	ssyncadd.s32 @!p0 $0xFFFFFF80  }
0x22: {  	s30 =	simm.s32 $0x0;
	[bflag:$0x0] =	sbarrier.arrive $0xFFFF  }
0x23: {  	[spmem:s3] =	stream.indirect.scatter.add.f32 [tilespmem:s13], [sflag:$0x1], $0x8, s30, s14, $0xb8;
	[tilespmem:$0x4308] =	vst v63  }
0x24: {  	s31 =	simm.s32 $0x80  }
0x25: {  	[spmem:s3] =	stream.indirect.scatter.add.f32 [tilespmem:s13], [sflag:$0x2], $0x8, s31, s14, $0xb8;
	[tilespmem:$0x4308] =	vst v63  }
0x26: {  	_ =	swait.ge [sflag:s15], $0x400  }
0x27: {  	[sflag:s15] =	ssyncset.done $0x0  }
0x28: {  	[sflag:s15] =	ssyncadd.s32 $0xFFFFFC00  }
0x29: {  	_ =	swait.ge [sflag:s16], $0x400  }
0x2a: {  	s19 =	simm.s32 $0x800;
	s18 =	simm.s32 $0x400;
	[sflag:s16] =	ssyncset.done $0x0  }
.LBB2_2:
0x2b: {  	s20 =	sshra.s32 s18, $0x2  }
0x2c: {  	[sflag:s16] =	ssyncadd.s32 $0xFFFFFC00;
	s18 =	smov.u32 s19;
	s21 =	sadd.s32 $0x400, s19  }
0x2d: {  	[spmem:s3] =	stream.indirect.scatter.add.f32 [tilespmem:s13], [sflag:$0x1], $0x8, s20, s14, $0xb8;
	[tilespmem:$0x4308] =	vst v63  }
0x2e: {  	p1 =	sne.s32 s19, $0x9800;
	s19 =	sadd.s32 $0x80, s20  }
0x2f: {  	[spmem:s3] =	stream.indirect.scatter.add.f32 [tilespmem:s13], [sflag:$0x2], $0x8, s19, s14, $0xb8;
	[tilespmem:$0x4308] =	vst v63  }
.Ltmp0:
0x30: {  	_ =	swait.ge [sflag:s15], $0x400;
	(pc) =	sbr.rel @p1 .LBB2_2-.Ltmp0, $4  }
0x31: {  	[sflag:s15] =	ssyncset.done $0x0  }
0x32: {  	[sflag:s15] =	ssyncadd.s32 $0xFFFFFC00  }
0x33: {  	_ =	swait.ge [sflag:s16], $0x400  }
0x34: {  	s19 =	smov.u32 s21;
	[sflag:s16] =	ssyncset.done $0x0  }
0x35: {  	s18 =	sshra.s32 s18, $0x2;
	[sflag:s16] =	ssyncadd.s32 $0xFFFFFC00  }
0x36: {  	[spmem:s3] =	stream.indirect.scatter.add.f32 [tilespmem:s13], [sflag:$0x1], $0x8, s18, s14, $0xb8;
	[tilespmem:$0x4308] =	vst v63  }
0x37: {  	s18 =	sadd.s32 $0x80, s18  }
0x38: {  	[spmem:s3] =	stream.indirect.scatter.add.f32 [tilespmem:s13], [sflag:$0x2], $0x8, s18, s14, $0xb8;
	[tilespmem:$0x4308] =	vst v63  }
0x39: {  	_ =	swait.ge [sflag:s15], $0x400  }
0x3a: {  	[sflag:s15] =	ssyncset.done $0x0  }
0x3b: {  	[sflag:s15] =	ssyncadd.s32 $0xFFFFFC00  }
0x3c: {  	_ =	swait.ge [sflag:s16], $0x400  }
0x3d: {  	s19 =	simm.s32 @!p0 $0x2700;
	[sflag:s16] =	ssyncset.done $0x0  }
0x3e: {  	s20 =	simm.s32 @!p0 $0x2780;
	s18 =	simm.s32 @!p0 $0x80;
	[sflag:s16] =	ssyncadd.s32 $0xFFFFFC00  }
0x3f: {  	[spmem:s3] =	stream.indirect.scatter.add.f32 @!p0 [tilespmem:s20], [sflag:$0x1], $0x8, s19, s18, $0xb8;
	[tilespmem:$0x4308] =	vst v63  }
0x40: {  	s18 =	simm.s32 @!p0 $0x1  }
0x41: {  	_ =	swait.ge @!p0 [sflag:s18], $0x400  }
0x42: {  	s17 =	sadd.s32 $0x1, s17;
	[sflag:s18] =	ssyncset.done @!p0 $0x0  }
0x43: {  	p1 =	sne.s32 s17, s10;
	[sflag:s18] =	ssyncadd.s32 @!p0 $0xFFFFFC00  }
.Ltmp1:
0x44: {  	[bflag:$0x0] =	sbarrier.arrive $0xFFFF;
	(pc) =	sbr.rel @p1 .LBB2_1-.Ltmp1, $4  }
0x45: {  	[hbm:s9], [sflag:s6] =	dma.local [spmem:s11], $0x271  }
0x46: {  	_ =	swait.ge [sflag:s12], $0x271  }
0x47: {  	[sflag:s12] =	ssyncset.done $0x0  }
0x48: {  	[sflag:s12] =	ssyncadd.s32 $0xFFFFFD8F  }
0x49: {  	_ =	sfence.sel $0x180000  }
0x4a: {  	[bflag:$0x0] =	sbarrier.arrive $0xFFFF  }
0x4b: {  	p0 =	sne.s32 s0, $0x0;
	_ =	strace $0x90000047  }
0x4c: {  	s0 =	sadd.s32 @!p0 $0x100000, s2;
	[bflag:$0x2] =	sbarrier.arrive $0xFFFF  }
0x4d: {  	[sflag:s0] =	ssyncadd.tile.s32 @!p0 $0x1;
	_ =	shalt  }
.Lfunc_end2:
_tile_overlayer_lowered:
.L_overlay_start_2:
0x4e: {  	(tag) =	ssettag $0x2  }
0x4f: {  	s0 =	rddreg [dreg:$0x0];
	s2 =	stileid.u32  }
0x50: {  	s1 =	rddreg [dreg:$0x1];
	p0 =	sne.s32 s2, $0x0  }
0x51: {  	s3 =	rddreg [dreg:$0x2];
	[bflag:$0x3] =	sbarrier.arrive $0xFFFF;
	s2 =	simm.s32 @!p0 $0x1C03  }
0x52: {  	[timem:s3], [sflag:s2] =	dma.local @!p0 [hbm:s0], s1  }
0x53: {  	s0 =	simm.s32 @!p0 $0x3  }
0x54: {  	_ =	swait.ge @!p0 [sflag:s0], s1  }
0x55: {  	s1 =	ssub.s32 @!p0 $0x0, s1;
	[sflag:s0] =	ssyncset.done @!p0 $0x0  }
0x56: {  	[sflag:s0] =	ssyncadd.s32 @!p0 s1  }
0x57: {  	[bflag:$0x3] =	sbarrier.arrive $0xFFFF  }
0x58: {  	_ =	shalt  }

// kernel: kernel.14.cloned.1.call-start
scs
__scs_entry_jumppad:
0x0: {  	(pc) =	sbr.rel $0x88, $3  }
0x1: {  	(tag) =	ssettag $0x0;
	lr =	simm.s32 $0x1  }
0x2: {  	[smem:$0x3F8C] =	sst lr;
	_ =	strace $0xD0000000  }
0x3: {  	_ = 	snop  }
0x4: {  	_ = 	snop  }
0x5: {  	_ = 	snop  }
0x6: {  	_ = 	snop  }
0x7: {  	_ = 	snop  }
__scs_overlays_trampoline_lowered:
0x8: {  	[smem:$0x3F9B] =	sst s0  }
0x9: {  	[smem:$0x3F9C] =	sst s1  }
0xa: {  	[smem:$0x3F9D] =	sst s2  }
0xb: {  	[smem:$0x3F9E] =	sst s3  }
0xc: {  	[smem:$0x3F9F] =	sst s4  }
0xd: {  	[smem:$0x3FA0] =	sst s5  }
0xe: {  	[smem:$0x3FA1] =	sst s6  }
0xf: {  	[smem:$0x3FA2] =	sst s7  }
0x10: {  	[smem:$0x3FA3] =	sst s8  }
0x11: {  	[smem:$0x3FA4] =	sst s9;
	s0 =	simm.s32 @!p0 $0x0  }
0x12: {  	s1 =	sld [smem:$0x3F8A];
	s0 =	simm.s32 @p0 $0x1  }
0x13: {  	[smem:$0x3FA5] =	sst s0;
	s0 =	simm.s32 @!p1 $0x0  }
0x14: {  	s2 =	sld [smem:$0x3F89];
	s0 =	simm.s32 @p1 $0x1  }
0x15: {  	[smem:$0x3FA6] =	sst s0;
	s0 =	simm.s32 @!p2 $0x0  }
0x16: {  	s3 =	sld [smem:$0x3FDB];
	s0 =	simm.s32 @p2 $0x1  }
0x17: {  	s4 =	simm.s32 $0x1BF5;
	[smem:$0x3FA8] =	sst s0  }
0x18: {  	s0 =	sld [smem:$0x3F8B];
	_ =	swait.ge [sflag:s4], $0x0  }
0x19: {  	s7 =	sld [smem:$0x3F8C]  }
0x1a: {  	s8 =	sadd.s32 $0xFFFFE003, lr  }
0x1b: {  	s9 =	sadd.s32 $0xFFFFFEF7, lr;
	s5 =	simm.s32 $0xFFFFFFFF;
	p2 =	slt.u32 s8, $0xFFFFF086  }
0x1c: {  	p1 =	slt.u32 s9, $0xF7A;
	s5 =	simm.s32 @!p2 $0x0  }
0x1d: {  	s5 =	simm.s32 @p1 $0x1;
	p0 =	seq.s32 s7, s2  }
0x1e: {  	s7 =	smul.u32 @!p0 $0xF7A, s2;
	p2 =	seq.s32 @!p0 s5, $0x0  }
0x1f: {  	s9 =	smul.u32 $0xF7A, s1;
	s8 =	simm.s32 @!p0 $0x1BF5;
	p2 =	por !p2, p0  }
0x20: {  	[sflag:s8] =	ssyncset.s32 @!p0 $0xFFFFF086;
	s6 =	sadd.s32 @!p0 s3, s7;
	s7 =	simm.s32 @!p0 $0x108  }
0x21: {  	s3 =	sadd.s32 s3, s9;
	s6 =	sadd.s32 @!p0 $0x88, s6;
	s7 =	simm.s32 @p2 $0x1082  }
0x22: {  	[simem:s7], [sflag:s8] =	dma.local @!p0 [hbm:s6], $0xF7A  }
0x23: {  	s9 =	sor.u32 $0xD0000000, s2;
	s6 =	simm.s32 $0x108;
	_ =	swait.ge @!p0 [sflag:s8], $0x0  }
0x24: {  	s3 =	sadd.s32 $0x88, s3;
	s6 =	simm.s32 @!p1 $0x1082;
	[sflag:s4] =	ssyncset.s32 $0xFFFFF086  }
0x25: {  	[simem:s6], [sflag:s4] =	dma.local [hbm:s3], $0xF7A  }
0x26: {  	[smem:$0x3F8C] =	sst s1;
	(tag) =	ssettag s2;
	_ =	strace s9  }
0x27: {  	s1 =	sld [smem:$0x3F9C]  }
0x28: {  	s2 =	sld [smem:$0x3F9D]  }
0x29: {  	s4 =	sld [smem:$0x3F9F]  }
0x2a: {  	p0 =	seq.s32 s5, $0x0;
	s5 =	sld [smem:$0x3FA0]  }
0x2b: {  	s6 =	sld [smem:$0x3FA1]  }
0x2c: {  	s7 =	sld [smem:$0x3FA2]  }
0x2d: {  	s3 =	simm.s32 $0x108;
	s8 =	sld [smem:$0x3FA3]  }
0x2e: {  	s3 =	simm.s32 @!p0 $0x1082;
	s9 =	sld [smem:$0x3FA4]  }
0x2f: {  	lr =	sadd.s32 s0, s3;
	s0 =	sld [smem:$0x3F9B]  }
0x30: {  	s3 =	sld [smem:$0x3F9E]  }
0x31: {  	[smem:$0x3FA7] =	sst s10  }
0x32: {  	s10 =	sld [smem:$0x3FA5];
	_ =	sdelay $0x3  }
0x33: {  	p0 =	seq.s32 s10, $0x1;
	s10 =	sld [smem:$0x3FA7];
	_ =	sdelay $0x3  }
0x34: {  	[smem:$0x3FA7] =	sst s10  }
0x35: {  	s10 =	sld [smem:$0x3FA6];
	_ =	sdelay $0x3  }
0x36: {  	p1 =	seq.s32 s10, $0x1;
	s10 =	sld [smem:$0x3FA7];
	_ =	sdelay $0x3  }
0x37: {  	[smem:$0x3FA7] =	sst s10  }
0x38: {  	s10 =	sld [smem:$0x3FA8]  }
0x39: {  	_ = 	snop;
	(pc) =	sbr.ind lr, $3  }
0x3a: {  	_ = 	snop  }
0x3b: {  	_ = 	snop  }
0x3c: {  	p2 =	seq.s32 s10, $0x1;
	s10 =	sld [smem:$0x3FA7]  }
0x3d: {  	_ =	shalt  }
0x3e: {  	_ =	shalt  }
0x3f: {  	_ =	shalt  }
0x40: {  	_ =	shalt  }
0x41: {  	_ =	shalt  }
0x42: {  	_ =	shalt  }
0x43: {  	_ =	shalt  }
0x44: {  	_ =	shalt  }
0x45: {  	_ =	shalt  }
0x46: {  	_ =	shalt  }
0x47: {  	_ =	shalt  }
0x48: {  	_ =	shalt  }
0x49: {  	_ =	shalt  }
0x4a: {  	_ =	shalt  }
0x4b: {  	_ =	shalt  }
0x4c: {  	_ =	shalt  }
0x4d: {  	_ =	shalt  }
0x4e: {  	_ =	shalt  }
0x4f: {  	_ =	shalt  }
0x50: {  	_ =	shalt  }
0x51: {  	_ =	shalt  }
0x52: {  	_ =	shalt  }
0x53: {  	_ =	shalt  }
0x54: {  	_ =	shalt  }
0x55: {  	_ =	shalt  }
0x56: {  	_ =	shalt  }
0x57: {  	_ =	shalt  }
0x58: {  	_ =	shalt  }
0x59: {  	_ =	shalt  }
0x5a: {  	_ =	shalt  }
0x5b: {  	_ =	shalt  }
0x5c: {  	_ =	shalt  }
0x5d: {  	_ =	shalt  }
0x5e: {  	_ =	shalt  }
0x5f: {  	_ =	shalt  }
0x60: {  	_ =	shalt  }
0x61: {  	_ =	shalt  }
0x62: {  	_ =	shalt  }
0x63: {  	_ =	shalt  }
0x64: {  	_ =	shalt  }
0x65: {  	_ =	shalt  }
0x66: {  	_ =	shalt  }
0x67: {  	_ =	shalt  }
0x68: {  	_ =	shalt  }
0x69: {  	_ =	shalt  }
0x6a: {  	_ =	shalt  }
0x6b: {  	_ =	shalt  }
0x6c: {  	_ =	shalt  }
0x6d: {  	_ =	shalt  }
0x6e: {  	_ =	shalt  }
0x6f: {  	_ =	shalt  }
0x70: {  	_ =	shalt  }
0x71: {  	_ =	shalt  }
0x72: {  	_ =	shalt  }
0x73: {  	_ =	shalt  }
0x74: {  	_ =	shalt  }
0x75: {  	_ =	shalt  }
0x76: {  	_ =	shalt  }
0x77: {  	_ =	shalt  }
0x78: {  	_ =	shalt  }
0x79: {  	_ =	shalt  }
0x7a: {  	_ =	shalt  }
0x7b: {  	_ =	shalt  }
0x7c: {  	_ =	shalt  }
0x7d: {  	_ =	shalt  }
0x7e: {  	_ =	shalt  }
0x7f: {  	_ =	shalt  }
0x80: {  	_ =	shalt  }
0x81: {  	_ =	shalt  }
0x82: {  	_ =	shalt  }
0x83: {  	_ =	shalt  }
0x84: {  	_ =	shalt  }
0x85: {  	_ =	shalt  }
0x86: {  	_ =	shalt  }
0x87: {  	_ =	shalt  }
.Lfunc_end0:
.L_simem_size_0:
called_computation.1_lowered:
.L_overlay_start_0:
0x88: {  	s2 =	sld [smem:$0x3FD9]  }
0x89: {  	s3 =	sld [smem:$0x3FFE];
	_ =	sdelay $0x1  }
0x8a: {  	s1 =	srdreg.scid  }
0x8b: {  	s0 =	sand.u32 $0x1, s1  }
0x8c: {  	s16 =	sshll.u32 s0, $0xA;
	s2 =	sadd.s32 s3, s2  }
0x8d: {  	s2 =	sadd.s32 s2, s16  }
0x8e: {  	[smem:$0x3FB3] =	sst s2  }
0x8f: {  	_ = 	snop  }
0x90: {  	(tm) =	ssettm $0x1  }
0x91: {  	s17 =	sld [smem:$0x3FFB];
	_ =	sdelay $0x3  }
0x92: {  	_ =	strace s17  }
0x93: {  	s2 =	sld [smem:$0x3FFC];
	_ =	sdelay $0x3  }
0x94: {  	_ =	strace s2  }
0x95: {  	s2 =	sld [smem:$0x3FFD];
	_ =	sdelay $0x3  }
0x96: {  	_ =	strace s2  }
0x97: {  	_ =	strace $0x8FFFFFFF  }
0x98: {  	s18 =	sld [smem:$0x3FDB];
	_ =	sdelay $0x1  }
0x99: {  	s19 =	simm.s32 $_scs_section_size  }
0x9a: {  	s4 =	simm.s32 $_size__tile_overlayer_lowered;
	s5 =	simm.s32 $_tile_overlayer_lowered  }
0x9b: {  	s22 =	simm.s32 $0x1BFF;
	s21 =	sshll.u32 s5, $0x1;
	s2 =	sadd.s32 s19, s18  }
0x9c: {  	s6 =	simm.s32 $0x0;
	s20 =	sshll.u32 s4, $0x1;
	s4 =	sadd.s32 s21, s2  }
0x9d: {  	[timem:s6], [sflag:s22] =	dma.local [hbm:s4], s20  }
0x9e: {  	_ =	swait.ge [sflag:s22], s20  }
0x9f: {  	s3 =	ssub.s32 $0x0, s20;
	[sflag:s22] =	ssyncset.done $0x0  }
0xa0: {  	[sflag:s22] =	ssyncadd.s32 s3;
	_ =	sdelay $0x1  }
0xa1: {  	s23 =	simm.s32 $0x1B8B  }
0xa2: {  	_ =	swait.ge [sflag:s23], $0x1  }
0xa3: {  	[sflag:s23] =	ssyncset.done $0x0  }
0xa4: {  	s25 =	simm.s32 $0x1B8E;
	s24 =	sld [smem:$0x3FFE];
	[sflag:s23] =	ssyncadd.s32 $0xFFFFFFFF  }
0xa5: {  	s26 =	simm.s32 $execute0_lowered;
	[smem:$0x3FD2] =	sst s25  }
0xa6: {  	s4 =	sshll.u32 s26, $0x1;
	_ =	strace $0x80000049;
	[dreg:$0x1] =	wrdreg $0xFFFFFFFF  }
0xa7: {  	s28 =	simm.s32 $_size_execute0_lowered;
	s2 =	sadd.s32 s2, s4;
	[dreg:$0x0] =	wrdreg $0x0  }
0xa8: {  	s4 =	sshll.u32 s28, $0x1;
	[dreg:$0x2] =	wrdreg s2  }
0xa9: {  	[dreg:$0x3] =	wrdreg s4  }
0xaa: {  	[dreg:$0x4] =	wrdreg $0xC0  }
0xab: {  	_ =	task [dreg:s6], $0x5FFFF  }
0xac: {  	[dreg:$0x1] =	wrdreg $0xFFFFFFFF  }
0xad: {  	[dreg:$0x0] =	wrdreg $0x60  }
0xae: {  	[dreg:$0x2] =	wrdreg s24  }
0xaf: {  	[dreg:$0x3] =	wrdreg $0x8F000  }
0xb0: {  	[dreg:$0x4] =	wrdreg $0x12B400  }
0xb1: {  	[dreg:$0x5] =	wrdreg $0x9  }
0xb2: {  	_ =	task.clear_ibuf [dreg:s6], $0x6FFFF;
	_ =	strace $0x90000049  }
0xb3: {  	s29 =	simm.s32 $0x9;
	_ =	strace $0x8000004B  }
0xb4: {  	_ =	swait.ge [sflag:s29], $0x1  }
0xb5: {  	[sflag:s29] =	ssyncadd.s32 $0xFFFFFFFF  }
0xb6: {  	_ =	strace $0x9000004B  }
0xb7: {  	_ =	sfence  }
0xb8: {  	s30 =	sld [smem:$0x0];
	_ =	sdelay $0x2  }
0xb9: {  	s31 =	sshll.u32 s1, $0xD;
	s1 =	sshrl.u32 s1, $0x2  }
0xba: {  	s3 =	sand.u32 $0x4000, s31;
	s1 =	sadd.s32 s1, s30  }
0xbb: {  	s0 =	sor.u32 s3, s0;
	s1 =	sshll.u32 s1, $0x11  }
0xbc: {  	s0 =	sor.u32 s1, s0  }
0xbd: {  	s0 =	sadd.s32 $0x8F2B, s0  }
0xbe: {  	[sflag:s0] =	ssyncadd.remote.s32 $0x1  }
0xbf: {  	_ =	sfence.sel $0xFFFF  }
0xc0: {  	[dreg:$0x0] =	wrdreg $0xFFFFFFFF;
	(pc) =	sbr.abs _section_cstart, $3  }
0xc1: {  	[dreg:$0x1] =	wrdreg $0xFFFFFFFF  }
0xc2: {  	_ =	task.clear_ibuf [dreg:s6], $0x2FFFF;
	_ =	strace $0x9FFFFFFF  }
0xc3: {  	(tm) =	ssettm $0x7FFFFFFF  }
tec
execute0_lowered:
.L_overlay_start_1:
0x0: {  	(tag) =	ssettag $0x1  }
0x1: {  	s5 =	rddreg [dreg:$0x0]  }
0x2: {  	s1 =	rddreg [dreg:$0x1];
	s0 =	srdreg.scid  }
0x3: {  	s3 =	rddreg [dreg:$0x2];
	s23 =	stileid.u32  }
0x4: {  	s4 =	simm.s32 $0x0;
	s18 =	simm.s32 $0x80;
	s19 =	simm.s32 $0x4F00  }
0x5: {  	s20 =	simm.s32 $0x6F00;
	s21 =	simm.s32 $0x1;
	s22 =	simm.s32 $0x3  }
0x6: {  	s28 =	simm.s32 $0x4E00;
	s29 =	simm.s32 $0x0;
	s6 =	sand.u32 $0x1, s0  }
0x7: {  	s9 =	smul.u32 $0x9C40, s23;
	[smem:$0x7FF] =	sst s4;
	s31 =	sshll.u32 s23, $0x6  }
0x8: {  	s7 =	sshll.u32 s6, $0x4;
	s11 =	smul.u32 $0x9C400, s6;
	_ =	strace $0x8000004A  }
0x9: {  	s6 =	ssub.s32 $0x2, s6;
	s14 =	sor.u32 s23, s7;
	s8 =	sshrl.u32 s9, $0x3  }
0xa: {  	s30 =	sshrl.u32 s6, $0x1;
	s16 =	sadd.s32 s9, s1;
	s17 =	sadd.s32 s9, s3  }
0xb: {  	s23 =	simm.s32 $0x2;
	s7 =	smul.u32 $0x4E, s14;
	s10 =	smin.u32 s14, $0x4  }
0xc: {  	s12 =	sadd.s32 s8, s5;
	s24 =	sadd.s32 s9, s11;
	s15 =	ssub.s32 s6, s30  }
0xd: {  	s6 =	sor.u32 $0x1C05, s31;
	p0 =	sgt.u32 s14, $0x3;
	s14 =	sshrl.u32 s16, $0x3  }
0xe: {  	s17 =	sshrl.u32 s17, $0x3;
	s26 =	sshrl.u32 s24, $0x3;
	s7 =	sadd.s32 s10, s7  }
0xf: {  	s9 =	sadd.s32 $0x17C00, s12;
	s24 =	simm.s32 $0x4;
	s7 =	sshll.u32 s7, $0x4  }
0x10: {  	s13 =	sadd.s32 s26, s5;
	s26 =	simm.s32 $0x4D80;
	s25 =	sadd.s32 s7, s5  }
0x11: {  	s5 =	sadd.s32 $0x2B600, s12;
	s12 =	sadd.s32 $0x3F000, s13;
	s13 =	smax.u32 s15, $0x1  }
0x12: {  	s15 =	simm.s32 $0x5;
	s7 =	sadd.s32 $0xDE40, s25;
	s8 =	sadd.s32 $0x4200, s25  }
0x13: {  	s10 =	sadd.s32 $0xE320, s25;
	s11 =	sadd.s32 $0x46E0, s25;
	s25 =	simm.s32 $0x2680  }
.LBB2_1:
0x14: {  	[spmem:s14], [sflag:s6] =	dma.local [hbm:s5], $0x1388  }
0x15: {  	_ =	swait.ge [sflag:s15], $0x1388  }
0x16: {  	[sflag:s15] =	ssyncset.done $0x0  }
0x17: {  	s0 =	simm.s32 $0x2780;
	[sflag:s15] =	ssyncadd.s32 $0xFFFFEC78  }
0x18: {  	[tilespmem:s0], [sflag:$0x5] =	stream.linear.gather [hbm4b:s7+s4], $0x2700, $0x38;
	[tilespmem:$0x1C780] =	vst v63  }
0x19: {  	_ =	swait.ge [sflag:s15], $0x2700  }
0x1a: {  	[sflag:s15] =	ssyncset.done $0x0  }
0x1b: {  	[sflag:s15] =	ssyncadd.s32 $0xFFFFD900  }
0x1c: {  	[tilespmem:s4], [sflag:$0x5] =	stream.linear.gather [hbm4b:s8+s4], $0x2700, $0x38;
	[tilespmem:$0x1C780] =	vst v63  }
0x1d: {  	_ =	swait.ge [sflag:s15], $0x2700  }
0x1e: {  	[sflag:s15] =	ssyncset.done $0x0  }
0x1f: {  	[sflag:s15] =	ssyncadd.s32 $0xFFFFD900  }
0x20: {  	[spmem:s17], [sflag:s6] =	dma.local [hbm:s9], $0x1388  }
0x21: {  	_ =	swait.ge [sflag:s15], $0x1388  }
0x22: {  	[sflag:s15] =	ssyncset.done $0x0  }
0x23: {  	s30 =	simm.s32 @!p0 $0x0;
	s31 =	simm.s32 @!p0 $0x4E80;
	[sflag:s15] =	ssyncadd.s32 $0xFFFFEC78  }
0x24: {  	[tilespmem:s31], [sflag:$0x5] =	stream.linear.gather @!p0 [hbm4b:s10+s30], $0x80, $0x38;
	[tilespmem:$0x1C780] =	vst v63  }
0x25: {  	s31 =	simm.s32 @!p0 $0x5  }
0x26: {  	_ =	swait.ge @!p0 [sflag:s31], $0x80  }
0x27: {  	[sflag:s31] =	ssyncset.done @!p0 $0x0  }
0x28: {  	s0 =	simm.s32 @!p0 $0x2700;
	[sflag:s31] =	ssyncadd.s32 @!p0 $0xFFFFFF80  }
0x29: {  	[tilespmem:s0], [sflag:$0x5] =	stream.linear.gather @!p0 [hbm4b:s11+s30], $0x80, $0x38;
	[tilespmem:$0x1C780] =	vst v63  }
0x2a: {  	_ =	swait.ge @!p0 [sflag:s31], $0x80  }
0x2b: {  	[sflag:s31] =	ssyncset.done @!p0 $0x0  }
0x2c: {  	[sflag:s31] =	ssyncadd.s32 @!p0 $0xFFFFFF80  }
0x2d: {  	[bflag:$0x0] =	sbarrier.arrive $0xFFFF  }
0x2e: {  	[tilespmem:s19], [sflag:$0x1] =	stream.indirect.gather [spmem:s3], $0x40, s4, s18, $0xb8;
	[tilespmem:$0x1C780] =	vst v63  }
0x2f: {  	s2 =	simm.s32 $0x80  }
0x30: {  	[tilespmem:s20], [sflag:$0x2] =	stream.indirect.gather [spmem:s3], $0x40, s2, s18, $0xb8;
	[tilespmem:$0x1C780] =	vst v63  }
0x31: {  	_ =	swait.ge [sflag:s21], $0x2000  }
0x32: {  	[sflag:s21] =	ssyncset.done $0x0  }
0x33: {  	s16 =	simm.s32 $0x2780;
	[sflag:s21] =	ssyncadd.s32 $0xFFFFE000  }
0x34: {  	[spmem:s1] =	stream.indirect.scatter.add.f32 [tilespmem:s19], [sflag:$0x3], $0x40, s16, s18, $0xb8;
	[tilespmem:$0x1C780] =	vst v63  }
0x35: {  	_ =	swait.ge [sflag:s22], $0x2000  }
0x36: {  	[sflag:s22] =	ssyncset.done $0x0  }
0x37: {  	s2 =	simm.s32 $0x100;
	[sflag:s22] =	ssyncadd.s32 $0xFFFFE000  }
0x38: {  	[tilespmem:s19], [sflag:$0x1] =	stream.indirect.gather [spmem:s3], $0x40, s2, s18, $0xb8;
	[tilespmem:$0x1C780] =	vst v63  }
0x39: {  	_ =	swait.ge [sflag:s23], $0x2000  }
0x3a: {  	[sflag:s23] =	ssyncset.done $0x0  }
0x3b: {  	s16 =	simm.s32 $0x2800;
	[sflag:s23] =	ssyncadd.s32 $0xFFFFE000  }
0x3c: {  	[spmem:s1] =	stream.indirect.scatter.add.f32 [tilespmem:s20], [sflag:$0x4], $0x40, s16, s18, $0xb8;
	[tilespmem:$0x1C780] =	vst v63  }
0x3d: {  	_ =	swait.ge [sflag:s24], $0x2000  }
0x3e: {  	s30 =	simm.s32 $0x100;
	s31 =	simm.s32 $0x800;
	[sflag:s24] =	ssyncset.done $0x0  }
.LBB2_2:
0x3f: {  	s0 =	sadd.s32 $0x80, s30  }
0x40: {  	[sflag:s24] =	ssyncadd.s32 $0xFFFFE000;
	s2 =	smov.u32 s31;
	s16 =	sadd.s32 $0x400, s31  }
0x41: {  	[tilespmem:s20], [sflag:$0x2] =	stream.indirect.gather [spmem:s3], $0x40, s0, s18, $0xb8;
	[tilespmem:$0x1C780] =	vst v63  }
0x42: {  	p1 =	sne.s32 s31, $0x9400;
	_ =	swait.ge [sflag:s21], $0x2000  }
0x43: {  	[sflag:s21] =	ssyncset.done $0x0  }
0x44: {  	s0 =	sadd.s32 $0x2780, s30;
	[sflag:s21] =	ssyncadd.s32 $0xFFFFE000  }
0x45: {  	[spmem:s1] =	stream.indirect.scatter.add.f32 [tilespmem:s19], [sflag:$0x3], $0x40, s0, s18, $0xb8;
	[tilespmem:$0x1C780] =	vst v63  }
0x46: {  	_ =	swait.ge [sflag:s22], $0x2000  }
0x47: {  	[sflag:s22] =	ssyncset.done $0x0  }
0x48: {  	s0 =	sadd.s32 $0x100, s30;
	[sflag:s22] =	ssyncadd.s32 $0xFFFFE000  }
0x49: {  	[tilespmem:s19], [sflag:$0x1] =	stream.indirect.gather [spmem:s3], $0x40, s0, s18, $0xb8;
	[tilespmem:$0x1C780] =	vst v63  }
0x4a: {  	_ =	swait.ge [sflag:s23], $0x2000  }
.Ltmp0:
0x4b: {  	[sflag:s23] =	ssyncset.done $0x0;
	(pc) =	sbr.rel @p1 .LBB2_2-.Ltmp0, $4  }
0x4c: {  	s0 =	sadd.s32 $0x2800, s30;
	[sflag:s23] =	ssyncadd.s32 $0xFFFFE000  }
0x4d: {  	[spmem:s1] =	stream.indirect.scatter.add.f32 [tilespmem:s20], [sflag:$0x4], $0x40, s0, s18, $0xb8;
	[tilespmem:$0x1C780] =	vst v63  }
0x4e: {  	_ =	swait.ge [sflag:s24], $0x2000  }
0x4f: {  	s31 =	smov.u32 s16;
	s30 =	sshra.s32 s2, $0x2;
	[sflag:s24] =	ssyncset.done $0x0  }
0x50: {  	s0 =	sadd.s32 $0x80, s30;
	[sflag:s24] =	ssyncadd.s32 $0xFFFFE000  }
0x51: {  	[tilespmem:s20], [sflag:$0x2] =	stream.indirect.gather [spmem:s3], $0x40, s0, s18, $0xb8;
	[tilespmem:$0x1C780] =	vst v63  }
0x52: {  	_ =	swait.ge [sflag:s21], $0x2000  }
0x53: {  	[sflag:s21] =	ssyncset.done $0x0  }
0x54: {  	s2 =	sadd.s32 $0x2780, s30;
	[sflag:s21] =	ssyncadd.s32 $0xFFFFE000  }
0x55: {  	[spmem:s1] =	stream.indirect.scatter.add.f32 [tilespmem:s19], [sflag:$0x3], $0x40, s2, s18, $0xb8;
	[tilespmem:$0x1C780] =	vst v63  }
0x56: {  	_ =	swait.ge [sflag:s22], $0x2000  }
0x57: {  	[sflag:s22] =	ssyncset.done $0x0  }
0x58: {  	s16 =	sadd.s32 $0x100, s30;
	[sflag:s22] =	ssyncadd.s32 $0xFFFFE000  }
0x59: {  	[tilespmem:s19], [sflag:$0x1] =	stream.indirect.gather [spmem:s3], $0x40, s16, s18, $0xb8;
	[tilespmem:$0x1C780] =	vst v63  }
0x5a: {  	_ =	swait.ge [sflag:s23], $0x2000  }
0x5b: {  	[sflag:s23] =	ssyncset.done $0x0  }
0x5c: {  	s31 =	sadd.s32 $0x2800, s30;
	[sflag:s23] =	ssyncadd.s32 $0xFFFFE000  }
0x5d: {  	[spmem:s1] =	stream.indirect.scatter.add.f32 [tilespmem:s20], [sflag:$0x4], $0x40, s31, s18, $0xb8;
	[tilespmem:$0x1C780] =	vst v63  }
0x5e: {  	_ =	swait.ge [sflag:s24], $0x2000  }
0x5f: {  	[sflag:s24] =	ssyncset.done $0x0  }
0x60: {  	[sflag:s24] =	ssyncadd.s32 $0xFFFFE000  }
0x61: {  	[tilespmem:s20], [sflag:$0x2] =	stream.indirect.gather [spmem:s3], $0x40, s25, s18, $0xb8;
	[tilespmem:$0x1C780] =	vst v63  }
0x62: {  	_ =	swait.ge [sflag:s21], $0x2000  }
0x63: {  	[sflag:s21] =	ssyncset.done $0x0  }
0x64: {  	[sflag:s21] =	ssyncadd.s32 $0xFFFFE000  }
0x65: {  	[spmem:s1] =	stream.indirect.scatter.add.f32 [tilespmem:s19], [sflag:$0x3], $0x40, s26, s18, $0xb8;
	[tilespmem:$0x1C780] =	vst v63  }
0x66: {  	_ =	swait.ge [sflag:s22], $0x2000  }
0x67: {  	[sflag:s22] =	ssyncset.done $0x0  }
0x68: {  	[sflag:s22] =	ssyncadd.s32 $0xFFFFE000  }
0x69: {  	_ =	swait.ge [sflag:s23], $0x2000  }
0x6a: {  	[sflag:s23] =	ssyncset.done $0x0  }
0x6b: {  	[sflag:s23] =	ssyncadd.s32 $0xFFFFE000  }
0x6c: {  	[spmem:s1] =	stream.indirect.scatter.add.f32 [tilespmem:s20], [sflag:$0x4], $0x40, s28, s18, $0xb8;
	[tilespmem:$0x1C780] =	vst v63  }
0x6d: {  	_ =	swait.ge [sflag:s24], $0x2000  }
0x6e: {  	s0 =	simm.s32 @!p0 $0x80;
	[sflag:s24] =	ssyncset.done $0x0  }
0x6f: {  	s2 =	simm.s32 @!p0 $0x2700;
	s16 =	simm.s32 @!p0 $0x4F00;
	[sflag:s24] =	ssyncadd.s32 $0xFFFFE000  }
0x70: {  	[tilespmem:s16], [sflag:$0x1] =	stream.indirect.gather @!p0 [spmem:s3], $0x40, s2, s0, $0xb8;
	[tilespmem:$0x1C780] =	vst v63  }
0x71: {  	s2 =	simm.s32 @!p0 $0x1  }
0x72: {  	_ =	swait.ge @!p0 [sflag:s2], $0x2000  }
0x73: {  	[sflag:s2] =	ssyncset.done @!p0 $0x0  }
0x74: {  	[sflag:s2] =	ssyncadd.s32 @!p0 $0xFFFFE000;
	s2 =	simm.s32 @!p0 $0x4E80  }
0x75: {  	[spmem:s1] =	stream.indirect.scatter.add.f32 @!p0 [tilespmem:s16], [sflag:$0x3], $0x40, s2, s0, $0xb8;
	[tilespmem:$0x1C780] =	vst v63  }
0x76: {  	s0 =	simm.s32 @!p0 $0x3  }
0x77: {  	_ =	swait.ge @!p0 [sflag:s0], $0x2000  }
0x78: {  	s29 =	sadd.s32 $0x1, s29;
	[sflag:s0] =	ssyncset.done @!p0 $0x0  }
0x79: {  	p1 =	sne.s32 s29, s13;
	[sflag:s0] =	ssyncadd.s32 @!p0 $0xFFFFE000  }
.Ltmp1:
0x7a: {  	[bflag:$0x0] =	sbarrier.arrive $0xFFFF;
	(pc) =	sbr.rel @p1 .LBB2_1-.Ltmp1, $4  }
0x7b: {  	[hbm:s12], [sflag:s6] =	dma.local [spmem:s14], $0x1388  }
0x7c: {  	_ =	swait.ge [sflag:s15], $0x1388  }
0x7d: {  	[sflag:s15] =	ssyncset.done $0x0  }
0x7e: {  	[sflag:s15] =	ssyncadd.s32 $0xFFFFEC78  }
0x7f: {  	_ =	sfence.sel $0x180000  }
0x80: {  	[bflag:$0x0] =	sbarrier.arrive $0xFFFF  }
0x81: {  	_ =	strace $0x9000004A  }
0x82: {  	s0 =	stileid.u32;
	[bflag:$0x2] =	sbarrier.arrive $0xFFFF  }
0x83: {  	p0 =	sne.s32 s0, $0x0;
	s0 =	rddreg [dreg:$0x3]  }
0x84: {  	s0 =	sadd.s32 @!p0 $0x100000, s0  }
0x85: {  	[sflag:s0] =	ssyncadd.tile.s32 @!p0 $0x1;
	_ =	shalt  }
.Lfunc_end2:
_tile_overlayer_lowered:
.L_overlay_start_2:
0x86: {  	(tag) =	ssettag $0x2  }
0x87: {  	s0 =	rddreg [dreg:$0x0];
	s2 =	stileid.u32  }
0x88: {  	s1 =	rddreg [dreg:$0x1];
	p0 =	sne.s32 s2, $0x0  }
0x89: {  	s3 =	rddreg [dreg:$0x2];
	[bflag:$0x3] =	sbarrier.arrive $0xFFFF;
	s2 =	simm.s32 @!p0 $0x1C05  }
0x8a: {  	[timem:s3], [sflag:s2] =	dma.local @!p0 [hbm:s0], s1  }
0x8b: {  	s0 =	simm.s32 @!p0 $0x5  }
0x8c: {  	_ =	swait.ge @!p0 [sflag:s0], s1  }
0x8d: {  	s1 =	ssub.s32 @!p0 $0x0, s1;
	[sflag:s0] =	ssyncset.done @!p0 $0x0  }
0x8e: {  	[sflag:s0] =	ssyncadd.s32 @!p0 s1  }
0x8f: {  	[bflag:$0x3] =	sbarrier.arrive $0xFFFF  }
0x90: {  	_ =	shalt  }

// kernel: kernel.17.cloned.1.call-start
scs
__scs_entry_jumppad:
0x0: {  	(pc) =	sbr.rel $0x88, $3  }
0x1: {  	(tag) =	ssettag $0x0;
	lr =	simm.s32 $0x1  }
0x2: {  	[smem:$0x3F8C] =	sst lr;
	_ =	strace $0xD0000000  }
0x3: {  	_ = 	snop  }
0x4: {  	_ = 	snop  }
0x5: {  	_ = 	snop  }
0x6: {  	_ = 	snop  }
0x7: {  	_ = 	snop  }
__scs_overlays_trampoline_lowered:
0x8: {  	[smem:$0x3F9B] =	sst s0  }
0x9: {  	[smem:$0x3F9C] =	sst s1  }
0xa: {  	[smem:$0x3F9D] =	sst s2  }
0xb: {  	[smem:$0x3F9E] =	sst s3  }
0xc: {  	[smem:$0x3F9F] =	sst s4  }
0xd: {  	[smem:$0x3FA0] =	sst s5  }
0xe: {  	[smem:$0x3FA1] =	sst s6  }
0xf: {  	[smem:$0x3FA2] =	sst s7  }
0x10: {  	[smem:$0x3FA3] =	sst s8  }
0x11: {  	[smem:$0x3FA4] =	sst s9;
	s0 =	simm.s32 @!p0 $0x0  }
0x12: {  	s1 =	sld [smem:$0x3F8A];
	s0 =	simm.s32 @p0 $0x1  }
0x13: {  	[smem:$0x3FA5] =	sst s0;
	s0 =	simm.s32 @!p1 $0x0  }
0x14: {  	s2 =	sld [smem:$0x3F89];
	s0 =	simm.s32 @p1 $0x1  }
0x15: {  	[smem:$0x3FA6] =	sst s0;
	s0 =	simm.s32 @!p2 $0x0  }
0x16: {  	s3 =	sld [smem:$0x3FDB];
	s0 =	simm.s32 @p2 $0x1  }
0x17: {  	s4 =	simm.s32 $0x1BF5;
	[smem:$0x3FA8] =	sst s0  }
0x18: {  	s0 =	sld [smem:$0x3F8B];
	_ =	swait.ge [sflag:s4], $0x0  }
0x19: {  	s7 =	sld [smem:$0x3F8C]  }
0x1a: {  	s8 =	sadd.s32 $0xFFFFE003, lr  }
0x1b: {  	s9 =	sadd.s32 $0xFFFFFEF7, lr;
	s5 =	simm.s32 $0xFFFFFFFF;
	p2 =	slt.u32 s8, $0xFFFFF086  }
0x1c: {  	p1 =	slt.u32 s9, $0xF7A;
	s5 =	simm.s32 @!p2 $0x0  }
0x1d: {  	s5 =	simm.s32 @p1 $0x1;
	p0 =	seq.s32 s7, s2  }
0x1e: {  	s7 =	smul.u32 @!p0 $0xF7A, s2;
	p2 =	seq.s32 @!p0 s5, $0x0  }
0x1f: {  	s9 =	smul.u32 $0xF7A, s1;
	s8 =	simm.s32 @!p0 $0x1BF5;
	p2 =	por !p2, p0  }
0x20: {  	[sflag:s8] =	ssyncset.s32 @!p0 $0xFFFFF086;
	s6 =	sadd.s32 @!p0 s3, s7;
	s7 =	simm.s32 @!p0 $0x108  }
0x21: {  	s3 =	sadd.s32 s3, s9;
	s6 =	sadd.s32 @!p0 $0x88, s6;
	s7 =	simm.s32 @p2 $0x1082  }
0x22: {  	[simem:s7], [sflag:s8] =	dma.local @!p0 [hbm:s6], $0xF7A  }
0x23: {  	s9 =	sor.u32 $0xD0000000, s2;
	s6 =	simm.s32 $0x108;
	_ =	swait.ge @!p0 [sflag:s8], $0x0  }
0x24: {  	s3 =	sadd.s32 $0x88, s3;
	s6 =	simm.s32 @!p1 $0x1082;
	[sflag:s4] =	ssyncset.s32 $0xFFFFF086  }
0x25: {  	[simem:s6], [sflag:s4] =	dma.local [hbm:s3], $0xF7A  }
0x26: {  	[smem:$0x3F8C] =	sst s1;
	(tag) =	ssettag s2;
	_ =	strace s9  }
0x27: {  	s1 =	sld [smem:$0x3F9C]  }
0x28: {  	s2 =	sld [smem:$0x3F9D]  }
0x29: {  	s4 =	sld [smem:$0x3F9F]  }
0x2a: {  	p0 =	seq.s32 s5, $0x0;
	s5 =	sld [smem:$0x3FA0]  }
0x2b: {  	s6 =	sld [smem:$0x3FA1]  }
0x2c: {  	s7 =	sld [smem:$0x3FA2]  }
0x2d: {  	s3 =	simm.s32 $0x108;
	s8 =	sld [smem:$0x3FA3]  }
0x2e: {  	s3 =	simm.s32 @!p0 $0x1082;
	s9 =	sld [smem:$0x3FA4]  }
0x2f: {  	lr =	sadd.s32 s0, s3;
	s0 =	sld [smem:$0x3F9B]  }
0x30: {  	s3 =	sld [smem:$0x3F9E]  }
0x31: {  	[smem:$0x3FA7] =	sst s10  }
0x32: {  	s10 =	sld [smem:$0x3FA5];
	_ =	sdelay $0x3  }
0x33: {  	p0 =	seq.s32 s10, $0x1;
	s10 =	sld [smem:$0x3FA7];
	_ =	sdelay $0x3  }
0x34: {  	[smem:$0x3FA7] =	sst s10  }
0x35: {  	s10 =	sld [smem:$0x3FA6];
	_ =	sdelay $0x3  }
0x36: {  	p1 =	seq.s32 s10, $0x1;
	s10 =	sld [smem:$0x3FA7];
	_ =	sdelay $0x3  }
0x37: {  	[smem:$0x3FA7] =	sst s10  }
0x38: {  	s10 =	sld [smem:$0x3FA8]  }
0x39: {  	_ = 	snop;
	(pc) =	sbr.ind lr, $3  }
0x3a: {  	_ = 	snop  }
0x3b: {  	_ = 	snop  }
0x3c: {  	p2 =	seq.s32 s10, $0x1;
	s10 =	sld [smem:$0x3FA7]  }
0x3d: {  	_ =	shalt  }
0x3e: {  	_ =	shalt  }
0x3f: {  	_ =	shalt  }
0x40: {  	_ =	shalt  }
0x41: {  	_ =	shalt  }
0x42: {  	_ =	shalt  }
0x43: {  	_ =	shalt  }
0x44: {  	_ =	shalt  }
0x45: {  	_ =	shalt  }
0x46: {  	_ =	shalt  }
0x47: {  	_ =	shalt  }
0x48: {  	_ =	shalt  }
0x49: {  	_ =	shalt  }
0x4a: {  	_ =	shalt  }
0x4b: {  	_ =	shalt  }
0x4c: {  	_ =	shalt  }
0x4d: {  	_ =	shalt  }
0x4e: {  	_ =	shalt  }
0x4f: {  	_ =	shalt  }
0x50: {  	_ =	shalt  }
0x51: {  	_ =	shalt  }
0x52: {  	_ =	shalt  }
0x53: {  	_ =	shalt  }
0x54: {  	_ =	shalt  }
0x55: {  	_ =	shalt  }
0x56: {  	_ =	shalt  }
0x57: {  	_ =	shalt  }
0x58: {  	_ =	shalt  }
0x59: {  	_ =	shalt  }
0x5a: {  	_ =	shalt  }
0x5b: {  	_ =	shalt  }
0x5c: {  	_ =	shalt  }
0x5d: {  	_ =	shalt  }
0x5e: {  	_ =	shalt  }
0x5f: {  	_ =	shalt  }
0x60: {  	_ =	shalt  }
0x61: {  	_ =	shalt  }
0x62: {  	_ =	shalt  }
0x63: {  	_ =	shalt  }
0x64: {  	_ =	shalt  }
0x65: {  	_ =	shalt  }
0x66: {  	_ =	shalt  }
0x67: {  	_ =	shalt  }
0x68: {  	_ =	shalt  }
0x69: {  	_ =	shalt  }
0x6a: {  	_ =	shalt  }
0x6b: {  	_ =	shalt  }
0x6c: {  	_ =	shalt  }
0x6d: {  	_ =	shalt  }
0x6e: {  	_ =	shalt  }
0x6f: {  	_ =	shalt  }
0x70: {  	_ =	shalt  }
0x71: {  	_ =	shalt  }
0x72: {  	_ =	shalt  }
0x73: {  	_ =	shalt  }
0x74: {  	_ =	shalt  }
0x75: {  	_ =	shalt  }
0x76: {  	_ =	shalt  }
0x77: {  	_ =	shalt  }
0x78: {  	_ =	shalt  }
0x79: {  	_ =	shalt  }
0x7a: {  	_ =	shalt  }
0x7b: {  	_ =	shalt  }
0x7c: {  	_ =	shalt  }
0x7d: {  	_ =	shalt  }
0x7e: {  	_ =	shalt  }
0x7f: {  	_ =	shalt  }
0x80: {  	_ =	shalt  }
0x81: {  	_ =	shalt  }
0x82: {  	_ =	shalt  }
0x83: {  	_ =	shalt  }
0x84: {  	_ =	shalt  }
0x85: {  	_ =	shalt  }
0x86: {  	_ =	shalt  }
0x87: {  	_ =	shalt  }
.Lfunc_end0:
.L_simem_size_0:
called_computation.2_lowered:
.L_overlay_start_0:
0x88: {  	s2 =	sld [smem:$0x3FD9]  }
0x89: {  	s3 =	sld [smem:$0x3FFE];
	_ =	sdelay $0x1  }
0x8a: {  	s1 =	srdreg.scid  }
0x8b: {  	s0 =	sand.u32 $0x1, s1  }
0x8c: {  	s16 =	sshll.u32 s0, $0xA;
	s2 =	sadd.s32 s3, s2  }
0x8d: {  	s2 =	sadd.s32 s2, s16  }
0x8e: {  	[smem:$0x3FB3] =	sst s2  }
0x8f: {  	_ = 	snop  }
0x90: {  	(tm) =	ssettm $0x1  }
0x91: {  	s17 =	sld [smem:$0x3FFB];
	_ =	sdelay $0x3  }
0x92: {  	_ =	strace s17  }
0x93: {  	s2 =	sld [smem:$0x3FFC];
	_ =	sdelay $0x3  }
0x94: {  	_ =	strace s2  }
0x95: {  	s2 =	sld [smem:$0x3FFD];
	_ =	sdelay $0x3  }
0x96: {  	_ =	strace s2  }
0x97: {  	_ =	strace $0x8FFFFFFF  }
0x98: {  	s18 =	sld [smem:$0x3FDB];
	_ =	sdelay $0x1  }
0x99: {  	s19 =	simm.s32 $_scs_section_size  }
0x9a: {  	s4 =	simm.s32 $_size__tile_overlayer_lowered;
	s5 =	simm.s32 $_tile_overlayer_lowered  }
0x9b: {  	s22 =	simm.s32 $0x1BFF;
	s21 =	sshll.u32 s5, $0x1;
	s2 =	sadd.s32 s19, s18  }
0x9c: {  	s6 =	simm.s32 $0x0;
	s20 =	sshll.u32 s4, $0x1;
	s4 =	sadd.s32 s21, s2  }
0x9d: {  	[timem:s6], [sflag:s22] =	dma.local [hbm:s4], s20  }
0x9e: {  	_ =	swait.ge [sflag:s22], s20  }
0x9f: {  	s3 =	ssub.s32 $0x0, s20;
	[sflag:s22] =	ssyncset.done $0x0  }
0xa0: {  	[sflag:s22] =	ssyncadd.s32 s3;
	_ =	sdelay $0x1  }
0xa1: {  	s23 =	simm.s32 $0x1B8B  }
0xa2: {  	_ =	swait.ge [sflag:s23], $0x1  }
0xa3: {  	[sflag:s23] =	ssyncset.done $0x0  }
0xa4: {  	s25 =	simm.s32 $0x1B8E;
	s24 =	sld [smem:$0x3FFE];
	[sflag:s23] =	ssyncadd.s32 $0xFFFFFFFF  }
0xa5: {  	s26 =	simm.s32 $execute0_lowered;
	[smem:$0x3FD2] =	sst s25  }
0xa6: {  	s4 =	sshll.u32 s26, $0x1;
	_ =	strace $0x8000004C;
	[dreg:$0x1] =	wrdreg $0xFFFFFFFF  }
0xa7: {  	s28 =	simm.s32 $_size_execute0_lowered;
	s2 =	sadd.s32 s2, s4;
	[dreg:$0x0] =	wrdreg $0x0  }
0xa8: {  	s4 =	sshll.u32 s28, $0x1;
	[dreg:$0x2] =	wrdreg s2  }
0xa9: {  	[dreg:$0x3] =	wrdreg s4  }
0xaa: {  	[dreg:$0x4] =	wrdreg $0xC0  }
0xab: {  	_ =	task [dreg:s6], $0x5FFFF  }
0xac: {  	[dreg:$0x1] =	wrdreg $0xFFFFFFFF  }
0xad: {  	[dreg:$0x0] =	wrdreg $0x60  }
0xae: {  	[dreg:$0x2] =	wrdreg s24  }
0xaf: {  	[dreg:$0x3] =	wrdreg $0x8F000  }
0xb0: {  	[dreg:$0x4] =	wrdreg $0x12B400  }
0xb1: {  	[dreg:$0x5] =	wrdreg $0x9  }
0xb2: {  	_ =	task.clear_ibuf [dreg:s6], $0x6FFFF;
	_ =	strace $0x9000004C  }
0xb3: {  	s29 =	simm.s32 $0x9;
	_ =	strace $0x8000004E  }
0xb4: {  	_ =	swait.ge [sflag:s29], $0x1  }
0xb5: {  	[sflag:s29] =	ssyncadd.s32 $0xFFFFFFFF  }
0xb6: {  	_ =	strace $0x9000004E  }
0xb7: {  	_ =	sfence  }
0xb8: {  	s30 =	sld [smem:$0x0];
	_ =	sdelay $0x2  }
0xb9: {  	s31 =	sshll.u32 s1, $0xD;
	s1 =	sshrl.u32 s1, $0x2  }
0xba: {  	s3 =	sand.u32 $0x4000, s31;
	s1 =	sadd.s32 s1, s30  }
0xbb: {  	s0 =	sor.u32 s3, s0;
	s1 =	sshll.u32 s1, $0x11  }
0xbc: {  	s0 =	sor.u32 s1, s0  }
0xbd: {  	s0 =	sadd.s32 $0x8F2B, s0  }
0xbe: {  	[sflag:s0] =	ssyncadd.remote.s32 $0x1  }
0xbf: {  	_ =	sfence.sel $0xFFFF  }
0xc0: {  	[dreg:$0x0] =	wrdreg $0xFFFFFFFF;
	(pc) =	sbr.abs _section_cstart, $3  }
0xc1: {  	[dreg:$0x1] =	wrdreg $0xFFFFFFFF  }
0xc2: {  	_ =	task.clear_ibuf [dreg:s6], $0x2FFFF;
	_ =	strace $0x9FFFFFFF  }
0xc3: {  	(tm) =	ssettm $0x7FFFFFFF  }
tec
execute0_lowered:
.L_overlay_start_1:
0x0: {  	(tag) =	ssettag $0x1  }
0x1: {  	s5 =	rddreg [dreg:$0x0]  }
0x2: {  	s1 =	rddreg [dreg:$0x1];
	s0 =	srdreg.scid  }
0x3: {  	s3 =	rddreg [dreg:$0x2];
	s23 =	stileid.u32  }
0x4: {  	s4 =	simm.s32 $0x0;
	s18 =	simm.s32 $0x80;
	s19 =	simm.s32 $0x4F00  }
0x5: {  	s20 =	simm.s32 $0x6F00;
	s21 =	simm.s32 $0x1;
	s22 =	simm.s32 $0x3  }
0x6: {  	s28 =	simm.s32 $0x4E00;
	s29 =	simm.s32 $0x0;
	s6 =	sand.u32 $0x1, s0  }
0x7: {  	s9 =	smul.u32 $0x9C40, s23;
	[smem:$0x7FF] =	sst s4;
	s31 =	sshll.u32 s23, $0x6  }
0x8: {  	s7 =	sshll.u32 s6, $0x4;
	s11 =	smul.u32 $0x9C400, s6;
	_ =	strace $0x8000004D  }
0x9: {  	s6 =	ssub.s32 $0x2, s6;
	s14 =	sor.u32 s23, s7;
	s8 =	sshrl.u32 s9, $0x3  }
0xa: {  	s30 =	sshrl.u32 s6, $0x1;
	s16 =	sadd.s32 s9, s1;
	s17 =	sadd.s32 s9, s3  }
0xb: {  	s23 =	simm.s32 $0x2;
	s7 =	smul.u32 $0x4E, s14;
	s10 =	smin.u32 s14, $0x4  }
0xc: {  	s12 =	sadd.s32 s8, s5;
	s24 =	sadd.s32 s9, s11;
	s15 =	ssub.s32 s6, s30  }
0xd: {  	s6 =	sor.u32 $0x1C05, s31;
	p0 =	sgt.u32 s14, $0x3;
	s14 =	sshrl.u32 s16, $0x3  }
0xe: {  	s17 =	sshrl.u32 s17, $0x3;
	s26 =	sshrl.u32 s24, $0x3;
	s7 =	sadd.s32 s10, s7  }
0xf: {  	s9 =	sadd.s32 $0x17C00, s12;
	s24 =	simm.s32 $0x4;
	s7 =	sshll.u32 s7, $0x4  }
0x10: {  	s13 =	sadd.s32 s26, s5;
	s26 =	simm.s32 $0x4D80;
	s25 =	sadd.s32 s7, s5  }
0x11: {  	s5 =	sadd.s32 $0x2B600, s12;
	s12 =	sadd.s32 $0x66200, s13;
	s13 =	smax.u32 s15, $0x1  }
0x12: {  	s15 =	simm.s32 $0x5;
	s7 =	sadd.s32 $0xDE40, s25;
	s8 =	sadd.s32 $0x4200, s25  }
0x13: {  	s10 =	sadd.s32 $0xE320, s25;
	s11 =	sadd.s32 $0x46E0, s25;
	s25 =	simm.s32 $0x2680  }
.LBB2_1:
0x14: {  	[spmem:s14], [sflag:s6] =	dma.local [hbm:s5], $0x1388  }
0x15: {  	_ =	swait.ge [sflag:s15], $0x1388  }
0x16: {  	[sflag:s15] =	ssyncset.done $0x0  }
0x17: {  	s0 =	simm.s32 $0x2780;
	[sflag:s15] =	ssyncadd.s32 $0xFFFFEC78  }
0x18: {  	[tilespmem:s0], [sflag:$0x5] =	stream.linear.gather [hbm4b:s7+s4], $0x2700, $0x38;
	[tilespmem:$0x1C780] =	vst v63  }
0x19: {  	_ =	swait.ge [sflag:s15], $0x2700  }
0x1a: {  	[sflag:s15] =	ssyncset.done $0x0  }
0x1b: {  	[sflag:s15] =	ssyncadd.s32 $0xFFFFD900  }
0x1c: {  	[tilespmem:s4], [sflag:$0x5] =	stream.linear.gather [hbm4b:s8+s4], $0x2700, $0x38;
	[tilespmem:$0x1C780] =	vst v63  }
0x1d: {  	_ =	swait.ge [sflag:s15], $0x2700  }
0x1e: {  	[sflag:s15] =	ssyncset.done $0x0  }
0x1f: {  	[sflag:s15] =	ssyncadd.s32 $0xFFFFD900  }
0x20: {  	[spmem:s17], [sflag:s6] =	dma.local [hbm:s9], $0x1388  }
0x21: {  	_ =	swait.ge [sflag:s15], $0x1388  }
0x22: {  	[sflag:s15] =	ssyncset.done $0x0  }
0x23: {  	s30 =	simm.s32 @!p0 $0x0;
	s31 =	simm.s32 @!p0 $0x4E80;
	[sflag:s15] =	ssyncadd.s32 $0xFFFFEC78  }
0x24: {  	[tilespmem:s31], [sflag:$0x5] =	stream.linear.gather @!p0 [hbm4b:s10+s30], $0x80, $0x38;
	[tilespmem:$0x1C780] =	vst v63  }
0x25: {  	s31 =	simm.s32 @!p0 $0x5  }
0x26: {  	_ =	swait.ge @!p0 [sflag:s31], $0x80  }
0x27: {  	[sflag:s31] =	ssyncset.done @!p0 $0x0  }
0x28: {  	s0 =	simm.s32 @!p0 $0x2700;
	[sflag:s31] =	ssyncadd.s32 @!p0 $0xFFFFFF80  }
0x29: {  	[tilespmem:s0], [sflag:$0x5] =	stream.linear.gather @!p0 [hbm4b:s11+s30], $0x80, $0x38;
	[tilespmem:$0x1C780] =	vst v63  }
0x2a: {  	_ =	swait.ge @!p0 [sflag:s31], $0x80  }
0x2b: {  	[sflag:s31] =	ssyncset.done @!p0 $0x0  }
0x2c: {  	[sflag:s31] =	ssyncadd.s32 @!p0 $0xFFFFFF80  }
0x2d: {  	[bflag:$0x0] =	sbarrier.arrive $0xFFFF  }
0x2e: {  	[tilespmem:s19], [sflag:$0x1] =	stream.indirect.gather [spmem:s3], $0x40, s4, s18, $0xb8;
	[tilespmem:$0x1C780] =	vst v63  }
0x2f: {  	s2 =	simm.s32 $0x80  }
0x30: {  	[tilespmem:s20], [sflag:$0x2] =	stream.indirect.gather [spmem:s3], $0x40, s2, s18, $0xb8;
	[tilespmem:$0x1C780] =	vst v63  }
0x31: {  	_ =	swait.ge [sflag:s21], $0x2000  }
0x32: {  	[sflag:s21] =	ssyncset.done $0x0  }
0x33: {  	s16 =	simm.s32 $0x2780;
	[sflag:s21] =	ssyncadd.s32 $0xFFFFE000  }
0x34: {  	[spmem:s1] =	stream.indirect.scatter.add.f32 [tilespmem:s19], [sflag:$0x3], $0x40, s16, s18, $0xb8;
	[tilespmem:$0x1C780] =	vst v63  }
0x35: {  	_ =	swait.ge [sflag:s22], $0x2000  }
0x36: {  	[sflag:s22] =	ssyncset.done $0x0  }
0x37: {  	s2 =	simm.s32 $0x100;
	[sflag:s22] =	ssyncadd.s32 $0xFFFFE000  }
0x38: {  	[tilespmem:s19], [sflag:$0x1] =	stream.indirect.gather [spmem:s3], $0x40, s2, s18, $0xb8;
	[tilespmem:$0x1C780] =	vst v63  }
0x39: {  	_ =	swait.ge [sflag:s23], $0x2000  }
0x3a: {  	[sflag:s23] =	ssyncset.done $0x0  }
0x3b: {  	s16 =	simm.s32 $0x2800;
	[sflag:s23] =	ssyncadd.s32 $0xFFFFE000  }
0x3c: {  	[spmem:s1] =	stream.indirect.scatter.add.f32 [tilespmem:s20], [sflag:$0x4], $0x40, s16, s18, $0xb8;
	[tilespmem:$0x1C780] =	vst v63  }
0x3d: {  	_ =	swait.ge [sflag:s24], $0x2000  }
0x3e: {  	s30 =	simm.s32 $0x100;
	s31 =	simm.s32 $0x800;
	[sflag:s24] =	ssyncset.done $0x0  }
.LBB2_2:
0x3f: {  	s0 =	sadd.s32 $0x80, s30  }
0x40: {  	[sflag:s24] =	ssyncadd.s32 $0xFFFFE000;
	s2 =	smov.u32 s31;
	s16 =	sadd.s32 $0x400, s31  }
0x41: {  	[tilespmem:s20], [sflag:$0x2] =	stream.indirect.gather [spmem:s3], $0x40, s0, s18, $0xb8;
	[tilespmem:$0x1C780] =	vst v63  }
0x42: {  	p1 =	sne.s32 s31, $0x9400;
	_ =	swait.ge [sflag:s21], $0x2000  }
0x43: {  	[sflag:s21] =	ssyncset.done $0x0  }
0x44: {  	s0 =	sadd.s32 $0x2780, s30;
	[sflag:s21] =	ssyncadd.s32 $0xFFFFE000  }
0x45: {  	[spmem:s1] =	stream.indirect.scatter.add.f32 [tilespmem:s19], [sflag:$0x3], $0x40, s0, s18, $0xb8;
	[tilespmem:$0x1C780] =	vst v63  }
0x46: {  	_ =	swait.ge [sflag:s22], $0x2000  }
0x47: {  	[sflag:s22] =	ssyncset.done $0x0  }
0x48: {  	s0 =	sadd.s32 $0x100, s30;
	[sflag:s22] =	ssyncadd.s32 $0xFFFFE000  }
0x49: {  	[tilespmem:s19], [sflag:$0x1] =	stream.indirect.gather [spmem:s3], $0x40, s0, s18, $0xb8;
	[tilespmem:$0x1C780] =	vst v63  }
0x4a: {  	_ =	swait.ge [sflag:s23], $0x2000  }
.Ltmp0:
0x4b: {  	[sflag:s23] =	ssyncset.done $0x0;
	(pc) =	sbr.rel @p1 .LBB2_2-.Ltmp0, $4  }
0x4c: {  	s0 =	sadd.s32 $0x2800, s30;
	[sflag:s23] =	ssyncadd.s32 $0xFFFFE000  }
0x4d: {  	[spmem:s1] =	stream.indirect.scatter.add.f32 [tilespmem:s20], [sflag:$0x4], $0x40, s0, s18, $0xb8;
	[tilespmem:$0x1C780] =	vst v63  }
0x4e: {  	_ =	swait.ge [sflag:s24], $0x2000  }
0x4f: {  	s31 =	smov.u32 s16;
	s30 =	sshra.s32 s2, $0x2;
	[sflag:s24] =	ssyncset.done $0x0  }
0x50: {  	s0 =	sadd.s32 $0x80, s30;
	[sflag:s24] =	ssyncadd.s32 $0xFFFFE000  }
0x51: {  	[tilespmem:s20], [sflag:$0x2] =	stream.indirect.gather [spmem:s3], $0x40, s0, s18, $0xb8;
	[tilespmem:$0x1C780] =	vst v63  }
0x52: {  	_ =	swait.ge [sflag:s21], $0x2000  }
0x53: {  	[sflag:s21] =	ssyncset.done $0x0  }
0x54: {  	s2 =	sadd.s32 $0x2780, s30;
	[sflag:s21] =	ssyncadd.s32 $0xFFFFE000  }
0x55: {  	[spmem:s1] =	stream.indirect.scatter.add.f32 [tilespmem:s19], [sflag:$0x3], $0x40, s2, s18, $0xb8;
	[tilespmem:$0x1C780] =	vst v63  }
0x56: {  	_ =	swait.ge [sflag:s22], $0x2000  }
0x57: {  	[sflag:s22] =	ssyncset.done $0x0  }
0x58: {  	s16 =	sadd.s32 $0x100, s30;
	[sflag:s22] =	ssyncadd.s32 $0xFFFFE000  }
0x59: {  	[tilespmem:s19], [sflag:$0x1] =	stream.indirect.gather [spmem:s3], $0x40, s16, s18, $0xb8;
	[tilespmem:$0x1C780] =	vst v63  }
0x5a: {  	_ =	swait.ge [sflag:s23], $0x2000  }
0x5b: {  	[sflag:s23] =	ssyncset.done $0x0  }
0x5c: {  	s31 =	sadd.s32 $0x2800, s30;
	[sflag:s23] =	ssyncadd.s32 $0xFFFFE000  }
0x5d: {  	[spmem:s1] =	stream.indirect.scatter.add.f32 [tilespmem:s20], [sflag:$0x4], $0x40, s31, s18, $0xb8;
	[tilespmem:$0x1C780] =	vst v63  }
0x5e: {  	_ =	swait.ge [sflag:s24], $0x2000  }
0x5f: {  	[sflag:s24] =	ssyncset.done $0x0  }
0x60: {  	[sflag:s24] =	ssyncadd.s32 $0xFFFFE000  }
0x61: {  	[tilespmem:s20], [sflag:$0x2] =	stream.indirect.gather [spmem:s3], $0x40, s25, s18, $0xb8;
	[tilespmem:$0x1C780] =	vst v63  }
0x62: {  	_ =	swait.ge [sflag:s21], $0x2000  }
0x63: {  	[sflag:s21] =	ssyncset.done $0x0  }
0x64: {  	[sflag:s21] =	ssyncadd.s32 $0xFFFFE000  }
0x65: {  	[spmem:s1] =	stream.indirect.scatter.add.f32 [tilespmem:s19], [sflag:$0x3], $0x40, s26, s18, $0xb8;
	[tilespmem:$0x1C780] =	vst v63  }
0x66: {  	_ =	swait.ge [sflag:s22], $0x2000  }
0x67: {  	[sflag:s22] =	ssyncset.done $0x0  }
0x68: {  	[sflag:s22] =	ssyncadd.s32 $0xFFFFE000  }
0x69: {  	_ =	swait.ge [sflag:s23], $0x2000  }
0x6a: {  	[sflag:s23] =	ssyncset.done $0x0  }
0x6b: {  	[sflag:s23] =	ssyncadd.s32 $0xFFFFE000  }
0x6c: {  	[spmem:s1] =	stream.indirect.scatter.add.f32 [tilespmem:s20], [sflag:$0x4], $0x40, s28, s18, $0xb8;
	[tilespmem:$0x1C780] =	vst v63  }
0x6d: {  	_ =	swait.ge [sflag:s24], $0x2000  }
0x6e: {  	s0 =	simm.s32 @!p0 $0x80;
	[sflag:s24] =	ssyncset.done $0x0  }
0x6f: {  	s2 =	simm.s32 @!p0 $0x2700;
	s16 =	simm.s32 @!p0 $0x4F00;
	[sflag:s24] =	ssyncadd.s32 $0xFFFFE000  }
0x70: {  	[tilespmem:s16], [sflag:$0x1] =	stream.indirect.gather @!p0 [spmem:s3], $0x40, s2, s0, $0xb8;
	[tilespmem:$0x1C780] =	vst v63  }
0x71: {  	s2 =	simm.s32 @!p0 $0x1  }
0x72: {  	_ =	swait.ge @!p0 [sflag:s2], $0x2000  }
0x73: {  	[sflag:s2] =	ssyncset.done @!p0 $0x0  }
0x74: {  	[sflag:s2] =	ssyncadd.s32 @!p0 $0xFFFFE000;
	s2 =	simm.s32 @!p0 $0x4E80  }
0x75: {  	[spmem:s1] =	stream.indirect.scatter.add.f32 @!p0 [tilespmem:s16], [sflag:$0x3], $0x40, s2, s0, $0xb8;
	[tilespmem:$0x1C780] =	vst v63  }
0x76: {  	s0 =	simm.s32 @!p0 $0x3  }
0x77: {  	_ =	swait.ge @!p0 [sflag:s0], $0x2000  }
0x78: {  	s29 =	sadd.s32 $0x1, s29;
	[sflag:s0] =	ssyncset.done @!p0 $0x0  }
0x79: {  	p1 =	sne.s32 s29, s13;
	[sflag:s0] =	ssyncadd.s32 @!p0 $0xFFFFE000  }
.Ltmp1:
0x7a: {  	[bflag:$0x0] =	sbarrier.arrive $0xFFFF;
	(pc) =	sbr.rel @p1 .LBB2_1-.Ltmp1, $4  }
0x7b: {  	[hbm:s12], [sflag:s6] =	dma.local [spmem:s14], $0x1388  }
0x7c: {  	_ =	swait.ge [sflag:s15], $0x1388  }
0x7d: {  	[sflag:s15] =	ssyncset.done $0x0  }
0x7e: {  	[sflag:s15] =	ssyncadd.s32 $0xFFFFEC78  }
0x7f: {  	_ =	sfence.sel $0x180000  }
0x80: {  	[bflag:$0x0] =	sbarrier.arrive $0xFFFF  }
0x81: {  	_ =	strace $0x9000004D  }
0x82: {  	s0 =	stileid.u32;
	[bflag:$0x2] =	sbarrier.arrive $0xFFFF  }
0x83: {  	p0 =	sne.s32 s0, $0x0;
	s0 =	rddreg [dreg:$0x3]  }
0x84: {  	s0 =	sadd.s32 @!p0 $0x100000, s0  }
0x85: {  	[sflag:s0] =	ssyncadd.tile.s32 @!p0 $0x1;
	_ =	shalt  }
.Lfunc_end2:
_tile_overlayer_lowered:
.L_overlay_start_2:
0x86: {  	(tag) =	ssettag $0x2  }
0x87: {  	s0 =	rddreg [dreg:$0x0];
	s2 =	stileid.u32  }
0x88: {  	s1 =	rddreg [dreg:$0x1];
	p0 =	sne.s32 s2, $0x0  }
0x89: {  	s3 =	rddreg [dreg:$0x2];
	[bflag:$0x3] =	sbarrier.arrive $0xFFFF;
	s2 =	simm.s32 @!p0 $0x1C05  }
0x8a: {  	[timem:s3], [sflag:s2] =	dma.local @!p0 [hbm:s0], s1  }
0x8b: {  	s0 =	simm.s32 @!p0 $0x5  }
0x8c: {  	_ =	swait.ge @!p0 [sflag:s0], s1  }
0x8d: {  	s1 =	ssub.s32 @!p0 $0x0, s1;
	[sflag:s0] =	ssyncset.done @!p0 $0x0  }
0x8e: {  	[sflag:s0] =	ssyncadd.s32 @!p0 s1  }
0x8f: {  	[bflag:$0x3] =	sbarrier.arrive $0xFFFF  }
0x90: {  	_ =	shalt  }

// kernel: kernel.20.cloned.1.call-start
scs
__scs_entry_jumppad:
0x0: {  	(pc) =	sbr.rel $0x88, $3  }
0x1: {  	(tag) =	ssettag $0x0;
	lr =	simm.s32 $0x1  }
0x2: {  	[smem:$0x3F8C] =	sst lr;
	_ =	strace $0xD0000000  }
0x3: {  	_ = 	snop  }
0x4: {  	_ = 	snop  }
0x5: {  	_ = 	snop  }
0x6: {  	_ = 	snop  }
0x7: {  	_ = 	snop  }
__scs_overlays_trampoline_lowered:
0x8: {  	[smem:$0x3F9B] =	sst s0  }
0x9: {  	[smem:$0x3F9C] =	sst s1  }
0xa: {  	[smem:$0x3F9D] =	sst s2  }
0xb: {  	[smem:$0x3F9E] =	sst s3  }
0xc: {  	[smem:$0x3F9F] =	sst s4  }
0xd: {  	[smem:$0x3FA0] =	sst s5  }
0xe: {  	[smem:$0x3FA1] =	sst s6  }
0xf: {  	[smem:$0x3FA2] =	sst s7  }
0x10: {  	[smem:$0x3FA3] =	sst s8  }
0x11: {  	[smem:$0x3FA4] =	sst s9;
	s0 =	simm.s32 @!p0 $0x0  }
0x12: {  	s1 =	sld [smem:$0x3F8A];
	s0 =	simm.s32 @p0 $0x1  }
0x13: {  	[smem:$0x3FA5] =	sst s0;
	s0 =	simm.s32 @!p1 $0x0  }
0x14: {  	s2 =	sld [smem:$0x3F89];
	s0 =	simm.s32 @p1 $0x1  }
0x15: {  	[smem:$0x3FA6] =	sst s0;
	s0 =	simm.s32 @!p2 $0x0  }
0x16: {  	s3 =	sld [smem:$0x3FDB];
	s0 =	simm.s32 @p2 $0x1  }
0x17: {  	s4 =	simm.s32 $0x1BF5;
	[smem:$0x3FA8] =	sst s0  }
0x18: {  	s0 =	sld [smem:$0x3F8B];
	_ =	swait.ge [sflag:s4], $0x0  }
0x19: {  	s7 =	sld [smem:$0x3F8C]  }
0x1a: {  	s8 =	sadd.s32 $0xFFFFE003, lr  }
0x1b: {  	s9 =	sadd.s32 $0xFFFFFEF7, lr;
	s5 =	simm.s32 $0xFFFFFFFF;
	p2 =	slt.u32 s8, $0xFFFFF086  }
0x1c: {  	p1 =	slt.u32 s9, $0xF7A;
	s5 =	simm.s32 @!p2 $0x0  }
0x1d: {  	s5 =	simm.s32 @p1 $0x1;
	p0 =	seq.s32 s7, s2  }
0x1e: {  	s7 =	smul.u32 @!p0 $0xF7A, s2;
	p2 =	seq.s32 @!p0 s5, $0x0  }
0x1f: {  	s9 =	smul.u32 $0xF7A, s1;
	s8 =	simm.s32 @!p0 $0x1BF5;
	p2 =	por !p2, p0  }
0x20: {  	[sflag:s8] =	ssyncset.s32 @!p0 $0xFFFFF086;
	s6 =	sadd.s32 @!p0 s3, s7;
	s7 =	simm.s32 @!p0 $0x108  }
0x21: {  	s3 =	sadd.s32 s3, s9;
	s6 =	sadd.s32 @!p0 $0x88, s6;
	s7 =	simm.s32 @p2 $0x1082  }
0x22: {  	[simem:s7], [sflag:s8] =	dma.local @!p0 [hbm:s6], $0xF7A  }
0x23: {  	s9 =	sor.u32 $0xD0000000, s2;
	s6 =	simm.s32 $0x108;
	_ =	swait.ge @!p0 [sflag:s8], $0x0  }
0x24: {  	s3 =	sadd.s32 $0x88, s3;
	s6 =	simm.s32 @!p1 $0x1082;
	[sflag:s4] =	ssyncset.s32 $0xFFFFF086  }
0x25: {  	[simem:s6], [sflag:s4] =	dma.local [hbm:s3], $0xF7A  }
0x26: {  	[smem:$0x3F8C] =	sst s1;
	(tag) =	ssettag s2;
	_ =	strace s9  }
0x27: {  	s1 =	sld [smem:$0x3F9C]  }
0x28: {  	s2 =	sld [smem:$0x3F9D]  }
0x29: {  	s4 =	sld [smem:$0x3F9F]  }
0x2a: {  	p0 =	seq.s32 s5, $0x0;
	s5 =	sld [smem:$0x3FA0]  }
0x2b: {  	s6 =	sld [smem:$0x3FA1]  }
0x2c: {  	s7 =	sld [smem:$0x3FA2]  }
0x2d: {  	s3 =	simm.s32 $0x108;
	s8 =	sld [smem:$0x3FA3]  }
0x2e: {  	s3 =	simm.s32 @!p0 $0x1082;
	s9 =	sld [smem:$0x3FA4]  }
0x2f: {  	lr =	sadd.s32 s0, s3;
	s0 =	sld [smem:$0x3F9B]  }
0x30: {  	s3 =	sld [smem:$0x3F9E]  }
0x31: {  	[smem:$0x3FA7] =	sst s10  }
0x32: {  	s10 =	sld [smem:$0x3FA5];
	_ =	sdelay $0x3  }
0x33: {  	p0 =	seq.s32 s10, $0x1;
	s10 =	sld [smem:$0x3FA7];
	_ =	sdelay $0x3  }
0x34: {  	[smem:$0x3FA7] =	sst s10  }
0x35: {  	s10 =	sld [smem:$0x3FA6];
	_ =	sdelay $0x3  }
0x36: {  	p1 =	seq.s32 s10, $0x1;
	s10 =	sld [smem:$0x3FA7];
	_ =	sdelay $0x3  }
0x37: {  	[smem:$0x3FA7] =	sst s10  }
0x38: {  	s10 =	sld [smem:$0x3FA8]  }
0x39: {  	_ = 	snop;
	(pc) =	sbr.ind lr, $3  }
0x3a: {  	_ = 	snop  }
0x3b: {  	_ = 	snop  }
0x3c: {  	p2 =	seq.s32 s10, $0x1;
	s10 =	sld [smem:$0x3FA7]  }
0x3d: {  	_ =	shalt  }
0x3e: {  	_ =	shalt  }
0x3f: {  	_ =	shalt  }
0x40: {  	_ =	shalt  }
0x41: {  	_ =	shalt  }
0x42: {  	_ =	shalt  }
0x43: {  	_ =	shalt  }
0x44: {  	_ =	shalt  }
0x45: {  	_ =	shalt  }
0x46: {  	_ =	shalt  }
0x47: {  	_ =	shalt  }
0x48: {  	_ =	shalt  }
0x49: {  	_ =	shalt  }
0x4a: {  	_ =	shalt  }
0x4b: {  	_ =	shalt  }
0x4c: {  	_ =	shalt  }
0x4d: {  	_ =	shalt  }
0x4e: {  	_ =	shalt  }
0x4f: {  	_ =	shalt  }
0x50: {  	_ =	shalt  }
0x51: {  	_ =	shalt  }
0x52: {  	_ =	shalt  }
0x53: {  	_ =	shalt  }
0x54: {  	_ =	shalt  }
0x55: {  	_ =	shalt  }
0x56: {  	_ =	shalt  }
0x57: {  	_ =	shalt  }
0x58: {  	_ =	shalt  }
0x59: {  	_ =	shalt  }
0x5a: {  	_ =	shalt  }
0x5b: {  	_ =	shalt  }
0x5c: {  	_ =	shalt  }
0x5d: {  	_ =	shalt  }
0x5e: {  	_ =	shalt  }
0x5f: {  	_ =	shalt  }
0x60: {  	_ =	shalt  }
0x61: {  	_ =	shalt  }
0x62: {  	_ =	shalt  }
0x63: {  	_ =	shalt  }
0x64: {  	_ =	shalt  }
0x65: {  	_ =	shalt  }
0x66: {  	_ =	shalt  }
0x67: {  	_ =	shalt  }
0x68: {  	_ =	shalt  }
0x69: {  	_ =	shalt  }
0x6a: {  	_ =	shalt  }
0x6b: {  	_ =	shalt  }
0x6c: {  	_ =	shalt  }
0x6d: {  	_ =	shalt  }
0x6e: {  	_ =	shalt  }
0x6f: {  	_ =	shalt  }
0x70: {  	_ =	shalt  }
0x71: {  	_ =	shalt  }
0x72: {  	_ =	shalt  }
0x73: {  	_ =	shalt  }
0x74: {  	_ =	shalt  }
0x75: {  	_ =	shalt  }
0x76: {  	_ =	shalt  }
0x77: {  	_ =	shalt  }
0x78: {  	_ =	shalt  }
0x79: {  	_ =	shalt  }
0x7a: {  	_ =	shalt  }
0x7b: {  	_ =	shalt  }
0x7c: {  	_ =	shalt  }
0x7d: {  	_ =	shalt  }
0x7e: {  	_ =	shalt  }
0x7f: {  	_ =	shalt  }
0x80: {  	_ =	shalt  }
0x81: {  	_ =	shalt  }
0x82: {  	_ =	shalt  }
0x83: {  	_ =	shalt  }
0x84: {  	_ =	shalt  }
0x85: {  	_ =	shalt  }
0x86: {  	_ =	shalt  }
0x87: {  	_ =	shalt  }
.Lfunc_end0:
.L_simem_size_0:
called_computation.3_lowered:
.L_overlay_start_0:
0x88: {  	s2 =	sld [smem:$0x3FD9]  }
0x89: {  	s3 =	sld [smem:$0x3FFE];
	_ =	sdelay $0x1  }
0x8a: {  	s1 =	srdreg.scid  }
0x8b: {  	s0 =	sand.u32 $0x1, s1  }
0x8c: {  	s16 =	sshll.u32 s0, $0xA;
	s2 =	sadd.s32 s3, s2  }
0x8d: {  	s2 =	sadd.s32 s2, s16  }
0x8e: {  	[smem:$0x3FB3] =	sst s2  }
0x8f: {  	_ = 	snop  }
0x90: {  	(tm) =	ssettm $0x1  }
0x91: {  	s17 =	sld [smem:$0x3FFB];
	_ =	sdelay $0x3  }
0x92: {  	_ =	strace s17  }
0x93: {  	s2 =	sld [smem:$0x3FFC];
	_ =	sdelay $0x3  }
0x94: {  	_ =	strace s2  }
0x95: {  	s2 =	sld [smem:$0x3FFD];
	_ =	sdelay $0x3  }
0x96: {  	_ =	strace s2  }
0x97: {  	_ =	strace $0x8FFFFFFF  }
0x98: {  	s18 =	sld [smem:$0x3FDB];
	_ =	sdelay $0x1  }
0x99: {  	s19 =	simm.s32 $_scs_section_size  }
0x9a: {  	s4 =	simm.s32 $_size__tile_overlayer_lowered;
	s5 =	simm.s32 $_tile_overlayer_lowered  }
0x9b: {  	s22 =	simm.s32 $0x1BFF;
	s21 =	sshll.u32 s5, $0x1;
	s2 =	sadd.s32 s19, s18  }
0x9c: {  	s6 =	simm.s32 $0x0;
	s20 =	sshll.u32 s4, $0x1;
	s4 =	sadd.s32 s21, s2  }
0x9d: {  	[timem:s6], [sflag:s22] =	dma.local [hbm:s4], s20  }
0x9e: {  	_ =	swait.ge [sflag:s22], s20  }
0x9f: {  	s3 =	ssub.s32 $0x0, s20;
	[sflag:s22] =	ssyncset.done $0x0  }
0xa0: {  	[sflag:s22] =	ssyncadd.s32 s3;
	_ =	sdelay $0x1  }
0xa1: {  	s23 =	simm.s32 $0x1B8B  }
0xa2: {  	_ =	swait.ge [sflag:s23], $0x1  }
0xa3: {  	[sflag:s23] =	ssyncset.done $0x0  }
0xa4: {  	s25 =	simm.s32 $0x1B8E;
	s24 =	sld [smem:$0x3FFE];
	[sflag:s23] =	ssyncadd.s32 $0xFFFFFFFF  }
0xa5: {  	s26 =	simm.s32 $execute0_lowered;
	[smem:$0x3FD2] =	sst s25  }
0xa6: {  	s4 =	sshll.u32 s26, $0x1;
	_ =	strace $0x8000004F;
	[dreg:$0x1] =	wrdreg $0xFFFFFFFF  }
0xa7: {  	s28 =	simm.s32 $_size_execute0_lowered;
	s2 =	sadd.s32 s2, s4;
	[dreg:$0x0] =	wrdreg $0x0  }
0xa8: {  	s4 =	sshll.u32 s28, $0x1;
	[dreg:$0x2] =	wrdreg s2  }
0xa9: {  	[dreg:$0x3] =	wrdreg s4  }
0xaa: {  	[dreg:$0x4] =	wrdreg $0xC0  }
0xab: {  	_ =	task [dreg:s6], $0x5FFFF  }
0xac: {  	[dreg:$0x1] =	wrdreg $0xFFFFFFFF  }
0xad: {  	[dreg:$0x0] =	wrdreg $0x60  }
0xae: {  	[dreg:$0x2] =	wrdreg s24  }
0xaf: {  	[dreg:$0x3] =	wrdreg $0x6F000  }
0xb0: {  	[dreg:$0x4] =	wrdreg $0xBD200  }
0xb1: {  	[dreg:$0x5] =	wrdreg $0x9  }
0xb2: {  	_ =	task.clear_ibuf [dreg:s6], $0x6FFFF;
	_ =	strace $0x9000004F  }
0xb3: {  	s29 =	simm.s32 $0x9;
	_ =	strace $0x80000051  }
0xb4: {  	_ =	swait.ge [sflag:s29], $0x1  }
0xb5: {  	[sflag:s29] =	ssyncadd.s32 $0xFFFFFFFF  }
0xb6: {  	_ =	strace $0x90000051  }
0xb7: {  	_ =	sfence  }
0xb8: {  	s30 =	sld [smem:$0x0];
	_ =	sdelay $0x2  }
0xb9: {  	s31 =	sshll.u32 s1, $0xD;
	s1 =	sshrl.u32 s1, $0x2  }
0xba: {  	s3 =	sand.u32 $0x4000, s31;
	s1 =	sadd.s32 s1, s30  }
0xbb: {  	s0 =	sor.u32 s3, s0;
	s1 =	sshll.u32 s1, $0x11  }
0xbc: {  	s0 =	sor.u32 s1, s0  }
0xbd: {  	s0 =	sadd.s32 $0x8F2B, s0  }
0xbe: {  	[sflag:s0] =	ssyncadd.remote.s32 $0x1  }
0xbf: {  	_ =	sfence.sel $0xFFFF  }
0xc0: {  	[dreg:$0x0] =	wrdreg $0xFFFFFFFF;
	(pc) =	sbr.abs _section_cstart, $3  }
0xc1: {  	[dreg:$0x1] =	wrdreg $0xFFFFFFFF  }
0xc2: {  	_ =	task.clear_ibuf [dreg:s6], $0x2FFFF;
	_ =	strace $0x9FFFFFFF  }
0xc3: {  	(tm) =	ssettm $0x7FFFFFFF  }
tec
execute0_lowered:
.L_overlay_start_1:
0x0: {  	(tag) =	ssettag $0x1  }
0x1: {  	s5 =	rddreg [dreg:$0x0]  }
0x2: {  	s1 =	rddreg [dreg:$0x1];
	s0 =	srdreg.scid  }
0x3: {  	s3 =	rddreg [dreg:$0x2];
	s23 =	stileid.u32  }
0x4: {  	s4 =	simm.s32 $0x0;
	s18 =	simm.s32 $0x80;
	s19 =	simm.s32 $0x4F00  }
0x5: {  	s20 =	simm.s32 $0x5F00;
	s21 =	simm.s32 $0x1;
	s22 =	simm.s32 $0x3  }
0x6: {  	s28 =	simm.s32 $0x4E00;
	s29 =	simm.s32 $0x0;
	s6 =	sand.u32 $0x1, s0  }
0x7: {  	s9 =	smul.u32 $0x4E20, s23;
	[smem:$0x7FF] =	sst s4;
	s31 =	sshll.u32 s23, $0x6  }
0x8: {  	s7 =	sshll.u32 s6, $0x4;
	s11 =	smul.u32 $0x4E200, s6;
	_ =	strace $0x80000050  }
0x9: {  	s6 =	ssub.s32 $0x2, s6;
	s14 =	sor.u32 s23, s7;
	s8 =	sshrl.u32 s9, $0x3  }
0xa: {  	s30 =	sshrl.u32 s6, $0x1;
	s16 =	sadd.s32 s9, s1;
	s17 =	sadd.s32 s9, s3  }
0xb: {  	s23 =	simm.s32 $0x2;
	s7 =	smul.u32 $0x4E, s14;
	s10 =	smin.u32 s14, $0x4  }
0xc: {  	s12 =	sadd.s32 s8, s5;
	s24 =	sadd.s32 s9, s11;
	s15 =	ssub.s32 s6, s30  }
0xd: {  	s6 =	sor.u32 $0x1C05, s31;
	p0 =	sgt.u32 s14, $0x3;
	s14 =	sshrl.u32 s16, $0x3  }
0xe: {  	s17 =	sshrl.u32 s17, $0x3;
	s26 =	sshrl.u32 s24, $0x3;
	s7 =	sadd.s32 s10, s7  }
0xf: {  	s9 =	sadd.s32 $0x17C00, s12;
	s24 =	simm.s32 $0x4;
	s7 =	sshll.u32 s7, $0x4  }
0x10: {  	s13 =	sadd.s32 s26, s5;
	s26 =	simm.s32 $0x4D80;
	s25 =	sadd.s32 s7, s5  }
0x11: {  	s5 =	sadd.s32 $0x21A00, s12;
	s12 =	sadd.s32 $0x2B800, s13;
	s13 =	smax.u32 s15, $0x1  }
0x12: {  	s15 =	simm.s32 $0x5;
	s7 =	sadd.s32 $0xDE40, s25;
	s8 =	sadd.s32 $0x4200, s25  }
0x13: {  	s10 =	sadd.s32 $0xE320, s25;
	s11 =	sadd.s32 $0x46E0, s25;
	s25 =	simm.s32 $0x2680  }
.LBB2_1:
0x14: {  	[spmem:s14], [sflag:s6] =	dma.local [hbm:s5], $0x9C4  }
0x15: {  	_ =	swait.ge [sflag:s15], $0x9C4  }
0x16: {  	[sflag:s15] =	ssyncset.done $0x0  }
0x17: {  	s0 =	simm.s32 $0x2780;
	[sflag:s15] =	ssyncadd.s32 $0xFFFFF63C  }
0x18: {  	[tilespmem:s0], [sflag:$0x5] =	stream.linear.gather [hbm4b:s7+s4], $0x2700, $0x38;
	[tilespmem:$0x10B40] =	vst v63  }
0x19: {  	_ =	swait.ge [sflag:s15], $0x2700  }
0x1a: {  	[sflag:s15] =	ssyncset.done $0x0  }
0x1b: {  	[sflag:s15] =	ssyncadd.s32 $0xFFFFD900  }
0x1c: {  	[tilespmem:s4], [sflag:$0x5] =	stream.linear.gather [hbm4b:s8+s4], $0x2700, $0x38;
	[tilespmem:$0x10B40] =	vst v63  }
0x1d: {  	_ =	swait.ge [sflag:s15], $0x2700  }
0x1e: {  	[sflag:s15] =	ssyncset.done $0x0  }
0x1f: {  	[sflag:s15] =	ssyncadd.s32 $0xFFFFD900  }
0x20: {  	[spmem:s17], [sflag:s6] =	dma.local [hbm:s9], $0x9C4  }
0x21: {  	_ =	swait.ge [sflag:s15], $0x9C4  }
0x22: {  	[sflag:s15] =	ssyncset.done $0x0  }
0x23: {  	s30 =	simm.s32 @!p0 $0x0;
	s31 =	simm.s32 @!p0 $0x4E80;
	[sflag:s15] =	ssyncadd.s32 $0xFFFFF63C  }
0x24: {  	[tilespmem:s31], [sflag:$0x5] =	stream.linear.gather @!p0 [hbm4b:s10+s30], $0x80, $0x38;
	[tilespmem:$0x10B40] =	vst v63  }
0x25: {  	s31 =	simm.s32 @!p0 $0x5  }
0x26: {  	_ =	swait.ge @!p0 [sflag:s31], $0x80  }
0x27: {  	[sflag:s31] =	ssyncset.done @!p0 $0x0  }
0x28: {  	s0 =	simm.s32 @!p0 $0x2700;
	[sflag:s31] =	ssyncadd.s32 @!p0 $0xFFFFFF80  }
0x29: {  	[tilespmem:s0], [sflag:$0x5] =	stream.linear.gather @!p0 [hbm4b:s11+s30], $0x80, $0x38;
	[tilespmem:$0x10B40] =	vst v63  }
0x2a: {  	_ =	swait.ge @!p0 [sflag:s31], $0x80  }
0x2b: {  	[sflag:s31] =	ssyncset.done @!p0 $0x0  }
0x2c: {  	[sflag:s31] =	ssyncadd.s32 @!p0 $0xFFFFFF80  }
0x2d: {  	[bflag:$0x0] =	sbarrier.arrive $0xFFFF  }
0x2e: {  	[tilespmem:s19], [sflag:$0x1] =	stream.indirect.gather [spmem:s3], $0x20, s4, s18, $0xb8;
	[tilespmem:$0x10B40] =	vst v63  }
0x2f: {  	s2 =	simm.s32 $0x80  }
0x30: {  	[tilespmem:s20], [sflag:$0x2] =	stream.indirect.gather [spmem:s3], $0x20, s2, s18, $0xb8;
	[tilespmem:$0x10B40] =	vst v63  }
0x31: {  	_ =	swait.ge [sflag:s21], $0x1000  }
0x32: {  	[sflag:s21] =	ssyncset.done $0x0  }
0x33: {  	s16 =	simm.s32 $0x2780;
	[sflag:s21] =	ssyncadd.s32 $0xFFFFF000  }
0x34: {  	[spmem:s1] =	stream.indirect.scatter.add.f32 [tilespmem:s19], [sflag:$0x3], $0x20, s16, s18, $0xb8;
	[tilespmem:$0x10B40] =	vst v63  }
0x35: {  	_ =	swait.ge [sflag:s22], $0x1000  }
0x36: {  	[sflag:s22] =	ssyncset.done $0x0  }
0x37: {  	s2 =	simm.s32 $0x100;
	[sflag:s22] =	ssyncadd.s32 $0xFFFFF000  }
0x38: {  	[tilespmem:s19], [sflag:$0x1] =	stream.indirect.gather [spmem:s3], $0x20, s2, s18, $0xb8;
	[tilespmem:$0x10B40] =	vst v63  }
0x39: {  	_ =	swait.ge [sflag:s23], $0x1000  }
0x3a: {  	[sflag:s23] =	ssyncset.done $0x0  }
0x3b: {  	s16 =	simm.s32 $0x2800;
	[sflag:s23] =	ssyncadd.s32 $0xFFFFF000  }
0x3c: {  	[spmem:s1] =	stream.indirect.scatter.add.f32 [tilespmem:s20], [sflag:$0x4], $0x20, s16, s18, $0xb8;
	[tilespmem:$0x10B40] =	vst v63  }
0x3d: {  	_ =	swait.ge [sflag:s24], $0x1000  }
0x3e: {  	s30 =	simm.s32 $0x100;
	s31 =	simm.s32 $0x800;
	[sflag:s24] =	ssyncset.done $0x0  }
.LBB2_2:
0x3f: {  	s0 =	sadd.s32 $0x80, s30  }
0x40: {  	[sflag:s24] =	ssyncadd.s32 $0xFFFFF000;
	s2 =	smov.u32 s31;
	s16 =	sadd.s32 $0x400, s31  }
0x41: {  	[tilespmem:s20], [sflag:$0x2] =	stream.indirect.gather [spmem:s3], $0x20, s0, s18, $0xb8;
	[tilespmem:$0x10B40] =	vst v63  }
0x42: {  	p1 =	sne.s32 s31, $0x9400;
	_ =	swait.ge [sflag:s21], $0x1000  }
0x43: {  	[sflag:s21] =	ssyncset.done $0x0  }
0x44: {  	s0 =	sadd.s32 $0x2780, s30;
	[sflag:s21] =	ssyncadd.s32 $0xFFFFF000  }
0x45: {  	[spmem:s1] =	stream.indirect.scatter.add.f32 [tilespmem:s19], [sflag:$0x3], $0x20, s0, s18, $0xb8;
	[tilespmem:$0x10B40] =	vst v63  }
0x46: {  	_ =	swait.ge [sflag:s22], $0x1000  }
0x47: {  	[sflag:s22] =	ssyncset.done $0x0  }
0x48: {  	s0 =	sadd.s32 $0x100, s30;
	[sflag:s22] =	ssyncadd.s32 $0xFFFFF000  }
0x49: {  	[tilespmem:s19], [sflag:$0x1] =	stream.indirect.gather [spmem:s3], $0x20, s0, s18, $0xb8;
	[tilespmem:$0x10B40] =	vst v63  }
0x4a: {  	_ =	swait.ge [sflag:s23], $0x1000  }
.Ltmp0:
0x4b: {  	[sflag:s23] =	ssyncset.done $0x0;
	(pc) =	sbr.rel @p1 .LBB2_2-.Ltmp0, $4  }
0x4c: {  	s0 =	sadd.s32 $0x2800, s30;
	[sflag:s23] =	ssyncadd.s32 $0xFFFFF000  }
0x4d: {  	[spmem:s1] =	stream.indirect.scatter.add.f32 [tilespmem:s20], [sflag:$0x4], $0x20, s0, s18, $0xb8;
	[tilespmem:$0x10B40] =	vst v63  }
0x4e: {  	_ =	swait.ge [sflag:s24], $0x1000  }
0x4f: {  	s31 =	smov.u32 s16;
	s30 =	sshra.s32 s2, $0x2;
	[sflag:s24] =	ssyncset.done $0x0  }
0x50: {  	s0 =	sadd.s32 $0x80, s30;
	[sflag:s24] =	ssyncadd.s32 $0xFFFFF000  }
0x51: {  	[tilespmem:s20], [sflag:$0x2] =	stream.indirect.gather [spmem:s3], $0x20, s0, s18, $0xb8;
	[tilespmem:$0x10B40] =	vst v63  }
0x52: {  	_ =	swait.ge [sflag:s21], $0x1000  }
0x53: {  	[sflag:s21] =	ssyncset.done $0x0  }
0x54: {  	s2 =	sadd.s32 $0x2780, s30;
	[sflag:s21] =	ssyncadd.s32 $0xFFFFF000  }
0x55: {  	[spmem:s1] =	stream.indirect.scatter.add.f32 [tilespmem:s19], [sflag:$0x3], $0x20, s2, s18, $0xb8;
	[tilespmem:$0x10B40] =	vst v63  }
0x56: {  	_ =	swait.ge [sflag:s22], $0x1000  }
0x57: {  	[sflag:s22] =	ssyncset.done $0x0  }
0x58: {  	s16 =	sadd.s32 $0x100, s30;
	[sflag:s22] =	ssyncadd.s32 $0xFFFFF000  }
0x59: {  	[tilespmem:s19], [sflag:$0x1] =	stream.indirect.gather [spmem:s3], $0x20, s16, s18, $0xb8;
	[tilespmem:$0x10B40] =	vst v63  }
0x5a: {  	_ =	swait.ge [sflag:s23], $0x1000  }
0x5b: {  	[sflag:s23] =	ssyncset.done $0x0  }
0x5c: {  	s31 =	sadd.s32 $0x2800, s30;
	[sflag:s23] =	ssyncadd.s32 $0xFFFFF000  }
0x5d: {  	[spmem:s1] =	stream.indirect.scatter.add.f32 [tilespmem:s20], [sflag:$0x4], $0x20, s31, s18, $0xb8;
	[tilespmem:$0x10B40] =	vst v63  }
0x5e: {  	_ =	swait.ge [sflag:s24], $0x1000  }
0x5f: {  	[sflag:s24] =	ssyncset.done $0x0  }
0x60: {  	[sflag:s24] =	ssyncadd.s32 $0xFFFFF000  }
0x61: {  	[tilespmem:s20], [sflag:$0x2] =	stream.indirect.gather [spmem:s3], $0x20, s25, s18, $0xb8;
	[tilespmem:$0x10B40] =	vst v63  }
0x62: {  	_ =	swait.ge [sflag:s21], $0x1000  }
0x63: {  	[sflag:s21] =	ssyncset.done $0x0  }
0x64: {  	[sflag:s21] =	ssyncadd.s32 $0xFFFFF000  }
0x65: {  	[spmem:s1] =	stream.indirect.scatter.add.f32 [tilespmem:s19], [sflag:$0x3], $0x20, s26, s18, $0xb8;
	[tilespmem:$0x10B40] =	vst v63  }
0x66: {  	_ =	swait.ge [sflag:s22], $0x1000  }
0x67: {  	[sflag:s22] =	ssyncset.done $0x0  }
0x68: {  	[sflag:s22] =	ssyncadd.s32 $0xFFFFF000  }
0x69: {  	_ =	swait.ge [sflag:s23], $0x1000  }
0x6a: {  	[sflag:s23] =	ssyncset.done $0x0  }
0x6b: {  	[sflag:s23] =	ssyncadd.s32 $0xFFFFF000  }
0x6c: {  	[spmem:s1] =	stream.indirect.scatter.add.f32 [tilespmem:s20], [sflag:$0x4], $0x20, s28, s18, $0xb8;
	[tilespmem:$0x10B40] =	vst v63  }
0x6d: {  	_ =	swait.ge [sflag:s24], $0x1000  }
0x6e: {  	s0 =	simm.s32 @!p0 $0x80;
	[sflag:s24] =	ssyncset.done $0x0  }
0x6f: {  	s2 =	simm.s32 @!p0 $0x2700;
	s16 =	simm.s32 @!p0 $0x4F00;
	[sflag:s24] =	ssyncadd.s32 $0xFFFFF000  }
0x70: {  	[tilespmem:s16], [sflag:$0x1] =	stream.indirect.gather @!p0 [spmem:s3], $0x20, s2, s0, $0xb8;
	[tilespmem:$0x10B40] =	vst v63  }
0x71: {  	s2 =	simm.s32 @!p0 $0x1  }
0x72: {  	_ =	swait.ge @!p0 [sflag:s2], $0x1000  }
0x73: {  	[sflag:s2] =	ssyncset.done @!p0 $0x0  }
0x74: {  	[sflag:s2] =	ssyncadd.s32 @!p0 $0xFFFFF000;
	s2 =	simm.s32 @!p0 $0x4E80  }
0x75: {  	[spmem:s1] =	stream.indirect.scatter.add.f32 @!p0 [tilespmem:s16], [sflag:$0x3], $0x20, s2, s0, $0xb8;
	[tilespmem:$0x10B40] =	vst v63  }
0x76: {  	s0 =	simm.s32 @!p0 $0x3  }
0x77: {  	_ =	swait.ge @!p0 [sflag:s0], $0x1000  }
0x78: {  	s29 =	sadd.s32 $0x1, s29;
	[sflag:s0] =	ssyncset.done @!p0 $0x0  }
0x79: {  	p1 =	sne.s32 s29, s13;
	[sflag:s0] =	ssyncadd.s32 @!p0 $0xFFFFF000  }
.Ltmp1:
0x7a: {  	[bflag:$0x0] =	sbarrier.arrive $0xFFFF;
	(pc) =	sbr.rel @p1 .LBB2_1-.Ltmp1, $4  }
0x7b: {  	[hbm:s12], [sflag:s6] =	dma.local [spmem:s14], $0x9C4  }
0x7c: {  	_ =	swait.ge [sflag:s15], $0x9C4  }
0x7d: {  	[sflag:s15] =	ssyncset.done $0x0  }
0x7e: {  	[sflag:s15] =	ssyncadd.s32 $0xFFFFF63C  }
0x7f: {  	_ =	sfence.sel $0x180000  }
0x80: {  	[bflag:$0x0] =	sbarrier.arrive $0xFFFF  }
0x81: {  	_ =	strace $0x90000050  }
0x82: {  	s0 =	stileid.u32;
	[bflag:$0x2] =	sbarrier.arrive $0xFFFF  }
0x83: {  	p0 =	sne.s32 s0, $0x0;
	s0 =	rddreg [dreg:$0x3]  }
0x84: {  	s0 =	sadd.s32 @!p0 $0x100000, s0  }
0x85: {  	[sflag:s0] =	ssyncadd.tile.s32 @!p0 $0x1;
	_ =	shalt  }
.Lfunc_end2:
_tile_overlayer_lowered:
.L_overlay_start_2:
0x86: {  	(tag) =	ssettag $0x2  }
0x87: {  	s0 =	rddreg [dreg:$0x0];
	s2 =	stileid.u32  }
0x88: {  	s1 =	rddreg [dreg:$0x1];
	p0 =	sne.s32 s2, $0x0  }
0x89: {  	s3 =	rddreg [dreg:$0x2];
	[bflag:$0x3] =	sbarrier.arrive $0xFFFF;
	s2 =	simm.s32 @!p0 $0x1C05  }
0x8a: {  	[timem:s3], [sflag:s2] =	dma.local @!p0 [hbm:s0], s1  }
0x8b: {  	s0 =	simm.s32 @!p0 $0x5  }
0x8c: {  	_ =	swait.ge @!p0 [sflag:s0], s1  }
0x8d: {  	s1 =	ssub.s32 @!p0 $0x0, s1;
	[sflag:s0] =	ssyncset.done @!p0 $0x0  }
0x8e: {  	[sflag:s0] =	ssyncadd.s32 @!p0 s1  }
0x8f: {  	[bflag:$0x3] =	sbarrier.arrive $0xFFFF  }
0x90: {  	_ =	shalt  }

</sc_bundles>
